<compile_context>
chip_gen: v7x
topology: tpu7x:2x2x1
jax: 0.10.2.dev20260603
libtpu: 0.0.44.dev20260713+nightly
codegen_flags: <defaults>
</compile_context>

<pallas_src>
import functools

import jax
import jax.numpy as jnp
from jax import lax
from jax.experimental import pallas as pl
from jax.experimental.pallas import tpu as pltpu
from jax.experimental.pallas import tpu_sc as plsc

_RATIO = 0.25
_K = 32
_QT = 8
_LANES = 128
_W = 512
_BIG = 2**30


def _mm_body(xp_ref, w_ref, g_ref):
    g_ref[...] = jnp.dot(xp_ref[...], w_ref[...],
                         preferred_element_type=jnp.float32)


def _g_matmul(xp, W, rows=2000):
    n, d = xp.shape
    dout = W.shape[1]
    return pl.pallas_call(
        _mm_body,
        grid=(n // rows,),
        in_specs=[pl.BlockSpec((rows, d), lambda i: (i, 0)),
                  pl.BlockSpec((d, dout), lambda i: (0, 0))],
        out_specs=pl.BlockSpec((rows, dout), lambda i: (i, 0)),
        out_shape=jax.ShapeDtypeStruct((n, dout), jnp.float32),
    )(xp, W)


def _knn_body(bounds_ref, pos_t_ref, posq_ref, qs_ref, qe_ref, col_ref,
              d2_ref, *, n):
    i = pl.program_id(0)
    clo = bounds_ref[i, 0]
    chi = bounds_ref[i, 1]

    qx = posq_ref[:, 0:1]
    qy = posq_ref[:, 1:2]
    qz = posq_ref[:, 2:3]
    qs = qs_ref[...]
    qe = qe_ref[...]
    iota = jax.lax.broadcasted_iota(jnp.int32, (_QT, _W), 1)
    inf = jnp.float32(jnp.inf)

    def fill(c, _):
        o = pl.multiple_of(c * _W, _W)
        px = pos_t_ref[0:1, pl.ds(o, _W)]
        py = pos_t_ref[1:2, pl.ds(o, _W)]
        pz = pos_t_ref[2:3, pl.ds(o, _W)]
        dx = qx - px
        dy = qy - py
        dz = qz - pz
        d2 = dx * dx + dy * dy + dz * dz
        gidx = iota + c * _W
        ok = (gidx >= qs) & (gidx < qe)
        d2_ref[:, pl.ds(o, _W)] = jnp.where(ok, d2, inf)
        return 0

    jax.lax.fori_loop(clo, chi, fill, 0)

    lv = jnp.full((_QT, 1), -jnp.inf, jnp.float32)
    li = jnp.full((_QT, 1), -1, jnp.int32)
    for k in range(_K):
        def scan(c, carry):
            mv, mi = carry
            o = pl.multiple_of(c * _W, _W)
            d2 = d2_ref[:, pl.ds(o, _W)]
            gidx = iota + c * _W
            elig = (d2 > lv) | ((d2 == lv) & (gidx > li))
            take = elig & (d2 < mv)
            mi = jnp.where(take, gidx, mi)
            mv = jnp.where(take, d2, mv)
            return mv, mi

        mv0 = jnp.full((_QT, _W), jnp.inf, jnp.float32)
        mi0 = jnp.full((_QT, _W), _BIG, jnp.int32)
        mv, mi = jax.lax.fori_loop(clo, chi, scan, (mv0, mi0))
        m = jnp.min(mv, axis=1, keepdims=True)
        bi = jnp.min(jnp.where(mv == m, mi, _BIG), axis=1, keepdims=True)
        col_ref[:, k:k + 1] = jnp.minimum(bi, n - 1)
        lv, li = m, bi


def _knn_pallas(pos_t, pos_qp, qs, qe, bounds, n):
    nqp = pos_qp.shape[0]
    npad = pos_t.shape[1]
    nsteps = nqp // _QT
    return pl.pallas_call(
        functools.partial(_knn_body, n=n),
        grid=(nsteps,),
        in_specs=[
            pl.BlockSpec(memory_space=pltpu.SMEM),
            pl.BlockSpec((3, npad), lambda i: (0, 0)),
            pl.BlockSpec((_QT, 3), lambda i: (i, 0)),
            pl.BlockSpec((_QT, 1), lambda i: (i, 0)),
            pl.BlockSpec((_QT, 1), lambda i: (i, 0)),
        ],
        out_specs=pl.BlockSpec((_QT, _K), lambda i: (i, 0)),
        out_shape=jax.ShapeDtypeStruct((nqp, _K), jnp.int32),
        scratch_shapes=[pltpu.VMEM((_QT, npad), jnp.float32)],
    )(bounds, pos_t, pos_qp, qs, qe)


def _ld16(ref2d, r, c):
    return ref2d[r, pl.ds(c, 16)]


def _conv_sc(g, col_flat, adj_flat, nqp, dout):
    nw = 32
    bq = 4
    nq_w = nqp // nw
    nb = nq_w // bq
    mesh = plsc.VectorSubcoreMesh(core_axis_name="c", subcore_axis_name="s")

    @functools.partial(
        pl.kernel, mesh=mesh,
        out_type=jax.ShapeDtypeStruct((nqp * dout,), jnp.float32),
        scratch_types=[
            pltpu.VMEM((bq * _K,), jnp.int32),
            pltpu.VMEM((bq * _K, dout), jnp.float32),
            pltpu.VMEM((bq * dout,), jnp.float32),
            pltpu.VMEM((bq * dout,), jnp.float32),
            pltpu.SemaphoreType.DMA,
        ])
    def conv(g_hbm, colf_hbm, adjf_hbm, outf_hbm, idx_v, rows_v, adj_v,
             outb_v, sem):
        wid = lax.axis_index("s") * 2 + lax.axis_index("c")
        base_q = wid * nq_w

        def batch_body(bi, _):
            q0 = base_q + bi * bq
            pltpu.sync_copy(colf_hbm.at[pl.ds(q0 * _K, bq * _K)], idx_v)
            pltpu.async_copy(g_hbm.at[idx_v], rows_v, sem).wait()
            pltpu.sync_copy(adjf_hbm.at[pl.ds(q0 * dout, bq * dout)], adj_v)
            for q in range(bq):
                neg = jnp.full((16,), -jnp.inf, jnp.float32)

                def red(j, accs):
                    return tuple(
                        jnp.maximum(accs[t], _ld16(rows_v, q * _K + j, 16 * t))
                        for t in range(dout // 16))

                accs = lax.fori_loop(0, _K, red, (neg,) * (dout // 16))
                for t in range(dout // 16):
                    a = adj_v[pl.ds(q * dout + 16 * t, 16)]
                    outb_v[pl.ds(q * dout + 16 * t, 16)] = (
                        jnp.maximum(accs[t] + a, 0.0))
            pltpu.sync_copy(outb_v,
                            outf_hbm.at[pl.ds(q0 * dout, bq * dout)])
            return 0

        lax.fori_loop(0, nb, batch_body, 0)

    return conv(g, col_flat, adj_flat).reshape(nqp, dout)


def kernel(x, pos, batch, W, b):
    n, d = x.shape
    num_idxs = int(n * _RATIO)
    perm = jax.random.permutation(jax.random.key(42), n)[:num_idxs]
    idx = jnp.sort(perm)
    pos_q = jnp.take(pos, idx, axis=0)
    batch_q = jnp.take(batch, idx, axis=0)

    nqp = ((num_idxs + 255) // 256) * 256
    qs = jnp.searchsorted(batch, batch_q, side="left").astype(jnp.int32)
    qe = jnp.searchsorted(batch, batch_q, side="right").astype(jnp.int32)
    pad = nqp - num_idxs
    qs_p = jnp.pad(qs, (0, pad))
    qe_p = jnp.pad(qe, (0, pad))
    pos_qp = jnp.pad(pos_q, ((0, pad), (0, 0)))

    npad = ((n + _W - 1) // _W) * _W
    pos_t = jnp.pad(pos.T, ((0, 0), (0, npad - n)))

    nsteps = nqp // _QT
    qs_t = qs_p.reshape(nsteps, _QT)
    qe_t = qe_p.reshape(nsteps, _QT)
    bounds = jnp.stack(
        [qs_t.min(axis=1) // _W,
         (qe_t.max(axis=1) + _W - 1) // _W], axis=1).astype(jnp.int32)

    col = _knn_pallas(pos_t, pos_qp, qs_p[:, None], qe_p[:, None], bounds, n)

    g = _g_matmul(jnp.concatenate([x, pos], axis=1), W)
    adj = b[None, :] - _g_matmul(pos_qp, W[d:], rows=nqp // 8)
    out_p = _conv_sc(g, col.reshape(-1), adj.reshape(-1), nqp, W.shape[1])
    out = out_p[:num_idxs]
    return (out, pos_q, batch_q)

# --- scband reference (transcript-rebuilt; emitter-appended) ---
"""Pipeline reference for scband-samodule-26834955666008 (READ-ONLY COPY).

The authoritative reference and input builder live on the scoring server;
editing this copy changes nothing except your own understanding.
"""

import jax, jax.numpy as jnp
import numpy as np

RATIO = 0.25
K = 32
N = 50000
D = 128
NUM_BATCH = 4
CHUNK = 1250


def setup_inputs(seed: int = 0) -> dict:
    key = jax.random.key(seed)
    k1, k2, k3, k4 = jax.random.split(key, 4)
    x = jax.random.normal(k1, (N, D), dtype=jnp.float32)
    pos = jax.random.uniform(k2, (N, 3), dtype=jnp.float32)
    batch = jnp.sort(jax.random.randint(k3, (N,), 0, NUM_BATCH)).astype(jnp.int32)
    # PointNetConv2 inner nn: Linear(D+3 -> 128) + ReLU
    W = jax.random.normal(k4, (D + 3, 128), dtype=jnp.float32) * (1.0 / np.sqrt(D + 3))
    b = jnp.zeros((128,), dtype=jnp.float32)
    return {"x": x, "pos": pos, "batch": batch, "W": W, "b": b}


def _knn(pos, batch, pos_q, batch_q, k):
    # batch-aware kNN (fast-knn grouping), chunked over queries to bound memory
    nq = pos_q.shape[0]
    qs = pos_q.reshape(nq // CHUNK, CHUNK, 3)
    bqs = batch_q.reshape(nq // CHUNK, CHUNK)

    def body(args):
        q, bq = args
        d2 = jnp.sum((q[:, None, :] - pos[None, :, :]) ** 2, axis=-1)
        d2 = jnp.where(bq[:, None] != batch[None, :], jnp.inf, d2)
        _, idx = jax.lax.top_k(-d2, k)
        return idx

    return jax.lax.map(body, (qs, bqs)).reshape(nq, k)


def reference(x, pos, batch, W, b):
    n = pos.shape[0]
    num_idxs = int(n * RATIO)
    # downsample_type == 'random': randperm then sort
    perm = jax.random.permutation(jax.random.key(42), n)[:num_idxs]
    idx = jnp.sort(perm)
    pos_q = jnp.take(pos, idx, axis=0)
    batch_q = jnp.take(batch, idx, axis=0)
    # fast kNN grouping: row = dst centroid ids, col = src ids in full cloud
    nn_idx = _knn(pos, batch, pos_q, batch_q, K)
    col = nn_idx.reshape(-1)
    row = jnp.repeat(jnp.arange(num_idxs), K)
    # PointNetConv2: h_j = nn([x_j, pos_j - pos_i]); max-aggregate over dst
    x_j = jnp.take(x, col, axis=0)
    rel = jnp.take(pos, col, axis=0) - jnp.take(pos_q, row, axis=0)
    feat = jnp.concatenate([x_j, rel], axis=-1)
    h = jax.nn.relu(feat @ W + b)
    out = jax.ops.segment_max(h, row, num_segments=num_idxs)
    return (out, pos_q, batch_q)

if __name__ == "__main__":
    import jax
    _d = setup_inputs()
    print(jax.jit(kernel)(*tuple(_d.values())))

</pallas_src>

<mosaic_0001>
#map = affine_map<(d0, d1) -> (0, 0)>
#map1 = affine_map<(d0, d1) -> (0)>
module attributes {stable_mosaic.version = 14 : i64} {
  func.func @conv(%arg0: i32, %arg1: i32, %arg2: memref<50000x128xf32, #tpu.memory_space<hbm>>, %arg3: memref<401408xi32, #tpu.memory_space<hbm>>, %arg4: memref<1605632xf32, #tpu.memory_space<hbm>>, %arg5: memref<1605632xf32, #tpu.memory_space<hbm>>, %arg6: memref<128xi32, #tpu.memory_space<vmem>>, %arg7: memref<128x128xf32, #tpu.memory_space<vmem>>, %arg8: memref<512xf32, #tpu.memory_space<vmem>>, %arg9: memref<512xf32, #tpu.memory_space<vmem>>, %arg10: memref<!tpu.dma_semaphore, #tpu.memory_space<semaphore_mem>>) attributes {dimension_semantics = [#tpu.dimension_semantics<core_parallel>, #tpu.dimension_semantics<subcore_parallel>], iteration_bounds = array<i64: 2, 16>, scalar_prefetch = 0 : i64, scratch_operands = 5 : i64, tpu.core_type = #tpu.core_type<sc_vector_subcore>, window_params = [{transform_indices = #map}, {transform_indices = #map1}, {transform_indices = #map1}, {transform_indices = #map1}]} {
    %mul3A = arith.constant 2 : i32
    %mul3A_0 = arith.muli %arg1, %mul3A : i32
    %add3A = arith.addi %mul3A_0, %arg0 : i32
    %mul3A_1 = arith.constant 392 : i32
    %mul3A_2 = arith.muli %add3A, %mul3A_1 : i32
    %scan3A = arith.constant 0 : i32
    %scan3A_3 = arith.constant 0 : i32
    %scan3A_4 = arith.constant 98 : i32
    %scan3A_5 = arith.addi %scan3A_3, %scan3A_4 : i32
    %scan3A_6 = arith.constant 1 : i32
    %scan3A_7 = scf.for %scan3A_9 = %scan3A_3 to %scan3A_5 step %scan3A_6 iter_args(%scan3A_10 = %scan3A) -> (i32)  : i32 {
      %mul3A_11 = arith.constant 4 : i32
      %mul3A_12 = arith.muli %scan3A_9, %mul3A_11 : i32
      %add3A_13 = arith.addi %mul3A_2, %mul3A_12 : i32
      %mul3A_14 = arith.constant 32 : i32
      %mul3A_15 = arith.muli %add3A_13, %mul3A_14 : i32
      "tpu.region"() ({
        %run_scoped3A = tpu.sem_alloc : memref<!tpu.dma_semaphore, #tpu.memory_space<semaphore_mem>>
        %dma_start3A_405 = tpu.memref_slice %arg3[%mul3A_15] : memref<401408xi32, #tpu.memory_space<hbm>> -> memref<128xi32, #tpu.memory_space<hbm>>
        %dma_start3A_406 = tpu.memref_slice %arg3[%mul3A_15] : memref<401408xi32, #tpu.memory_space<hbm>> -> memref<128xi32, #tpu.memory_space<hbm>>
        tpu.enqueue_dma source(%dma_start3A_406 : memref<128xi32, #tpu.memory_space<hbm>>) target(%arg6 : memref<128xi32, #tpu.memory_space<vmem>>) target_semaphore(%run_scoped3A : memref<!tpu.dma_semaphore, #tpu.memory_space<semaphore_mem>>)
        %dma_wait3A_407 = tpu.memref_slice %arg3[%mul3A_15] : memref<401408xi32, #tpu.memory_space<hbm>> -> memref<128xi32, #tpu.memory_space<hbm>>
        %dma_wait3A_408 = tpu.memref_slice %arg3[%mul3A_15] : memref<401408xi32, #tpu.memory_space<hbm>> -> memref<128xi32, #tpu.memory_space<hbm>>
        tpu.wait_dma2 semaphore(%run_scoped3A : memref<!tpu.dma_semaphore, #tpu.memory_space<semaphore_mem>>) src(%dma_wait3A_408 : memref<128xi32, #tpu.memory_space<hbm>>) dst(%arg6 : memref<128xi32, #tpu.memory_space<vmem>>)
        tpu.yield
      }) : () -> ()
      %dma_start3A = arith.constant 0 : i32
      %dma_start3A_16 = arith.constant 0 : i32
      %dma_start3A_17 = tpu.memref_slice %arg2[%dma_start3A, %dma_start3A_16] : memref<50000x128xf32, #tpu.memory_space<hbm>> -> memref<50000x128xf32, #tpu.memory_space<hbm>>
      tpu.enqueue_indirect_dma source(%dma_start3A_17 : memref<50000x128xf32, #tpu.memory_space<hbm>>) target(%arg7 : memref<128x128xf32, #tpu.memory_space<vmem>>) offsets(%arg6 : memref<128xi32, #tpu.memory_space<vmem>>) semaphore(%arg10 : memref<!tpu.dma_semaphore, #tpu.memory_space<semaphore_mem>>)
      %dma_wait3A = arith.constant 0 : i32
      %dma_wait3A_18 = arith.constant 0 : i32
      %dma_wait3A_19 = tpu.memref_slice %arg2[%dma_wait3A, %dma_wait3A_18] : memref<50000x128xf32, #tpu.memory_space<hbm>> -> memref<50000x128xf32, #tpu.memory_space<hbm>>
      tpu.wait_indirect_dma semaphore(%arg10 : memref<!tpu.dma_semaphore, #tpu.memory_space<semaphore_mem>>) src(%dma_wait3A_19 : memref<50000x128xf32, #tpu.memory_space<hbm>>) dst(%arg7 : memref<128x128xf32, #tpu.memory_space<vmem>>)
      %mul3A_20 = arith.constant 128 : i32
      %mul3A_21 = arith.muli %add3A_13, %mul3A_20 : i32
      "tpu.region"() ({
        %run_scoped3A = tpu.sem_alloc : memref<!tpu.dma_semaphore, #tpu.memory_space<semaphore_mem>>
        %dma_start3A_405 = tpu.memref_slice %arg4[%mul3A_21] : memref<1605632xf32, #tpu.memory_space<hbm>> -> memref<512xf32, #tpu.memory_space<hbm>>
        %dma_start3A_406 = tpu.memref_slice %arg4[%mul3A_21] : memref<1605632xf32, #tpu.memory_space<hbm>> -> memref<512xf32, #tpu.memory_space<hbm>>
        tpu.enqueue_dma source(%dma_start3A_406 : memref<512xf32, #tpu.memory_space<hbm>>) target(%arg8 : memref<512xf32, #tpu.memory_space<vmem>>) target_semaphore(%run_scoped3A : memref<!tpu.dma_semaphore, #tpu.memory_space<semaphore_mem>>)
        %dma_wait3A_407 = tpu.memref_slice %arg4[%mul3A_21] : memref<1605632xf32, #tpu.memory_space<hbm>> -> memref<512xf32, #tpu.memory_space<hbm>>
        %dma_wait3A_408 = tpu.memref_slice %arg4[%mul3A_21] : memref<1605632xf32, #tpu.memory_space<hbm>> -> memref<512xf32, #tpu.memory_space<hbm>>
        tpu.wait_dma2 semaphore(%run_scoped3A : memref<!tpu.dma_semaphore, #tpu.memory_space<semaphore_mem>>) src(%dma_wait3A_408 : memref<512xf32, #tpu.memory_space<hbm>>) dst(%arg8 : memref<512xf32, #tpu.memory_space<vmem>>)
        tpu.yield
      }) : () -> ()
      %broadcast_in_dim3A = arith.constant 0xFF800000 : f32
      %broadcast_in_dim3A_22 = vector.broadcast %broadcast_in_dim3A : f32 to vector<16xf32>
      %scan3A_23 = arith.constant 0 : i32
      %scan3A_24 = arith.constant 32 : i32
      %scan3A_25 = arith.addi %scan3A_23, %scan3A_24 : i32
      %scan3A_26 = arith.constant 1 : i32
      %scan3A_27:8 = scf.for %scan3A_405 = %scan3A_23 to %scan3A_25 step %scan3A_26 iter_args(%scan3A_406 = %broadcast_in_dim3A_22, %scan3A_407 = %broadcast_in_dim3A_22, %scan3A_408 = %broadcast_in_dim3A_22, %scan3A_409 = %broadcast_in_dim3A_22, %scan3A_410 = %broadcast_in_dim3A_22, %scan3A_411 = %broadcast_in_dim3A_22, %scan3A_412 = %broadcast_in_dim3A_22, %scan3A_413 = %broadcast_in_dim3A_22) -> (vector<16xf32>, vector<16xf32>, vector<16xf32>, vector<16xf32>, vector<16xf32>, vector<16xf32>, vector<16xf32>, vector<16xf32>)  : i32 {
        %add3A_414 = arith.constant 0 : i32
        %add3A_415 = arith.addi %add3A_414, %scan3A_405 : i32
        %get3A_416 = arith.index_cast %add3A_415 : i32 to index
        %get3A_417 = arith.constant 0 : index
        %get3A_418 = tpu.vector_load %arg7[%get3A_416, %get3A_417] {strides = array<i32>} : memref<128x128xf32, #tpu.memory_space<vmem>>, vector<1x16xf32>,
        %get3A_419 = vector.shape_cast %get3A_418 : vector<1x16xf32> to vector<16xf32>
        %max3A_420 = arith.maximumf %scan3A_406, %get3A_419 : vector<16xf32>
        %add3A_421 = arith.constant 0 : i32
        %add3A_422 = arith.addi %add3A_421, %scan3A_405 : i32
        %get3A_423 = arith.index_cast %add3A_422 : i32 to index
        %get3A_424 = arith.constant 16 : index
        %get3A_425 = tpu.vector_load %arg7[%get3A_423, %get3A_424] {strides = array<i32>} : memref<128x128xf32, #tpu.memory_space<vmem>>, vector<1x16xf32>,
        %get3A_426 = vector.shape_cast %get3A_425 : vector<1x16xf32> to vector<16xf32>
        %max3A_427 = arith.maximumf %scan3A_407, %get3A_426 : vector<16xf32>
        %add3A_428 = arith.constant 0 : i32
        %add3A_429 = arith.addi %add3A_428, %scan3A_405 : i32
        %get3A_430 = arith.index_cast %add3A_429 : i32 to index
        %get3A_431 = arith.constant 32 : index
        %get3A_432 = tpu.vector_load %arg7[%get3A_430, %get3A_431] {strides = array<i32>} : memref<128x128xf32, #tpu.memory_space<vmem>>, vector<1x16xf32>,
        %get3A_433 = vector.shape_cast %get3A_432 : vector<1x16xf32> to vector<16xf32>
        %max3A_434 = arith.maximumf %scan3A_408, %get3A_433 : vector<16xf32>
        %add3A_435 = arith.constant 0 : i32
        %add3A_436 = arith.addi %add3A_435, %scan3A_405 : i32
        %get3A_437 = arith.index_cast %add3A_436 : i32 to index
        %get3A_438 = arith.constant 48 : index
        %get3A_439 = tpu.vector_load %arg7[%get3A_437, %get3A_438] {strides = array<i32>} : memref<128x128xf32, #tpu.memory_space<vmem>>, vector<1x16xf32>,
        %get3A_440 = vector.shape_cast %get3A_439 : vector<1x16xf32> to vector<16xf32>
        %max3A_441 = arith.maximumf %scan3A_409, %get3A_440 : vector<16xf32>
        %add3A_442 = arith.constant 0 : i32
        %add3A_443 = arith.addi %add3A_442, %scan3A_405 : i32
        %get3A_444 = arith.index_cast %add3A_443 : i32 to index
        %get3A_445 = arith.constant 64 : index
        %get3A_446 = tpu.vector_load %arg7[%get3A_444, %get3A_445] {strides = array<i32>} : memref<128x128xf32, #tpu.memory_space<vmem>>, vector<1x16xf32>,
        %get3A_447 = vector.shape_cast %get3A_446 : vector<1x16xf32> to vector<16xf32>
        %max3A_448 = arith.maximumf %scan3A_410, %get3A_447 : vector<16xf32>
        %add3A_449 = arith.constant 0 : i32
        %add3A_450 = arith.addi %add3A_449, %scan3A_405 : i32
        %get3A_451 = arith.index_cast %add3A_450 : i32 to index
        %get3A_452 = arith.constant 80 : index
        %get3A_453 = tpu.vector_load %arg7[%get3A_451, %get3A_452] {strides = array<i32>} : memref<128x128xf32, #tpu.memory_space<vmem>>, vector<1x16xf32>,
        %get3A_454 = vector.shape_cast %get3A_453 : vector<1x16xf32> to vector<16xf32>
        %max3A_455 = arith.maximumf %scan3A_411, %get3A_454 : vector<16xf32>
        %add3A_456 = arith.constant 0 : i32
        %add3A_457 = arith.addi %add3A_456, %scan3A_405 : i32
        %get3A_458 = arith.index_cast %add3A_457 : i32 to index
        %get3A_459 = arith.constant 96 : index
        %get3A_460 = tpu.vector_load %arg7[%get3A_458, %get3A_459] {strides = array<i32>} : memref<128x128xf32, #tpu.memory_space<vmem>>, vector<1x16xf32>,
        %get3A_461 = vector.shape_cast %get3A_460 : vector<1x16xf32> to vector<16xf32>
        %max3A_462 = arith.maximumf %scan3A_412, %get3A_461 : vector<16xf32>
        %add3A_463 = arith.constant 0 : i32
        %add3A_464 = arith.addi %add3A_463, %scan3A_405 : i32
        %get3A_465 = arith.index_cast %add3A_464 : i32 to index
        %get3A_466 = arith.constant 112 : index
        %get3A_467 = tpu.vector_load %arg7[%get3A_465, %get3A_466] {strides = array<i32>} : memref<128x128xf32, #tpu.memory_space<vmem>>, vector<1x16xf32>,
        %get3A_468 = vector.shape_cast %get3A_467 : vector<1x16xf32> to vector<16xf32>
        %max3A_469 = arith.maximumf %scan3A_413, %get3A_468 : vector<16xf32>
        scf.yield %max3A_420, %max3A_427, %max3A_434, %max3A_441, %max3A_448, %max3A_455, %max3A_462, %max3A_469 : vector<16xf32>, vector<16xf32>, vector<16xf32>, vector<16xf32>, vector<16xf32>, vector<16xf32>, vector<16xf32>, vector<16xf32>
      }
      %scan3A_28 = arith.constant 32 : i32
      %get3A = arith.constant 0 : index
      %get3A_29 = tpu.vector_load %arg8[%get3A] {strides = array<i32>} : memref<512xf32, #tpu.memory_space<vmem>>, vector<16xf32>,
      %get3A_30 = vector.shape_cast %get3A_29 : vector<16xf32> to vector<16xf32>
      %add3A_31 = arith.addf %scan3A_27#0, %get3A_30 : vector<16xf32>
      %max3A = arith.constant 0.000000e+00 : f32
      %max3A_32 = vector.broadcast %max3A : f32 to vector<16xf32>
      %max3A_33 = arith.maximumf %add3A_31, %max3A_32 : vector<16xf32>
      %swap3A = arith.constant 0 : index
      %swap3A_34 = tpu.vector_load %arg9[%swap3A] {strides = array<i32>} : memref<512xf32, #tpu.memory_space<vmem>>, vector<16xf32>,
      %swap3A_35 = vector.shape_cast %swap3A_34 : vector<16xf32> to vector<16xf32>
      %swap3A_36 = vector.shape_cast %max3A_33 : vector<16xf32> to vector<16xf32>
      tpu.vector_store %arg9[%swap3A], %swap3A_36 {strides = array<i32>} : memref<512xf32, #tpu.memory_space<vmem>>, vector<16xf32>,
      %get3A_37 = arith.constant 16 : index
      %get3A_38 = tpu.vector_load %arg8[%get3A_37] {strides = array<i32>} : memref<512xf32, #tpu.memory_space<vmem>>, vector<16xf32>,
      %get3A_39 = vector.shape_cast %get3A_38 : vector<16xf32> to vector<16xf32>
      %add3A_40 = arith.addf %scan3A_27#1, %get3A_39 : vector<16xf32>
      %max3A_41 = arith.constant 0.000000e+00 : f32
      %max3A_42 = vector.broadcast %max3A_41 : f32 to vector<16xf32>
      %max3A_43 = arith.maximumf %add3A_40, %max3A_42 : vector<16xf32>
      %swap3A_44 = arith.constant 16 : index
      %swap3A_45 = tpu.vector_load %arg9[%swap3A_44] {strides = array<i32>} : memref<512xf32, #tpu.memory_space<vmem>>, vector<16xf32>,
      %swap3A_46 = vector.shape_cast %swap3A_45 : vector<16xf32> to vector<16xf32>
      %swap3A_47 = vector.shape_cast %max3A_43 : vector<16xf32> to vector<16xf32>
      tpu.vector_store %arg9[%swap3A_44], %swap3A_47 {strides = array<i32>} : memref<512xf32, #tpu.memory_space<vmem>>, vector<16xf32>,
      %get3A_48 = arith.constant 32 : index
      %get3A_49 = tpu.vector_load %arg8[%get3A_48] {strides = array<i32>} : memref<512xf32, #tpu.memory_space<vmem>>, vector<16xf32>,
      %get3A_50 = vector.shape_cast %get3A_49 : vector<16xf32> to vector<16xf32>
      %add3A_51 = arith.addf %scan3A_27#2, %get3A_50 : vector<16xf32>
      %max3A_52 = arith.constant 0.000000e+00 : f32
      %max3A_53 = vector.broadcast %max3A_52 : f32 to vector<16xf32>
      %max3A_54 = arith.maximumf %add3A_51, %max3A_53 : vector<16xf32>
      %swap3A_55 = arith.constant 32 : index
      %swap3A_56 = tpu.vector_load %arg9[%swap3A_55] {strides = array<i32>} : memref<512xf32, #tpu.memory_space<vmem>>, vector<16xf32>,
      %swap3A_57 = vector.shape_cast %swap3A_56 : vector<16xf32> to vector<16xf32>
      %swap3A_58 = vector.shape_cast %max3A_54 : vector<16xf32> to vector<16xf32>
      tpu.vector_store %arg9[%swap3A_55], %swap3A_58 {strides = array<i32>} : memref<512xf32, #tpu.memory_space<vmem>>, vector<16xf32>,
      %get3A_59 = arith.constant 48 : index
      %get3A_60 = tpu.vector_load %arg8[%get3A_59] {strides = array<i32>} : memref<512xf32, #tpu.memory_space<vmem>>, vector<16xf32>,
      %get3A_61 = vector.shape_cast %get3A_60 : vector<16xf32> to vector<16xf32>
      %add3A_62 = arith.addf %scan3A_27#3, %get3A_61 : vector<16xf32>
      %max3A_63 = arith.constant 0.000000e+00 : f32
      %max3A_64 = vector.broadcast %max3A_63 : f32 to vector<16xf32>
      %max3A_65 = arith.maximumf %add3A_62, %max3A_64 : vector<16xf32>
      %swap3A_66 = arith.constant 48 : index
      %swap3A_67 = tpu.vector_load %arg9[%swap3A_66] {strides = array<i32>} : memref<512xf32, #tpu.memory_space<vmem>>, vector<16xf32>,
      %swap3A_68 = vector.shape_cast %swap3A_67 : vector<16xf32> to vector<16xf32>
      %swap3A_69 = vector.shape_cast %max3A_65 : vector<16xf32> to vector<16xf32>
      tpu.vector_store %arg9[%swap3A_66], %swap3A_69 {strides = array<i32>} : memref<512xf32, #tpu.memory_space<vmem>>, vector<16xf32>,
      %get3A_70 = arith.constant 64 : index
      %get3A_71 = tpu.vector_load %arg8[%get3A_70] {strides = array<i32>} : memref<512xf32, #tpu.memory_space<vmem>>, vector<16xf32>,
      %get3A_72 = vector.shape_cast %get3A_71 : vector<16xf32> to vector<16xf32>
      %add3A_73 = arith.addf %scan3A_27#4, %get3A_72 : vector<16xf32>
      %max3A_74 = arith.constant 0.000000e+00 : f32
      %max3A_75 = vector.broadcast %max3A_74 : f32 to vector<16xf32>
      %max3A_76 = arith.maximumf %add3A_73, %max3A_75 : vector<16xf32>
      %swap3A_77 = arith.constant 64 : index
      %swap3A_78 = tpu.vector_load %arg9[%swap3A_77] {strides = array<i32>} : memref<512xf32, #tpu.memory_space<vmem>>, vector<16xf32>,
      %swap3A_79 = vector.shape_cast %swap3A_78 : vector<16xf32> to vector<16xf32>
      %swap3A_80 = vector.shape_cast %max3A_76 : vector<16xf32> to vector<16xf32>
      tpu.vector_store %arg9[%swap3A_77], %swap3A_80 {strides = array<i32>} : memref<512xf32, #tpu.memory_space<vmem>>, vector<16xf32>,
      %get3A_81 = arith.constant 80 : index
      %get3A_82 = tpu.vector_load %arg8[%get3A_81] {strides = array<i32>} : memref<512xf32, #tpu.memory_space<vmem>>, vector<16xf32>,
      %get3A_83 = vector.shape_cast %get3A_82 : vector<16xf32> to vector<16xf32>
      %add3A_84 = arith.addf %scan3A_27#5, %get3A_83 : vector<16xf32>
      %max3A_85 = arith.constant 0.000000e+00 : f32
      %max3A_86 = vector.broadcast %max3A_85 : f32 to vector<16xf32>
      %max3A_87 = arith.maximumf %add3A_84, %max3A_86 : vector<16xf32>
      %swap3A_88 = arith.constant 80 : index
      %swap3A_89 = tpu.vector_load %arg9[%swap3A_88] {strides = array<i32>} : memref<512xf32, #tpu.memory_space<vmem>>, vector<16xf32>,
      %swap3A_90 = vector.shape_cast %swap3A_89 : vector<16xf32> to vector<16xf32>
      %swap3A_91 = vector.shape_cast %max3A_87 : vector<16xf32> to vector<16xf32>
      tpu.vector_store %arg9[%swap3A_88], %swap3A_91 {strides = array<i32>} : memref<512xf32, #tpu.memory_space<vmem>>, vector<16xf32>,
      %get3A_92 = arith.constant 96 : index
      %get3A_93 = tpu.vector_load %arg8[%get3A_92] {strides = array<i32>} : memref<512xf32, #tpu.memory_space<vmem>>, vector<16xf32>,
      %get3A_94 = vector.shape_cast %get3A_93 : vector<16xf32> to vector<16xf32>
      %add3A_95 = arith.addf %scan3A_27#6, %get3A_94 : vector<16xf32>
      %max3A_96 = arith.constant 0.000000e+00 : f32
      %max3A_97 = vector.broadcast %max3A_96 : f32 to vector<16xf32>
      %max3A_98 = arith.maximumf %add3A_95, %max3A_97 : vector<16xf32>
      %swap3A_99 = arith.constant 96 : index
      %swap3A_100 = tpu.vector_load %arg9[%swap3A_99] {strides = array<i32>} : memref<512xf32, #tpu.memory_space<vmem>>, vector<16xf32>,
      %swap3A_101 = vector.shape_cast %swap3A_100 : vector<16xf32> to vector<16xf32>
      %swap3A_102 = vector.shape_cast %max3A_98 : vector<16xf32> to vector<16xf32>
      tpu.vector_store %arg9[%swap3A_99], %swap3A_102 {strides = array<i32>} : memref<512xf32, #tpu.memory_space<vmem>>, vector<16xf32>,
      %get3A_103 = arith.constant 112 : index
      %get3A_104 = tpu.vector_load %arg8[%get3A_103] {strides = array<i32>} : memref<512xf32, #tpu.memory_space<vmem>>, vector<16xf32>,
      %get3A_105 = vector.shape_cast %get3A_104 : vector<16xf32> to vector<16xf32>
      %add3A_106 = arith.addf %scan3A_27#7, %get3A_105 : vector<16xf32>
      %max3A_107 = arith.constant 0.000000e+00 : f32
      %max3A_108 = vector.broadcast %max3A_107 : f32 to vector<16xf32>
      %max3A_109 = arith.maximumf %add3A_106, %max3A_108 : vector<16xf32>
      %swap3A_110 = arith.constant 112 : index
      %swap3A_111 = tpu.vector_load %arg9[%swap3A_110] {strides = array<i32>} : memref<512xf32, #tpu.memory_space<vmem>>, vector<16xf32>,
      %swap3A_112 = vector.shape_cast %swap3A_111 : vector<16xf32> to vector<16xf32>
      %swap3A_113 = vector.shape_cast %max3A_109 : vector<16xf32> to vector<16xf32>
      tpu.vector_store %arg9[%swap3A_110], %swap3A_113 {strides = array<i32>} : memref<512xf32, #tpu.memory_space<vmem>>, vector<16xf32>,
      %broadcast_in_dim3A_114 = arith.constant 0xFF800000 : f32
      %broadcast_in_dim3A_115 = vector.broadcast %broadcast_in_dim3A_114 : f32 to vector<16xf32>
      %scan3A_116 = arith.constant 0 : i32
      %scan3A_117 = arith.constant 32 : i32
      %scan3A_118 = arith.addi %scan3A_116, %scan3A_117 : i32
      %scan3A_119 = arith.constant 1 : i32
      %scan3A_120:8 = scf.for %scan3A_405 = %scan3A_116 to %scan3A_118 step %scan3A_119 iter_args(%scan3A_406 = %broadcast_in_dim3A_115, %scan3A_407 = %broadcast_in_dim3A_115, %scan3A_408 = %broadcast_in_dim3A_115, %scan3A_409 = %broadcast_in_dim3A_115, %scan3A_410 = %broadcast_in_dim3A_115, %scan3A_411 = %broadcast_in_dim3A_115, %scan3A_412 = %broadcast_in_dim3A_115, %scan3A_413 = %broadcast_in_dim3A_115) -> (vector<16xf32>, vector<16xf32>, vector<16xf32>, vector<16xf32>, vector<16xf32>, vector<16xf32>, vector<16xf32>, vector<16xf32>)  : i32 {
        %add3A_414 = arith.constant 32 : i32
        %add3A_415 = arith.addi %add3A_414, %scan3A_405 : i32
        %get3A_416 = arith.index_cast %add3A_415 : i32 to index
        %get3A_417 = arith.constant 0 : index
        %get3A_418 = tpu.vector_load %arg7[%get3A_416, %get3A_417] {strides = array<i32>} : memref<128x128xf32, #tpu.memory_space<vmem>>, vector<1x16xf32>,
        %get3A_419 = vector.shape_cast %get3A_418 : vector<1x16xf32> to vector<16xf32>
        %max3A_420 = arith.maximumf %scan3A_406, %get3A_419 : vector<16xf32>
        %add3A_421 = arith.constant 32 : i32
        %add3A_422 = arith.addi %add3A_421, %scan3A_405 : i32
        %get3A_423 = arith.index_cast %add3A_422 : i32 to index
        %get3A_424 = arith.constant 16 : index
        %get3A_425 = tpu.vector_load %arg7[%get3A_423, %get3A_424] {strides = array<i32>} : memref<128x128xf32, #tpu.memory_space<vmem>>, vector<1x16xf32>,
        %get3A_426 = vector.shape_cast %get3A_425 : vector<1x16xf32> to vector<16xf32>
        %max3A_427 = arith.maximumf %scan3A_407, %get3A_426 : vector<16xf32>
        %add3A_428 = arith.constant 32 : i32
        %add3A_429 = arith.addi %add3A_428, %scan3A_405 : i32
        %get3A_430 = arith.index_cast %add3A_429 : i32 to index
        %get3A_431 = arith.constant 32 : index
        %get3A_432 = tpu.vector_load %arg7[%get3A_430, %get3A_431] {strides = array<i32>} : memref<128x128xf32, #tpu.memory_space<vmem>>, vector<1x16xf32>,
        %get3A_433 = vector.shape_cast %get3A_432 : vector<1x16xf32> to vector<16xf32>
        %max3A_434 = arith.maximumf %scan3A_408, %get3A_433 : vector<16xf32>
        %add3A_435 = arith.constant 32 : i32
        %add3A_436 = arith.addi %add3A_435, %scan3A_405 : i32
        %get3A_437 = arith.index_cast %add3A_436 : i32 to index
        %get3A_438 = arith.constant 48 : index
        %get3A_439 = tpu.vector_load %arg7[%get3A_437, %get3A_438] {strides = array<i32>} : memref<128x128xf32, #tpu.memory_space<vmem>>, vector<1x16xf32>,
        %get3A_440 = vector.shape_cast %get3A_439 : vector<1x16xf32> to vector<16xf32>
        %max3A_441 = arith.maximumf %scan3A_409, %get3A_440 : vector<16xf32>
        %add3A_442 = arith.constant 32 : i32
        %add3A_443 = arith.addi %add3A_442, %scan3A_405 : i32
        %get3A_444 = arith.index_cast %add3A_443 : i32 to index
        %get3A_445 = arith.constant 64 : index
        %get3A_446 = tpu.vector_load %arg7[%get3A_444, %get3A_445] {strides = array<i32>} : memref<128x128xf32, #tpu.memory_space<vmem>>, vector<1x16xf32>,
        %get3A_447 = vector.shape_cast %get3A_446 : vector<1x16xf32> to vector<16xf32>
        %max3A_448 = arith.maximumf %scan3A_410, %get3A_447 : vector<16xf32>
        %add3A_449 = arith.constant 32 : i32
        %add3A_450 = arith.addi %add3A_449, %scan3A_405 : i32
        %get3A_451 = arith.index_cast %add3A_450 : i32 to index
        %get3A_452 = arith.constant 80 : index
        %get3A_453 = tpu.vector_load %arg7[%get3A_451, %get3A_452] {strides = array<i32>} : memref<128x128xf32, #tpu.memory_space<vmem>>, vector<1x16xf32>,
        %get3A_454 = vector.shape_cast %get3A_453 : vector<1x16xf32> to vector<16xf32>
        %max3A_455 = arith.maximumf %scan3A_411, %get3A_454 : vector<16xf32>
        %add3A_456 = arith.constant 32 : i32
        %add3A_457 = arith.addi %add3A_456, %scan3A_405 : i32
        %get3A_458 = arith.index_cast %add3A_457 : i32 to index
        %get3A_459 = arith.constant 96 : index
        %get3A_460 = tpu.vector_load %arg7[%get3A_458, %get3A_459] {strides = array<i32>} : memref<128x128xf32, #tpu.memory_space<vmem>>, vector<1x16xf32>,
        %get3A_461 = vector.shape_cast %get3A_460 : vector<1x16xf32> to vector<16xf32>
        %max3A_462 = arith.maximumf %scan3A_412, %get3A_461 : vector<16xf32>
        %add3A_463 = arith.constant 32 : i32
        %add3A_464 = arith.addi %add3A_463, %scan3A_405 : i32
        %get3A_465 = arith.index_cast %add3A_464 : i32 to index
        %get3A_466 = arith.constant 112 : index
        %get3A_467 = tpu.vector_load %arg7[%get3A_465, %get3A_466] {strides = array<i32>} : memref<128x128xf32, #tpu.memory_space<vmem>>, vector<1x16xf32>,
        %get3A_468 = vector.shape_cast %get3A_467 : vector<1x16xf32> to vector<16xf32>
        %max3A_469 = arith.maximumf %scan3A_413, %get3A_468 : vector<16xf32>
        scf.yield %max3A_420, %max3A_427, %max3A_434, %max3A_441, %max3A_448, %max3A_455, %max3A_462, %max3A_469 : vector<16xf32>, vector<16xf32>, vector<16xf32>, vector<16xf32>, vector<16xf32>, vector<16xf32>, vector<16xf32>, vector<16xf32>
      }
      %scan3A_121 = arith.constant 32 : i32
      %get3A_122 = arith.constant 128 : index
      %get3A_123 = tpu.vector_load %arg8[%get3A_122] {strides = array<i32>} : memref<512xf32, #tpu.memory_space<vmem>>, vector<16xf32>,
      %get3A_124 = vector.shape_cast %get3A_123 : vector<16xf32> to vector<16xf32>
      %add3A_125 = arith.addf %scan3A_120#0, %get3A_124 : vector<16xf32>
      %max3A_126 = arith.constant 0.000000e+00 : f32
      %max3A_127 = vector.broadcast %max3A_126 : f32 to vector<16xf32>
      %max3A_128 = arith.maximumf %add3A_125, %max3A_127 : vector<16xf32>
      %swap3A_129 = arith.constant 128 : index
      %swap3A_130 = tpu.vector_load %arg9[%swap3A_129] {strides = array<i32>} : memref<512xf32, #tpu.memory_space<vmem>>, vector<16xf32>,
      %swap3A_131 = vector.shape_cast %swap3A_130 : vector<16xf32> to vector<16xf32>
      %swap3A_132 = vector.shape_cast %max3A_128 : vector<16xf32> to vector<16xf32>
      tpu.vector_store %arg9[%swap3A_129], %swap3A_132 {strides = array<i32>} : memref<512xf32, #tpu.memory_space<vmem>>, vector<16xf32>,
      %get3A_133 = arith.constant 144 : index
      %get3A_134 = tpu.vector_load %arg8[%get3A_133] {strides = array<i32>} : memref<512xf32, #tpu.memory_space<vmem>>, vector<16xf32>,
      %get3A_135 = vector.shape_cast %get3A_134 : vector<16xf32> to vector<16xf32>
      %add3A_136 = arith.addf %scan3A_120#1, %get3A_135 : vector<16xf32>
      %max3A_137 = arith.constant 0.000000e+00 : f32
      %max3A_138 = vector.broadcast %max3A_137 : f32 to vector<16xf32>
      %max3A_139 = arith.maximumf %add3A_136, %max3A_138 : vector<16xf32>
      %swap3A_140 = arith.constant 144 : index
      %swap3A_141 = tpu.vector_load %arg9[%swap3A_140] {strides = array<i32>} : memref<512xf32, #tpu.memory_space<vmem>>, vector<16xf32>,
      %swap3A_142 = vector.shape_cast %swap3A_141 : vector<16xf32> to vector<16xf32>
      %swap3A_143 = vector.shape_cast %max3A_139 : vector<16xf32> to vector<16xf32>
      tpu.vector_store %arg9[%swap3A_140], %swap3A_143 {strides = array<i32>} : memref<512xf32, #tpu.memory_space<vmem>>, vector<16xf32>,
      %get3A_144 = arith.constant 160 : index
      %get3A_145 = tpu.vector_load %arg8[%get3A_144] {strides = array<i32>} : memref<512xf32, #tpu.memory_space<vmem>>, vector<16xf32>,
      %get3A_146 = vector.shape_cast %get3A_145 : vector<16xf32> to vector<16xf32>
      %add3A_147 = arith.addf %scan3A_120#2, %get3A_146 : vector<16xf32>
      %max3A_148 = arith.constant 0.000000e+00 : f32
      %max3A_149 = vector.broadcast %max3A_148 : f32 to vector<16xf32>
      %max3A_150 = arith.maximumf %add3A_147, %max3A_149 : vector<16xf32>
      %swap3A_151 = arith.constant 160 : index
      %swap3A_152 = tpu.vector_load %arg9[%swap3A_151] {strides = array<i32>} : memref<512xf32, #tpu.memory_space<vmem>>, vector<16xf32>,
      %swap3A_153 = vector.shape_cast %swap3A_152 : vector<16xf32> to vector<16xf32>
      %swap3A_154 = vector.shape_cast %max3A_150 : vector<16xf32> to vector<16xf32>
      tpu.vector_store %arg9[%swap3A_151], %swap3A_154 {strides = array<i32>} : memref<512xf32, #tpu.memory_space<vmem>>, vector<16xf32>,
      %get3A_155 = arith.constant 176 : index
      %get3A_156 = tpu.vector_load %arg8[%get3A_155] {strides = array<i32>} : memref<512xf32, #tpu.memory_space<vmem>>, vector<16xf32>,
      %get3A_157 = vector.shape_cast %get3A_156 : vector<16xf32> to vector<16xf32>
      %add3A_158 = arith.addf %scan3A_120#3, %get3A_157 : vector<16xf32>
      %max3A_159 = arith.constant 0.000000e+00 : f32
      %max3A_160 = vector.broadcast %max3A_159 : f32 to vector<16xf32>
      %max3A_161 = arith.maximumf %add3A_158, %max3A_160 : vector<16xf32>
      %swap3A_162 = arith.constant 176 : index
      %swap3A_163 = tpu.vector_load %arg9[%swap3A_162] {strides = array<i32>} : memref<512xf32, #tpu.memory_space<vmem>>, vector<16xf32>,
      %swap3A_164 = vector.shape_cast %swap3A_163 : vector<16xf32> to vector<16xf32>
      %swap3A_165 = vector.shape_cast %max3A_161 : vector<16xf32> to vector<16xf32>
      tpu.vector_store %arg9[%swap3A_162], %swap3A_165 {strides = array<i32>} : memref<512xf32, #tpu.memory_space<vmem>>, vector<16xf32>,
      %get3A_166 = arith.constant 192 : index
      %get3A_167 = tpu.vector_load %arg8[%get3A_166] {strides = array<i32>} : memref<512xf32, #tpu.memory_space<vmem>>, vector<16xf32>,
      %get3A_168 = vector.shape_cast %get3A_167 : vector<16xf32> to vector<16xf32>
      %add3A_169 = arith.addf %scan3A_120#4, %get3A_168 : vector<16xf32>
      %max3A_170 = arith.constant 0.000000e+00 : f32
      %max3A_171 = vector.broadcast %max3A_170 : f32 to vector<16xf32>
      %max3A_172 = arith.maximumf %add3A_169, %max3A_171 : vector<16xf32>
      %swap3A_173 = arith.constant 192 : index
      %swap3A_174 = tpu.vector_load %arg9[%swap3A_173] {strides = array<i32>} : memref<512xf32, #tpu.memory_space<vmem>>, vector<16xf32>,
      %swap3A_175 = vector.shape_cast %swap3A_174 : vector<16xf32> to vector<16xf32>
      %swap3A_176 = vector.shape_cast %max3A_172 : vector<16xf32> to vector<16xf32>
      tpu.vector_store %arg9[%swap3A_173], %swap3A_176 {strides = array<i32>} : memref<512xf32, #tpu.memory_space<vmem>>, vector<16xf32>,
      %get3A_177 = arith.constant 208 : index
      %get3A_178 = tpu.vector_load %arg8[%get3A_177] {strides = array<i32>} : memref<512xf32, #tpu.memory_space<vmem>>, vector<16xf32>,
      %get3A_179 = vector.shape_cast %get3A_178 : vector<16xf32> to vector<16xf32>
      %add3A_180 = arith.addf %scan3A_120#5, %get3A_179 : vector<16xf32>
      %max3A_181 = arith.constant 0.000000e+00 : f32
      %max3A_182 = vector.broadcast %max3A_181 : f32 to vector<16xf32>
      %max3A_183 = arith.maximumf %add3A_180, %max3A_182 : vector<16xf32>
      %swap3A_184 = arith.constant 208 : index
      %swap3A_185 = tpu.vector_load %arg9[%swap3A_184] {strides = array<i32>} : memref<512xf32, #tpu.memory_space<vmem>>, vector<16xf32>,
      %swap3A_186 = vector.shape_cast %swap3A_185 : vector<16xf32> to vector<16xf32>
      %swap3A_187 = vector.shape_cast %max3A_183 : vector<16xf32> to vector<16xf32>
      tpu.vector_store %arg9[%swap3A_184], %swap3A_187 {strides = array<i32>} : memref<512xf32, #tpu.memory_space<vmem>>, vector<16xf32>,
      %get3A_188 = arith.constant 224 : index
      %get3A_189 = tpu.vector_load %arg8[%get3A_188] {strides = array<i32>} : memref<512xf32, #tpu.memory_space<vmem>>, vector<16xf32>,
      %get3A_190 = vector.shape_cast %get3A_189 : vector<16xf32> to vector<16xf32>
      %add3A_191 = arith.addf %scan3A_120#6, %get3A_190 : vector<16xf32>
      %max3A_192 = arith.constant 0.000000e+00 : f32
      %max3A_193 = vector.broadcast %max3A_192 : f32 to vector<16xf32>
      %max3A_194 = arith.maximumf %add3A_191, %max3A_193 : vector<16xf32>
      %swap3A_195 = arith.constant 224 : index
      %swap3A_196 = tpu.vector_load %arg9[%swap3A_195] {strides = array<i32>} : memref<512xf32, #tpu.memory_space<vmem>>, vector<16xf32>,
      %swap3A_197 = vector.shape_cast %swap3A_196 : vector<16xf32> to vector<16xf32>
      %swap3A_198 = vector.shape_cast %max3A_194 : vector<16xf32> to vector<16xf32>
      tpu.vector_store %arg9[%swap3A_195], %swap3A_198 {strides = array<i32>} : memref<512xf32, #tpu.memory_space<vmem>>, vector<16xf32>,
      %get3A_199 = arith.constant 240 : index
      %get3A_200 = tpu.vector_load %arg8[%get3A_199] {strides = array<i32>} : memref<512xf32, #tpu.memory_space<vmem>>, vector<16xf32>,
      %get3A_201 = vector.shape_cast %get3A_200 : vector<16xf32> to vector<16xf32>
      %add3A_202 = arith.addf %scan3A_120#7, %get3A_201 : vector<16xf32>
      %max3A_203 = arith.constant 0.000000e+00 : f32
      %max3A_204 = vector.broadcast %max3A_203 : f32 to vector<16xf32>
      %max3A_205 = arith.maximumf %add3A_202, %max3A_204 : vector<16xf32>
      %swap3A_206 = arith.constant 240 : index
      %swap3A_207 = tpu.vector_load %arg9[%swap3A_206] {strides = array<i32>} : memref<512xf32, #tpu.memory_space<vmem>>, vector<16xf32>,
      %swap3A_208 = vector.shape_cast %swap3A_207 : vector<16xf32> to vector<16xf32>
      %swap3A_209 = vector.shape_cast %max3A_205 : vector<16xf32> to vector<16xf32>
      tpu.vector_store %arg9[%swap3A_206], %swap3A_209 {strides = array<i32>} : memref<512xf32, #tpu.memory_space<vmem>>, vector<16xf32>,
      %broadcast_in_dim3A_210 = arith.constant 0xFF800000 : f32
      %broadcast_in_dim3A_211 = vector.broadcast %broadcast_in_dim3A_210 : f32 to vector<16xf32>
      %scan3A_212 = arith.constant 0 : i32
      %scan3A_213 = arith.constant 32 : i32
      %scan3A_214 = arith.addi %scan3A_212, %scan3A_213 : i32
      %scan3A_215 = arith.constant 1 : i32
      %scan3A_216:8 = scf.for %scan3A_405 = %scan3A_212 to %scan3A_214 step %scan3A_215 iter_args(%scan3A_406 = %broadcast_in_dim3A_211, %scan3A_407 = %broadcast_in_dim3A_211, %scan3A_408 = %broadcast_in_dim3A_211, %scan3A_409 = %broadcast_in_dim3A_211, %scan3A_410 = %broadcast_in_dim3A_211, %scan3A_411 = %broadcast_in_dim3A_211, %scan3A_412 = %broadcast_in_dim3A_211, %scan3A_413 = %broadcast_in_dim3A_211) -> (vector<16xf32>, vector<16xf32>, vector<16xf32>, vector<16xf32>, vector<16xf32>, vector<16xf32>, vector<16xf32>, vector<16xf32>)  : i32 {
        %add3A_414 = arith.constant 64 : i32
        %add3A_415 = arith.addi %add3A_414, %scan3A_405 : i32
        %get3A_416 = arith.index_cast %add3A_415 : i32 to index
        %get3A_417 = arith.constant 0 : index
        %get3A_418 = tpu.vector_load %arg7[%get3A_416, %get3A_417] {strides = array<i32>} : memref<128x128xf32, #tpu.memory_space<vmem>>, vector<1x16xf32>,
        %get3A_419 = vector.shape_cast %get3A_418 : vector<1x16xf32> to vector<16xf32>
        %max3A_420 = arith.maximumf %scan3A_406, %get3A_419 : vector<16xf32>
        %add3A_421 = arith.constant 64 : i32
        %add3A_422 = arith.addi %add3A_421, %scan3A_405 : i32
        %get3A_423 = arith.index_cast %add3A_422 : i32 to index
        %get3A_424 = arith.constant 16 : index
        %get3A_425 = tpu.vector_load %arg7[%get3A_423, %get3A_424] {strides = array<i32>} : memref<128x128xf32, #tpu.memory_space<vmem>>, vector<1x16xf32>,
        %get3A_426 = vector.shape_cast %get3A_425 : vector<1x16xf32> to vector<16xf32>
        %max3A_427 = arith.maximumf %scan3A_407, %get3A_426 : vector<16xf32>
        %add3A_428 = arith.constant 64 : i32
        %add3A_429 = arith.addi %add3A_428, %scan3A_405 : i32
        %get3A_430 = arith.index_cast %add3A_429 : i32 to index
        %get3A_431 = arith.constant 32 : index
        %get3A_432 = tpu.vector_load %arg7[%get3A_430, %get3A_431] {strides = array<i32>} : memref<128x128xf32, #tpu.memory_space<vmem>>, vector<1x16xf32>,
        %get3A_433 = vector.shape_cast %get3A_432 : vector<1x16xf32> to vector<16xf32>
        %max3A_434 = arith.maximumf %scan3A_408, %get3A_433 : vector<16xf32>
        %add3A_435 = arith.constant 64 : i32
        %add3A_436 = arith.addi %add3A_435, %scan3A_405 : i32
        %get3A_437 = arith.index_cast %add3A_436 : i32 to index
        %get3A_438 = arith.constant 48 : index
        %get3A_439 = tpu.vector_load %arg7[%get3A_437, %get3A_438] {strides = array<i32>} : memref<128x128xf32, #tpu.memory_space<vmem>>, vector<1x16xf32>,
        %get3A_440 = vector.shape_cast %get3A_439 : vector<1x16xf32> to vector<16xf32>
        %max3A_441 = arith.maximumf %scan3A_409, %get3A_440 : vector<16xf32>
        %add3A_442 = arith.constant 64 : i32
        %add3A_443 = arith.addi %add3A_442, %scan3A_405 : i32
        %get3A_444 = arith.index_cast %add3A_443 : i32 to index
        %get3A_445 = arith.constant 64 : index
        %get3A_446 = tpu.vector_load %arg7[%get3A_444, %get3A_445] {strides = array<i32>} : memref<128x128xf32, #tpu.memory_space<vmem>>, vector<1x16xf32>,
        %get3A_447 = vector.shape_cast %get3A_446 : vector<1x16xf32> to vector<16xf32>
        %max3A_448 = arith.maximumf %scan3A_410, %get3A_447 : vector<16xf32>
        %add3A_449 = arith.constant 64 : i32
        %add3A_450 = arith.addi %add3A_449, %scan3A_405 : i32
        %get3A_451 = arith.index_cast %add3A_450 : i32 to index
        %get3A_452 = arith.constant 80 : index
        %get3A_453 = tpu.vector_load %arg7[%get3A_451, %get3A_452] {strides = array<i32>} : memref<128x128xf32, #tpu.memory_space<vmem>>, vector<1x16xf32>,
        %get3A_454 = vector.shape_cast %get3A_453 : vector<1x16xf32> to vector<16xf32>
        %max3A_455 = arith.maximumf %scan3A_411, %get3A_454 : vector<16xf32>
        %add3A_456 = arith.constant 64 : i32
        %add3A_457 = arith.addi %add3A_456, %scan3A_405 : i32
        %get3A_458 = arith.index_cast %add3A_457 : i32 to index
        %get3A_459 = arith.constant 96 : index
        %get3A_460 = tpu.vector_load %arg7[%get3A_458, %get3A_459] {strides = array<i32>} : memref<128x128xf32, #tpu.memory_space<vmem>>, vector<1x16xf32>,
        %get3A_461 = vector.shape_cast %get3A_460 : vector<1x16xf32> to vector<16xf32>
        %max3A_462 = arith.maximumf %scan3A_412, %get3A_461 : vector<16xf32>
        %add3A_463 = arith.constant 64 : i32
        %add3A_464 = arith.addi %add3A_463, %scan3A_405 : i32
        %get3A_465 = arith.index_cast %add3A_464 : i32 to index
        %get3A_466 = arith.constant 112 : index
        %get3A_467 = tpu.vector_load %arg7[%get3A_465, %get3A_466] {strides = array<i32>} : memref<128x128xf32, #tpu.memory_space<vmem>>, vector<1x16xf32>,
        %get3A_468 = vector.shape_cast %get3A_467 : vector<1x16xf32> to vector<16xf32>
        %max3A_469 = arith.maximumf %scan3A_413, %get3A_468 : vector<16xf32>
        scf.yield %max3A_420, %max3A_427, %max3A_434, %max3A_441, %max3A_448, %max3A_455, %max3A_462, %max3A_469 : vector<16xf32>, vector<16xf32>, vector<16xf32>, vector<16xf32>, vector<16xf32>, vector<16xf32>, vector<16xf32>, vector<16xf32>
      }
      %scan3A_217 = arith.constant 32 : i32
      %get3A_218 = arith.constant 256 : index
      %get3A_219 = tpu.vector_load %arg8[%get3A_218] {strides = array<i32>} : memref<512xf32, #tpu.memory_space<vmem>>, vector<16xf32>,
      %get3A_220 = vector.shape_cast %get3A_219 : vector<16xf32> to vector<16xf32>
      %add3A_221 = arith.addf %scan3A_216#0, %get3A_220 : vector<16xf32>
      %max3A_222 = arith.constant 0.000000e+00 : f32
      %max3A_223 = vector.broadcast %max3A_222 : f32 to vector<16xf32>
      %max3A_224 = arith.maximumf %add3A_221, %max3A_223 : vector<16xf32>
      %swap3A_225 = arith.constant 256 : index
      %swap3A_226 = tpu.vector_load %arg9[%swap3A_225] {strides = array<i32>} : memref<512xf32, #tpu.memory_space<vmem>>, vector<16xf32>,
      %swap3A_227 = vector.shape_cast %swap3A_226 : vector<16xf32> to vector<16xf32>
      %swap3A_228 = vector.shape_cast %max3A_224 : vector<16xf32> to vector<16xf32>
      tpu.vector_store %arg9[%swap3A_225], %swap3A_228 {strides = array<i32>} : memref<512xf32, #tpu.memory_space<vmem>>, vector<16xf32>,
      %get3A_229 = arith.constant 272 : index
      %get3A_230 = tpu.vector_load %arg8[%get3A_229] {strides = array<i32>} : memref<512xf32, #tpu.memory_space<vmem>>, vector<16xf32>,
      %get3A_231 = vector.shape_cast %get3A_230 : vector<16xf32> to vector<16xf32>
      %add3A_232 = arith.addf %scan3A_216#1, %get3A_231 : vector<16xf32>
      %max3A_233 = arith.constant 0.000000e+00 : f32
      %max3A_234 = vector.broadcast %max3A_233 : f32 to vector<16xf32>
      %max3A_235 = arith.maximumf %add3A_232, %max3A_234 : vector<16xf32>
      %swap3A_236 = arith.constant 272 : index
      %swap3A_237 = tpu.vector_load %arg9[%swap3A_236] {strides = array<i32>} : memref<512xf32, #tpu.memory_space<vmem>>, vector<16xf32>,
      %swap3A_238 = vector.shape_cast %swap3A_237 : vector<16xf32> to vector<16xf32>
      %swap3A_239 = vector.shape_cast %max3A_235 : vector<16xf32> to vector<16xf32>
      tpu.vector_store %arg9[%swap3A_236], %swap3A_239 {strides = array<i32>} : memref<512xf32, #tpu.memory_space<vmem>>, vector<16xf32>,
      %get3A_240 = arith.constant 288 : index
      %get3A_241 = tpu.vector_load %arg8[%get3A_240] {strides = array<i32>} : memref<512xf32, #tpu.memory_space<vmem>>, vector<16xf32>,
      %get3A_242 = vector.shape_cast %get3A_241 : vector<16xf32> to vector<16xf32>
      %add3A_243 = arith.addf %scan3A_216#2, %get3A_242 : vector<16xf32>
      %max3A_244 = arith.constant 0.000000e+00 : f32
      %max3A_245 = vector.broadcast %max3A_244 : f32 to vector<16xf32>
      %max3A_246 = arith.maximumf %add3A_243, %max3A_245 : vector<16xf32>
      %swap3A_247 = arith.constant 288 : index
      %swap3A_248 = tpu.vector_load %arg9[%swap3A_247] {strides = array<i32>} : memref<512xf32, #tpu.memory_space<vmem>>, vector<16xf32>,
      %swap3A_249 = vector.shape_cast %swap3A_248 : vector<16xf32> to vector<16xf32>
      %swap3A_250 = vector.shape_cast %max3A_246 : vector<16xf32> to vector<16xf32>
      tpu.vector_store %arg9[%swap3A_247], %swap3A_250 {strides = array<i32>} : memref<512xf32, #tpu.memory_space<vmem>>, vector<16xf32>,
      %get3A_251 = arith.constant 304 : index
      %get3A_252 = tpu.vector_load %arg8[%get3A_251] {strides = array<i32>} : memref<512xf32, #tpu.memory_space<vmem>>, vector<16xf32>,
      %get3A_253 = vector.shape_cast %get3A_252 : vector<16xf32> to vector<16xf32>
      %add3A_254 = arith.addf %scan3A_216#3, %get3A_253 : vector<16xf32>
      %max3A_255 = arith.constant 0.000000e+00 : f32
      %max3A_256 = vector.broadcast %max3A_255 : f32 to vector<16xf32>
      %max3A_257 = arith.maximumf %add3A_254, %max3A_256 : vector<16xf32>
      %swap3A_258 = arith.constant 304 : index
      %swap3A_259 = tpu.vector_load %arg9[%swap3A_258] {strides = array<i32>} : memref<512xf32, #tpu.memory_space<vmem>>, vector<16xf32>,
      %swap3A_260 = vector.shape_cast %swap3A_259 : vector<16xf32> to vector<16xf32>
      %swap3A_261 = vector.shape_cast %max3A_257 : vector<16xf32> to vector<16xf32>
      tpu.vector_store %arg9[%swap3A_258], %swap3A_261 {strides = array<i32>} : memref<512xf32, #tpu.memory_space<vmem>>, vector<16xf32>,
      %get3A_262 = arith.constant 320 : index
      %get3A_263 = tpu.vector_load %arg8[%get3A_262] {strides = array<i32>} : memref<512xf32, #tpu.memory_space<vmem>>, vector<16xf32>,
      %get3A_264 = vector.shape_cast %get3A_263 : vector<16xf32> to vector<16xf32>
      %add3A_265 = arith.addf %scan3A_216#4, %get3A_264 : vector<16xf32>
      %max3A_266 = arith.constant 0.000000e+00 : f32
      %max3A_267 = vector.broadcast %max3A_266 : f32 to vector<16xf32>
      %max3A_268 = arith.maximumf %add3A_265, %max3A_267 : vector<16xf32>
      %swap3A_269 = arith.constant 320 : index
      %swap3A_270 = tpu.vector_load %arg9[%swap3A_269] {strides = array<i32>} : memref<512xf32, #tpu.memory_space<vmem>>, vector<16xf32>,
      %swap3A_271 = vector.shape_cast %swap3A_270 : vector<16xf32> to vector<16xf32>
      %swap3A_272 = vector.shape_cast %max3A_268 : vector<16xf32> to vector<16xf32>
      tpu.vector_store %arg9[%swap3A_269], %swap3A_272 {strides = array<i32>} : memref<512xf32, #tpu.memory_space<vmem>>, vector<16xf32>,
      %get3A_273 = arith.constant 336 : index
      %get3A_274 = tpu.vector_load %arg8[%get3A_273] {strides = array<i32>} : memref<512xf32, #tpu.memory_space<vmem>>, vector<16xf32>,
      %get3A_275 = vector.shape_cast %get3A_274 : vector<16xf32> to vector<16xf32>
      %add3A_276 = arith.addf %scan3A_216#5, %get3A_275 : vector<16xf32>
      %max3A_277 = arith.constant 0.000000e+00 : f32
      %max3A_278 = vector.broadcast %max3A_277 : f32 to vector<16xf32>
      %max3A_279 = arith.maximumf %add3A_276, %max3A_278 : vector<16xf32>
      %swap3A_280 = arith.constant 336 : index
      %swap3A_281 = tpu.vector_load %arg9[%swap3A_280] {strides = array<i32>} : memref<512xf32, #tpu.memory_space<vmem>>, vector<16xf32>,
      %swap3A_282 = vector.shape_cast %swap3A_281 : vector<16xf32> to vector<16xf32>
      %swap3A_283 = vector.shape_cast %max3A_279 : vector<16xf32> to vector<16xf32>
      tpu.vector_store %arg9[%swap3A_280], %swap3A_283 {strides = array<i32>} : memref<512xf32, #tpu.memory_space<vmem>>, vector<16xf32>,
      %get3A_284 = arith.constant 352 : index
      %get3A_285 = tpu.vector_load %arg8[%get3A_284] {strides = array<i32>} : memref<512xf32, #tpu.memory_space<vmem>>, vector<16xf32>,
      %get3A_286 = vector.shape_cast %get3A_285 : vector<16xf32> to vector<16xf32>
      %add3A_287 = arith.addf %scan3A_216#6, %get3A_286 : vector<16xf32>
      %max3A_288 = arith.constant 0.000000e+00 : f32
      %max3A_289 = vector.broadcast %max3A_288 : f32 to vector<16xf32>
      %max3A_290 = arith.maximumf %add3A_287, %max3A_289 : vector<16xf32>
      %swap3A_291 = arith.constant 352 : index
      %swap3A_292 = tpu.vector_load %arg9[%swap3A_291] {strides = array<i32>} : memref<512xf32, #tpu.memory_space<vmem>>, vector<16xf32>,
      %swap3A_293 = vector.shape_cast %swap3A_292 : vector<16xf32> to vector<16xf32>
      %swap3A_294 = vector.shape_cast %max3A_290 : vector<16xf32> to vector<16xf32>
      tpu.vector_store %arg9[%swap3A_291], %swap3A_294 {strides = array<i32>} : memref<512xf32, #tpu.memory_space<vmem>>, vector<16xf32>,
      %get3A_295 = arith.constant 368 : index
      %get3A_296 = tpu.vector_load %arg8[%get3A_295] {strides = array<i32>} : memref<512xf32, #tpu.memory_space<vmem>>, vector<16xf32>,
      %get3A_297 = vector.shape_cast %get3A_296 : vector<16xf32> to vector<16xf32>
      %add3A_298 = arith.addf %scan3A_216#7, %get3A_297 : vector<16xf32>
      %max3A_299 = arith.constant 0.000000e+00 : f32
      %max3A_300 = vector.broadcast %max3A_299 : f32 to vector<16xf32>
      %max3A_301 = arith.maximumf %add3A_298, %max3A_300 : vector<16xf32>
      %swap3A_302 = arith.constant 368 : index
      %swap3A_303 = tpu.vector_load %arg9[%swap3A_302] {strides = array<i32>} : memref<512xf32, #tpu.memory_space<vmem>>, vector<16xf32>,
      %swap3A_304 = vector.shape_cast %swap3A_303 : vector<16xf32> to vector<16xf32>
      %swap3A_305 = vector.shape_cast %max3A_301 : vector<16xf32> to vector<16xf32>
      tpu.vector_store %arg9[%swap3A_302], %swap3A_305 {strides = array<i32>} : memref<512xf32, #tpu.memory_space<vmem>>, vector<16xf32>,
      %broadcast_in_dim3A_306 = arith.constant 0xFF800000 : f32
      %broadcast_in_dim3A_307 = vector.broadcast %broadcast_in_dim3A_306 : f32 to vector<16xf32>
      %scan3A_308 = arith.constant 0 : i32
      %scan3A_309 = arith.constant 32 : i32
      %scan3A_310 = arith.addi %scan3A_308, %scan3A_309 : i32
      %scan3A_311 = arith.constant 1 : i32
      %scan3A_312:8 = scf.for %scan3A_405 = %scan3A_308 to %scan3A_310 step %scan3A_311 iter_args(%scan3A_406 = %broadcast_in_dim3A_307, %scan3A_407 = %broadcast_in_dim3A_307, %scan3A_408 = %broadcast_in_dim3A_307, %scan3A_409 = %broadcast_in_dim3A_307, %scan3A_410 = %broadcast_in_dim3A_307, %scan3A_411 = %broadcast_in_dim3A_307, %scan3A_412 = %broadcast_in_dim3A_307, %scan3A_413 = %broadcast_in_dim3A_307) -> (vector<16xf32>, vector<16xf32>, vector<16xf32>, vector<16xf32>, vector<16xf32>, vector<16xf32>, vector<16xf32>, vector<16xf32>)  : i32 {
        %add3A_414 = arith.constant 96 : i32
        %add3A_415 = arith.addi %add3A_414, %scan3A_405 : i32
        %get3A_416 = arith.index_cast %add3A_415 : i32 to index
        %get3A_417 = arith.constant 0 : index
        %get3A_418 = tpu.vector_load %arg7[%get3A_416, %get3A_417] {strides = array<i32>} : memref<128x128xf32, #tpu.memory_space<vmem>>, vector<1x16xf32>,
        %get3A_419 = vector.shape_cast %get3A_418 : vector<1x16xf32> to vector<16xf32>
        %max3A_420 = arith.maximumf %scan3A_406, %get3A_419 : vector<16xf32>
        %add3A_421 = arith.constant 96 : i32
        %add3A_422 = arith.addi %add3A_421, %scan3A_405 : i32
        %get3A_423 = arith.index_cast %add3A_422 : i32 to index
        %get3A_424 = arith.constant 16 : index
        %get3A_425 = tpu.vector_load %arg7[%get3A_423, %get3A_424] {strides = array<i32>} : memref<128x128xf32, #tpu.memory_space<vmem>>, vector<1x16xf32>,
        %get3A_426 = vector.shape_cast %get3A_425 : vector<1x16xf32> to vector<16xf32>
        %max3A_427 = arith.maximumf %scan3A_407, %get3A_426 : vector<16xf32>
        %add3A_428 = arith.constant 96 : i32
        %add3A_429 = arith.addi %add3A_428, %scan3A_405 : i32
        %get3A_430 = arith.index_cast %add3A_429 : i32 to index
        %get3A_431 = arith.constant 32 : index
        %get3A_432 = tpu.vector_load %arg7[%get3A_430, %get3A_431] {strides = array<i32>} : memref<128x128xf32, #tpu.memory_space<vmem>>, vector<1x16xf32>,
        %get3A_433 = vector.shape_cast %get3A_432 : vector<1x16xf32> to vector<16xf32>
        %max3A_434 = arith.maximumf %scan3A_408, %get3A_433 : vector<16xf32>
        %add3A_435 = arith.constant 96 : i32
        %add3A_436 = arith.addi %add3A_435, %scan3A_405 : i32
        %get3A_437 = arith.index_cast %add3A_436 : i32 to index
        %get3A_438 = arith.constant 48 : index
        %get3A_439 = tpu.vector_load %arg7[%get3A_437, %get3A_438] {strides = array<i32>} : memref<128x128xf32, #tpu.memory_space<vmem>>, vector<1x16xf32>,
        %get3A_440 = vector.shape_cast %get3A_439 : vector<1x16xf32> to vector<16xf32>
        %max3A_441 = arith.maximumf %scan3A_409, %get3A_440 : vector<16xf32>
        %add3A_442 = arith.constant 96 : i32
        %add3A_443 = arith.addi %add3A_442, %scan3A_405 : i32
        %get3A_444 = arith.index_cast %add3A_443 : i32 to index
        %get3A_445 = arith.constant 64 : index
        %get3A_446 = tpu.vector_load %arg7[%get3A_444, %get3A_445] {strides = array<i32>} : memref<128x128xf32, #tpu.memory_space<vmem>>, vector<1x16xf32>,
        %get3A_447 = vector.shape_cast %get3A_446 : vector<1x16xf32> to vector<16xf32>
        %max3A_448 = arith.maximumf %scan3A_410, %get3A_447 : vector<16xf32>
        %add3A_449 = arith.constant 96 : i32
        %add3A_450 = arith.addi %add3A_449, %scan3A_405 : i32
        %get3A_451 = arith.index_cast %add3A_450 : i32 to index
        %get3A_452 = arith.constant 80 : index
        %get3A_453 = tpu.vector_load %arg7[%get3A_451, %get3A_452] {strides = array<i32>} : memref<128x128xf32, #tpu.memory_space<vmem>>, vector<1x16xf32>,
        %get3A_454 = vector.shape_cast %get3A_453 : vector<1x16xf32> to vector<16xf32>
        %max3A_455 = arith.maximumf %scan3A_411, %get3A_454 : vector<16xf32>
        %add3A_456 = arith.constant 96 : i32
        %add3A_457 = arith.addi %add3A_456, %scan3A_405 : i32
        %get3A_458 = arith.index_cast %add3A_457 : i32 to index
        %get3A_459 = arith.constant 96 : index
        %get3A_460 = tpu.vector_load %arg7[%get3A_458, %get3A_459] {strides = array<i32>} : memref<128x128xf32, #tpu.memory_space<vmem>>, vector<1x16xf32>,
        %get3A_461 = vector.shape_cast %get3A_460 : vector<1x16xf32> to vector<16xf32>
        %max3A_462 = arith.maximumf %scan3A_412, %get3A_461 : vector<16xf32>
        %add3A_463 = arith.constant 96 : i32
        %add3A_464 = arith.addi %add3A_463, %scan3A_405 : i32
        %get3A_465 = arith.index_cast %add3A_464 : i32 to index
        %get3A_466 = arith.constant 112 : index
        %get3A_467 = tpu.vector_load %arg7[%get3A_465, %get3A_466] {strides = array<i32>} : memref<128x128xf32, #tpu.memory_space<vmem>>, vector<1x16xf32>,
        %get3A_468 = vector.shape_cast %get3A_467 : vector<1x16xf32> to vector<16xf32>
        %max3A_469 = arith.maximumf %scan3A_413, %get3A_468 : vector<16xf32>
        scf.yield %max3A_420, %max3A_427, %max3A_434, %max3A_441, %max3A_448, %max3A_455, %max3A_462, %max3A_469 : vector<16xf32>, vector<16xf32>, vector<16xf32>, vector<16xf32>, vector<16xf32>, vector<16xf32>, vector<16xf32>, vector<16xf32>
      }
      %scan3A_313 = arith.constant 32 : i32
      %get3A_314 = arith.constant 384 : index
      %get3A_315 = tpu.vector_load %arg8[%get3A_314] {strides = array<i32>} : memref<512xf32, #tpu.memory_space<vmem>>, vector<16xf32>,
      %get3A_316 = vector.shape_cast %get3A_315 : vector<16xf32> to vector<16xf32>
      %add3A_317 = arith.addf %scan3A_312#0, %get3A_316 : vector<16xf32>
      %max3A_318 = arith.constant 0.000000e+00 : f32
      %max3A_319 = vector.broadcast %max3A_318 : f32 to vector<16xf32>
      %max3A_320 = arith.maximumf %add3A_317, %max3A_319 : vector<16xf32>
      %swap3A_321 = arith.constant 384 : index
      %swap3A_322 = tpu.vector_load %arg9[%swap3A_321] {strides = array<i32>} : memref<512xf32, #tpu.memory_space<vmem>>, vector<16xf32>,
      %swap3A_323 = vector.shape_cast %swap3A_322 : vector<16xf32> to vector<16xf32>
      %swap3A_324 = vector.shape_cast %max3A_320 : vector<16xf32> to vector<16xf32>
      tpu.vector_store %arg9[%swap3A_321], %swap3A_324 {strides = array<i32>} : memref<512xf32, #tpu.memory_space<vmem>>, vector<16xf32>,
      %get3A_325 = arith.constant 400 : index
      %get3A_326 = tpu.vector_load %arg8[%get3A_325] {strides = array<i32>} : memref<512xf32, #tpu.memory_space<vmem>>, vector<16xf32>,
      %get3A_327 = vector.shape_cast %get3A_326 : vector<16xf32> to vector<16xf32>
      %add3A_328 = arith.addf %scan3A_312#1, %get3A_327 : vector<16xf32>
      %max3A_329 = arith.constant 0.000000e+00 : f32
      %max3A_330 = vector.broadcast %max3A_329 : f32 to vector<16xf32>
      %max3A_331 = arith.maximumf %add3A_328, %max3A_330 : vector<16xf32>
      %swap3A_332 = arith.constant 400 : index
      %swap3A_333 = tpu.vector_load %arg9[%swap3A_332] {strides = array<i32>} : memref<512xf32, #tpu.memory_space<vmem>>, vector<16xf32>,
      %swap3A_334 = vector.shape_cast %swap3A_333 : vector<16xf32> to vector<16xf32>
      %swap3A_335 = vector.shape_cast %max3A_331 : vector<16xf32> to vector<16xf32>
      tpu.vector_store %arg9[%swap3A_332], %swap3A_335 {strides = array<i32>} : memref<512xf32, #tpu.memory_space<vmem>>, vector<16xf32>,
      %get3A_336 = arith.constant 416 : index
      %get3A_337 = tpu.vector_load %arg8[%get3A_336] {strides = array<i32>} : memref<512xf32, #tpu.memory_space<vmem>>, vector<16xf32>,
      %get3A_338 = vector.shape_cast %get3A_337 : vector<16xf32> to vector<16xf32>
      %add3A_339 = arith.addf %scan3A_312#2, %get3A_338 : vector<16xf32>
      %max3A_340 = arith.constant 0.000000e+00 : f32
      %max3A_341 = vector.broadcast %max3A_340 : f32 to vector<16xf32>
      %max3A_342 = arith.maximumf %add3A_339, %max3A_341 : vector<16xf32>
      %swap3A_343 = arith.constant 416 : index
      %swap3A_344 = tpu.vector_load %arg9[%swap3A_343] {strides = array<i32>} : memref<512xf32, #tpu.memory_space<vmem>>, vector<16xf32>,
      %swap3A_345 = vector.shape_cast %swap3A_344 : vector<16xf32> to vector<16xf32>
      %swap3A_346 = vector.shape_cast %max3A_342 : vector<16xf32> to vector<16xf32>
      tpu.vector_store %arg9[%swap3A_343], %swap3A_346 {strides = array<i32>} : memref<512xf32, #tpu.memory_space<vmem>>, vector<16xf32>,
      %get3A_347 = arith.constant 432 : index
      %get3A_348 = tpu.vector_load %arg8[%get3A_347] {strides = array<i32>} : memref<512xf32, #tpu.memory_space<vmem>>, vector<16xf32>,
      %get3A_349 = vector.shape_cast %get3A_348 : vector<16xf32> to vector<16xf32>
      %add3A_350 = arith.addf %scan3A_312#3, %get3A_349 : vector<16xf32>
      %max3A_351 = arith.constant 0.000000e+00 : f32
      %max3A_352 = vector.broadcast %max3A_351 : f32 to vector<16xf32>
      %max3A_353 = arith.maximumf %add3A_350, %max3A_352 : vector<16xf32>
      %swap3A_354 = arith.constant 432 : index
      %swap3A_355 = tpu.vector_load %arg9[%swap3A_354] {strides = array<i32>} : memref<512xf32, #tpu.memory_space<vmem>>, vector<16xf32>,
      %swap3A_356 = vector.shape_cast %swap3A_355 : vector<16xf32> to vector<16xf32>
      %swap3A_357 = vector.shape_cast %max3A_353 : vector<16xf32> to vector<16xf32>
      tpu.vector_store %arg9[%swap3A_354], %swap3A_357 {strides = array<i32>} : memref<512xf32, #tpu.memory_space<vmem>>, vector<16xf32>,
      %get3A_358 = arith.constant 448 : index
      %get3A_359 = tpu.vector_load %arg8[%get3A_358] {strides = array<i32>} : memref<512xf32, #tpu.memory_space<vmem>>, vector<16xf32>,
      %get3A_360 = vector.shape_cast %get3A_359 : vector<16xf32> to vector<16xf32>
      %add3A_361 = arith.addf %scan3A_312#4, %get3A_360 : vector<16xf32>
      %max3A_362 = arith.constant 0.000000e+00 : f32
      %max3A_363 = vector.broadcast %max3A_362 : f32 to vector<16xf32>
      %max3A_364 = arith.maximumf %add3A_361, %max3A_363 : vector<16xf32>
      %swap3A_365 = arith.constant 448 : index
      %swap3A_366 = tpu.vector_load %arg9[%swap3A_365] {strides = array<i32>} : memref<512xf32, #tpu.memory_space<vmem>>, vector<16xf32>,
      %swap3A_367 = vector.shape_cast %swap3A_366 : vector<16xf32> to vector<16xf32>
      %swap3A_368 = vector.shape_cast %max3A_364 : vector<16xf32> to vector<16xf32>
      tpu.vector_store %arg9[%swap3A_365], %swap3A_368 {strides = array<i32>} : memref<512xf32, #tpu.memory_space<vmem>>, vector<16xf32>,
      %get3A_369 = arith.constant 464 : index
      %get3A_370 = tpu.vector_load %arg8[%get3A_369] {strides = array<i32>} : memref<512xf32, #tpu.memory_space<vmem>>, vector<16xf32>,
      %get3A_371 = vector.shape_cast %get3A_370 : vector<16xf32> to vector<16xf32>
      %add3A_372 = arith.addf %scan3A_312#5, %get3A_371 : vector<16xf32>
      %max3A_373 = arith.constant 0.000000e+00 : f32
      %max3A_374 = vector.broadcast %max3A_373 : f32 to vector<16xf32>
      %max3A_375 = arith.maximumf %add3A_372, %max3A_374 : vector<16xf32>
      %swap3A_376 = arith.constant 464 : index
      %swap3A_377 = tpu.vector_load %arg9[%swap3A_376] {strides = array<i32>} : memref<512xf32, #tpu.memory_space<vmem>>, vector<16xf32>,
      %swap3A_378 = vector.shape_cast %swap3A_377 : vector<16xf32> to vector<16xf32>
      %swap3A_379 = vector.shape_cast %max3A_375 : vector<16xf32> to vector<16xf32>
      tpu.vector_store %arg9[%swap3A_376], %swap3A_379 {strides = array<i32>} : memref<512xf32, #tpu.memory_space<vmem>>, vector<16xf32>,
      %get3A_380 = arith.constant 480 : index
      %get3A_381 = tpu.vector_load %arg8[%get3A_380] {strides = array<i32>} : memref<512xf32, #tpu.memory_space<vmem>>, vector<16xf32>,
      %get3A_382 = vector.shape_cast %get3A_381 : vector<16xf32> to vector<16xf32>
      %add3A_383 = arith.addf %scan3A_312#6, %get3A_382 : vector<16xf32>
      %max3A_384 = arith.constant 0.000000e+00 : f32
      %max3A_385 = vector.broadcast %max3A_384 : f32 to vector<16xf32>
      %max3A_386 = arith.maximumf %add3A_383, %max3A_385 : vector<16xf32>
      %swap3A_387 = arith.constant 480 : index
      %swap3A_388 = tpu.vector_load %arg9[%swap3A_387] {strides = array<i32>} : memref<512xf32, #tpu.memory_space<vmem>>, vector<16xf32>,
      %swap3A_389 = vector.shape_cast %swap3A_388 : vector<16xf32> to vector<16xf32>
      %swap3A_390 = vector.shape_cast %max3A_386 : vector<16xf32> to vector<16xf32>
      tpu.vector_store %arg9[%swap3A_387], %swap3A_390 {strides = array<i32>} : memref<512xf32, #tpu.memory_space<vmem>>, vector<16xf32>,
      %get3A_391 = arith.constant 496 : index
      %get3A_392 = tpu.vector_load %arg8[%get3A_391] {strides = array<i32>} : memref<512xf32, #tpu.memory_space<vmem>>, vector<16xf32>,
      %get3A_393 = vector.shape_cast %get3A_392 : vector<16xf32> to vector<16xf32>
      %add3A_394 = arith.addf %scan3A_312#7, %get3A_393 : vector<16xf32>
      %max3A_395 = arith.constant 0.000000e+00 : f32
      %max3A_396 = vector.broadcast %max3A_395 : f32 to vector<16xf32>
      %max3A_397 = arith.maximumf %add3A_394, %max3A_396 : vector<16xf32>
      %swap3A_398 = arith.constant 496 : index
      %swap3A_399 = tpu.vector_load %arg9[%swap3A_398] {strides = array<i32>} : memref<512xf32, #tpu.memory_space<vmem>>, vector<16xf32>,
      %swap3A_400 = vector.shape_cast %swap3A_399 : vector<16xf32> to vector<16xf32>
      %swap3A_401 = vector.shape_cast %max3A_397 : vector<16xf32> to vector<16xf32>
      tpu.vector_store %arg9[%swap3A_398], %swap3A_401 {strides = array<i32>} : memref<512xf32, #tpu.memory_space<vmem>>, vector<16xf32>,
      %mul3A_402 = arith.constant 128 : i32
      %mul3A_403 = arith.muli %add3A_13, %mul3A_402 : i32
      "tpu.region"() ({
        %run_scoped3A = tpu.sem_alloc : memref<!tpu.dma_semaphore, #tpu.memory_space<semaphore_mem>>
        %dma_start3A_405 = tpu.memref_slice %arg5[%mul3A_403] : memref<1605632xf32, #tpu.memory_space<hbm>> -> memref<512xf32, #tpu.memory_space<hbm>>
        %dma_start3A_406 = tpu.memref_slice %arg5[%mul3A_403] : memref<1605632xf32, #tpu.memory_space<hbm>> -> memref<512xf32, #tpu.memory_space<hbm>>
        tpu.enqueue_dma source(%arg9 : memref<512xf32, #tpu.memory_space<vmem>>) target(%dma_start3A_406 : memref<512xf32, #tpu.memory_space<hbm>>) target_semaphore(%run_scoped3A : memref<!tpu.dma_semaphore, #tpu.memory_space<semaphore_mem>>)
        %dma_wait3A_407 = tpu.memref_slice %arg5[%mul3A_403] : memref<1605632xf32, #tpu.memory_space<hbm>> -> memref<512xf32, #tpu.memory_space<hbm>>
        %dma_wait3A_408 = tpu.memref_slice %arg5[%mul3A_403] : memref<1605632xf32, #tpu.memory_space<hbm>> -> memref<512xf32, #tpu.memory_space<hbm>>
        tpu.wait_dma2 semaphore(%run_scoped3A : memref<!tpu.dma_semaphore, #tpu.memory_space<semaphore_mem>>) src(%arg9 : memref<512xf32, #tpu.memory_space<vmem>>) dst(%dma_wait3A_408 : memref<512xf32, #tpu.memory_space<hbm>>)
        tpu.yield
      }) : () -> ()
      %scan3A_404 = arith.constant 0 : i32
      scf.yield %scan3A_404 : i32
    }
    %scan3A_8 = arith.constant 98 : i32
    return
  }
}

module attributes {stable_mosaic.version = 14 : i64} {
  func.func @_knn_body(%arg0: i32, %arg1: memref<1568x2xi32, #tpu.memory_space<smem>>, %arg2: memref<3x50176xf32, #tpu.memory_space<vmem>>, %arg3: memref<8x3xf32, #tpu.memory_space<vmem>>, %arg4: memref<8x1xi32, #tpu.memory_space<vmem>>, %arg5: memref<8x1xi32, #tpu.memory_space<vmem>>, %arg6: memref<8x32xi32, #tpu.memory_space<vmem>>, %arg7: memref<8x50176xf32, #tpu.memory_space<vmem>>) attributes {dimension_semantics = [#tpu.dimension_semantics<arbitrary>], iteration_bounds = array<i64: 1568>, scalar_prefetch = 0 : i64, scratch_operands = 1 : i64, tpu.core_type = #tpu.core_type<tc>, window_params = [{transform_indices = @transform_0, window_bounds = array<i64: 1568, 2>}, {pipeline_mode = #tpu.pipeline_mode<synchronous>, transform_indices = @transform_1, window_bounds = array<i64: 3, 50176>}, {transform_indices = @transform_2, window_bounds = array<i64: 8, 3>}, {transform_indices = @transform_3, window_bounds = array<i64: 8, 1>}, {transform_indices = @transform_4, window_bounds = array<i64: 8, 1>}, {transform_indices = @transform_5, window_bounds = array<i64: 8, 32>}]} {
    %get3A = arith.index_cast %arg0 : i32 to index
    %get3A_0 = arith.constant 0 : index
    %get3A_1 = memref.load %arg1[%get3A, %get3A_0] : memref<1568x2xi32, #tpu.memory_space<smem>>
    %get3A_2 = arith.index_cast %arg0 : i32 to index
    %get3A_3 = arith.constant 1 : index
    %get3A_4 = memref.load %arg1[%get3A_2, %get3A_3] : memref<1568x2xi32, #tpu.memory_space<smem>>
    %get3A_5 = arith.constant 0 : index
    %get3A_6 = arith.constant 0 : index
    %get3A_7 = vector.load %arg3[%get3A_5, %get3A_6] : memref<8x3xf32, #tpu.memory_space<vmem>>, vector<8x1xf32>
    %get3A_8 = arith.constant 0 : index
    %get3A_9 = arith.constant 1 : index
    %get3A_10 = vector.load %arg3[%get3A_8, %get3A_9] : memref<8x3xf32, #tpu.memory_space<vmem>>, vector<8x1xf32>
    %get3A_11 = arith.constant 0 : index
    %get3A_12 = arith.constant 2 : index
    %get3A_13 = vector.load %arg3[%get3A_11, %get3A_12] : memref<8x3xf32, #tpu.memory_space<vmem>>, vector<8x1xf32>
    %get3A_14 = arith.constant 0 : index
    %get3A_15 = arith.constant 0 : index
    %get3A_16 = vector.load %arg4[%get3A_14, %get3A_15] : memref<8x1xi32, #tpu.memory_space<vmem>>, vector<8x1xi32>
    %get3A_17 = arith.constant 0 : index
    %get3A_18 = arith.constant 0 : index
    %get3A_19 = vector.load %arg5[%get3A_17, %get3A_18] : memref<8x1xi32, #tpu.memory_space<vmem>>, vector<8x1xi32>
    %iota3A = tpu.iota {dimensions = array<i32: 1>} : vector<8x512xi32>
    %while3A = arith.constant 0x7F800000 : f32
    %while3A_20 = arith.constant 0 : i32
    %while3A_21 = arith.subi %get3A_4, %get3A_1 : i32
    %while3A_22 = arith.addi %get3A_1, %while3A_21 : i32
    %while3A_23 = arith.constant 1 : i32
    %while3A_24 = arith.divsi %while3A_21, %while3A_23 : i32
    %while3A_25 = arith.muli %while3A_24, %while3A_23 : i32
    %while3A_26 = arith.addi %get3A_1, %while3A_25 : i32
    %while3A_27 = arith.constant 1 : i32
    %while3A_28 = scf.for %while3A_1020 = %get3A_1 to %while3A_26 step %while3A_27 iter_args(%while3A_1021 = %while3A_20) -> (i32)  : i32 {
      %mul3A = arith.constant 512 : i32
      %mul3A_1022 = arith.muli %while3A_1020, %mul3A : i32
      %multiple_of3A = tpu.assume_multiple %mul3A_1022, 512 : i32
      %get3A_1023 = arith.constant 0 : index
      %get3A_1024 = arith.index_cast %multiple_of3A : i32 to index
      %get3A_1025 = vector.load %arg2[%get3A_1023, %get3A_1024] : memref<3x50176xf32, #tpu.memory_space<vmem>>, vector<1x512xf32>
      %get3A_1026 = arith.constant 1 : index
      %get3A_1027 = arith.index_cast %multiple_of3A : i32 to index
      %get3A_1028 = vector.load %arg2[%get3A_1026, %get3A_1027] : memref<3x50176xf32, #tpu.memory_space<vmem>>, vector<1x512xf32>
      %get3A_1029 = arith.constant 2 : index
      %get3A_1030 = arith.index_cast %multiple_of3A : i32 to index
      %get3A_1031 = vector.load %arg2[%get3A_1029, %get3A_1030] : memref<3x50176xf32, #tpu.memory_space<vmem>>, vector<1x512xf32>
      %sub3A = vector.broadcast %get3A_7 : vector<8x1xf32> to vector<8x512xf32>
      %sub3A_1032 = vector.broadcast %get3A_1025 : vector<1x512xf32> to vector<8x512xf32>
      %sub3A_1033 = arith.subf %sub3A, %sub3A_1032 : vector<8x512xf32>
      %sub3A_1034 = vector.broadcast %get3A_10 : vector<8x1xf32> to vector<8x512xf32>
      %sub3A_1035 = vector.broadcast %get3A_1028 : vector<1x512xf32> to vector<8x512xf32>
      %sub3A_1036 = arith.subf %sub3A_1034, %sub3A_1035 : vector<8x512xf32>
      %sub3A_1037 = vector.broadcast %get3A_13 : vector<8x1xf32> to vector<8x512xf32>
      %sub3A_1038 = vector.broadcast %get3A_1031 : vector<1x512xf32> to vector<8x512xf32>
      %sub3A_1039 = arith.subf %sub3A_1037, %sub3A_1038 : vector<8x512xf32>
      %mul3A_1040 = arith.mulf %sub3A_1033, %sub3A_1033 : vector<8x512xf32>
      %mul3A_1041 = arith.mulf %sub3A_1036, %sub3A_1036 : vector<8x512xf32>
      %add3A = arith.addf %mul3A_1040, %mul3A_1041 : vector<8x512xf32>
      %mul3A_1042 = arith.mulf %sub3A_1039, %sub3A_1039 : vector<8x512xf32>
      %add3A_1043 = arith.addf %add3A, %mul3A_1042 : vector<8x512xf32>
      %mul3A_1044 = arith.constant 512 : i32
      %mul3A_1045 = arith.muli %while3A_1020, %mul3A_1044 : i32
      %add3A_1046 = vector.broadcast %mul3A_1045 : i32 to vector<8x512xi32>
      %add3A_1047 = arith.addi %iota3A, %add3A_1046 : vector<8x512xi32>
      %ge3A = vector.broadcast %get3A_16 : vector<8x1xi32> to vector<8x512xi32>
      %ge3A_1048 = arith.cmpi sge, %add3A_1047, %ge3A : vector<8x512xi32>
      %lt3A = vector.broadcast %get3A_19 : vector<8x1xi32> to vector<8x512xi32>
      %lt3A_1049 = arith.cmpi slt, %add3A_1047, %lt3A : vector<8x512xi32>
      %and3A = arith.andi %ge3A_1048, %lt3A_1049 : vector<8x512xi1>
      %broadcast_in_dim3A_1050 = vector.broadcast %while3A : f32 to vector<8x512xf32>
      %select_n3A_1051 = arith.select %and3A, %add3A_1043, %broadcast_in_dim3A_1050 : vector<8x512xi1>, vector<8x512xf32>
      %swap3A_1052 = arith.constant 0 : index
      %swap3A_1053 = arith.index_cast %multiple_of3A : i32 to index
      %swap3A_1054 = vector.load %arg7[%swap3A_1052, %swap3A_1053] : memref<8x50176xf32, #tpu.memory_space<vmem>>, vector<8x512xf32>
      tpu.vector_store %arg7[%swap3A_1052, %swap3A_1053], %select_n3A_1051 {strides = array<i32>} : memref<8x50176xf32, #tpu.memory_space<vmem>>, vector<8x512xf32>,
      %while3A_1055 = arith.constant 0 : i32
      scf.yield %while3A_1055 : i32
    }
    %while3A_29 = arith.constant 1 : i32
    %while3A_30 = scf.for %while3A_1020 = %while3A_26 to %while3A_22 step %while3A_29 iter_args(%while3A_1021 = %while3A_28) -> (i32)  : i32 {
      %mul3A = arith.constant 512 : i32
      %mul3A_1022 = arith.muli %while3A_1020, %mul3A : i32
      %multiple_of3A = tpu.assume_multiple %mul3A_1022, 512 : i32
      %get3A_1023 = arith.constant 0 : index
      %get3A_1024 = arith.index_cast %multiple_of3A : i32 to index
      %get3A_1025 = vector.load %arg2[%get3A_1023, %get3A_1024] : memref<3x50176xf32, #tpu.memory_space<vmem>>, vector<1x512xf32>
      %get3A_1026 = arith.constant 1 : index
      %get3A_1027 = arith.index_cast %multiple_of3A : i32 to index
      %get3A_1028 = vector.load %arg2[%get3A_1026, %get3A_1027] : memref<3x50176xf32, #tpu.memory_space<vmem>>, vector<1x512xf32>
      %get3A_1029 = arith.constant 2 : index
      %get3A_1030 = arith.index_cast %multiple_of3A : i32 to index
      %get3A_1031 = vector.load %arg2[%get3A_1029, %get3A_1030] : memref<3x50176xf32, #tpu.memory_space<vmem>>, vector<1x512xf32>
      %sub3A = vector.broadcast %get3A_7 : vector<8x1xf32> to vector<8x512xf32>
      %sub3A_1032 = vector.broadcast %get3A_1025 : vector<1x512xf32> to vector<8x512xf32>
      %sub3A_1033 = arith.subf %sub3A, %sub3A_1032 : vector<8x512xf32>
      %sub3A_1034 = vector.broadcast %get3A_10 : vector<8x1xf32> to vector<8x512xf32>
      %sub3A_1035 = vector.broadcast %get3A_1028 : vector<1x512xf32> to vector<8x512xf32>
      %sub3A_1036 = arith.subf %sub3A_1034, %sub3A_1035 : vector<8x512xf32>
      %sub3A_1037 = vector.broadcast %get3A_13 : vector<8x1xf32> to vector<8x512xf32>
      %sub3A_1038 = vector.broadcast %get3A_1031 : vector<1x512xf32> to vector<8x512xf32>
      %sub3A_1039 = arith.subf %sub3A_1037, %sub3A_1038 : vector<8x512xf32>
      %mul3A_1040 = arith.mulf %sub3A_1033, %sub3A_1033 : vector<8x512xf32>
      %mul3A_1041 = arith.mulf %sub3A_1036, %sub3A_1036 : vector<8x512xf32>
      %add3A = arith.addf %mul3A_1040, %mul3A_1041 : vector<8x512xf32>
      %mul3A_1042 = arith.mulf %sub3A_1039, %sub3A_1039 : vector<8x512xf32>
      %add3A_1043 = arith.addf %add3A, %mul3A_1042 : vector<8x512xf32>
      %mul3A_1044 = arith.constant 512 : i32
      %mul3A_1045 = arith.muli %while3A_1020, %mul3A_1044 : i32
      %add3A_1046 = vector.broadcast %mul3A_1045 : i32 to vector<8x512xi32>
      %add3A_1047 = arith.addi %iota3A, %add3A_1046 : vector<8x512xi32>
      %ge3A = vector.broadcast %get3A_16 : vector<8x1xi32> to vector<8x512xi32>
      %ge3A_1048 = arith.cmpi sge, %add3A_1047, %ge3A : vector<8x512xi32>
      %lt3A = vector.broadcast %get3A_19 : vector<8x1xi32> to vector<8x512xi32>
      %lt3A_1049 = arith.cmpi slt, %add3A_1047, %lt3A : vector<8x512xi32>
      %and3A = arith.andi %ge3A_1048, %lt3A_1049 : vector<8x512xi1>
      %broadcast_in_dim3A_1050 = vector.broadcast %while3A : f32 to vector<8x512xf32>
      %select_n3A_1051 = arith.select %and3A, %add3A_1043, %broadcast_in_dim3A_1050 : vector<8x512xi1>, vector<8x512xf32>
      %swap3A_1052 = arith.constant 0 : index
      %swap3A_1053 = arith.index_cast %multiple_of3A : i32 to index
      %swap3A_1054 = vector.load %arg7[%swap3A_1052, %swap3A_1053] : memref<8x50176xf32, #tpu.memory_space<vmem>>, vector<8x512xf32>
      tpu.vector_store %arg7[%swap3A_1052, %swap3A_1053], %select_n3A_1051 {strides = array<i32>} : memref<8x50176xf32, #tpu.memory_space<vmem>>, vector<8x512xf32>,
      %while3A_1055 = arith.constant 0 : i32
      scf.yield %while3A_1055 : i32
    }
    %broadcast_in_dim3A = arith.constant 0xFF800000 : f32
    %broadcast_in_dim3A_31 = vector.broadcast %broadcast_in_dim3A : f32 to vector<8x1xf32>
    %broadcast_in_dim3A_32 = arith.constant -1 : i32
    %broadcast_in_dim3A_33 = vector.broadcast %broadcast_in_dim3A_32 : i32 to vector<8x1xi32>
    %broadcast_in_dim3A_34 = arith.constant 0x7F800000 : f32
    %broadcast_in_dim3A_35 = vector.broadcast %broadcast_in_dim3A_34 : f32 to vector<8x512xf32>
    %broadcast_in_dim3A_36 = arith.constant 1073741824 : i32
    %broadcast_in_dim3A_37 = vector.broadcast %broadcast_in_dim3A_36 : i32 to vector<8x512xi32>
    %while3A_38 = arith.subi %get3A_4, %get3A_1 : i32
    %while3A_39 = arith.addi %get3A_1, %while3A_38 : i32
    %while3A_40 = arith.constant 1 : i32
    %while3A_41 = arith.divsi %while3A_38, %while3A_40 : i32
    %while3A_42 = arith.muli %while3A_41, %while3A_40 : i32
    %while3A_43 = arith.addi %get3A_1, %while3A_42 : i32
    %while3A_44 = arith.constant 1 : i32
    %while3A_45:2 = scf.for %while3A_1020 = %get3A_1 to %while3A_43 step %while3A_44 iter_args(%while3A_1021 = %broadcast_in_dim3A_35, %while3A_1022 = %broadcast_in_dim3A_37) -> (vector<8x512xf32>, vector<8x512xi32>)  : i32 {
      %mul3A = arith.constant 512 : i32
      %mul3A_1023 = arith.muli %while3A_1020, %mul3A : i32
      %multiple_of3A = tpu.assume_multiple %mul3A_1023, 512 : i32
      %get3A_1024 = arith.constant 0 : index
      %get3A_1025 = arith.index_cast %multiple_of3A : i32 to index
      %get3A_1026 = vector.load %arg7[%get3A_1024, %get3A_1025] : memref<8x50176xf32, #tpu.memory_space<vmem>>, vector<8x512xf32>
      %mul3A_1027 = arith.constant 512 : i32
      %mul3A_1028 = arith.muli %while3A_1020, %mul3A_1027 : i32
      %add3A = vector.broadcast %mul3A_1028 : i32 to vector<8x512xi32>
      %add3A_1029 = arith.addi %iota3A, %add3A : vector<8x512xi32>
      %gt3A = vector.broadcast %broadcast_in_dim3A_31 : vector<8x1xf32> to vector<8x512xf32>
      %gt3A_1030 = arith.cmpf ogt, %get3A_1026, %gt3A : vector<8x512xf32>
      %eq3A_1031 = vector.broadcast %broadcast_in_dim3A_31 : vector<8x1xf32> to vector<8x512xf32>
      %eq3A_1032 = arith.cmpf oeq, %get3A_1026, %eq3A_1031 : vector<8x512xf32>
      %gt3A_1033 = vector.broadcast %broadcast_in_dim3A_33 : vector<8x1xi32> to vector<8x512xi32>
      %gt3A_1034 = arith.cmpi sgt, %add3A_1029, %gt3A_1033 : vector<8x512xi32>
      %and3A = arith.andi %eq3A_1032, %gt3A_1034 : vector<8x512xi1>
      %or3A = arith.ori %gt3A_1030, %and3A : vector<8x512xi1>
      %lt3A = arith.cmpf olt, %get3A_1026, %while3A_1021 : vector<8x512xf32>
      %and3A_1035 = arith.andi %or3A, %lt3A : vector<8x512xi1>
      %select_n3A_1036 = arith.select %and3A_1035, %add3A_1029, %while3A_1022 : vector<8x512xi1>, vector<8x512xi32>
      %select_n3A_1037 = arith.select %and3A_1035, %get3A_1026, %while3A_1021 : vector<8x512xi1>, vector<8x512xf32>
      scf.yield %select_n3A_1037, %select_n3A_1036 : vector<8x512xf32>, vector<8x512xi32>
    }
    %while3A_46 = arith.constant 1 : i32
    %while3A_47:2 = scf.for %while3A_1020 = %while3A_43 to %while3A_39 step %while3A_46 iter_args(%while3A_1021 = %while3A_45#0, %while3A_1022 = %while3A_45#1) -> (vector<8x512xf32>, vector<8x512xi32>)  : i32 {
      %mul3A = arith.constant 512 : i32
      %mul3A_1023 = arith.muli %while3A_1020, %mul3A : i32
      %multiple_of3A = tpu.assume_multiple %mul3A_1023, 512 : i32
      %get3A_1024 = arith.constant 0 : index
      %get3A_1025 = arith.index_cast %multiple_of3A : i32 to index
      %get3A_1026 = vector.load %arg7[%get3A_1024, %get3A_1025] : memref<8x50176xf32, #tpu.memory_space<vmem>>, vector<8x512xf32>
      %mul3A_1027 = arith.constant 512 : i32
      %mul3A_1028 = arith.muli %while3A_1020, %mul3A_1027 : i32
      %add3A = vector.broadcast %mul3A_1028 : i32 to vector<8x512xi32>
      %add3A_1029 = arith.addi %iota3A, %add3A : vector<8x512xi32>
      %gt3A = vector.broadcast %broadcast_in_dim3A_31 : vector<8x1xf32> to vector<8x512xf32>
      %gt3A_1030 = arith.cmpf ogt, %get3A_1026, %gt3A : vector<8x512xf32>
      %eq3A_1031 = vector.broadcast %broadcast_in_dim3A_31 : vector<8x1xf32> to vector<8x512xf32>
      %eq3A_1032 = arith.cmpf oeq, %get3A_1026, %eq3A_1031 : vector<8x512xf32>
      %gt3A_1033 = vector.broadcast %broadcast_in_dim3A_33 : vector<8x1xi32> to vector<8x512xi32>
      %gt3A_1034 = arith.cmpi sgt, %add3A_1029, %gt3A_1033 : vector<8x512xi32>
      %and3A = arith.andi %eq3A_1032, %gt3A_1034 : vector<8x512xi1>
      %or3A = arith.ori %gt3A_1030, %and3A : vector<8x512xi1>
      %lt3A = arith.cmpf olt, %get3A_1026, %while3A_1021 : vector<8x512xf32>
      %and3A_1035 = arith.andi %or3A, %lt3A : vector<8x512xi1>
      %select_n3A_1036 = arith.select %and3A_1035, %add3A_1029, %while3A_1022 : vector<8x512xi1>, vector<8x512xi32>
      %select_n3A_1037 = arith.select %and3A_1035, %get3A_1026, %while3A_1021 : vector<8x512xi1>, vector<8x512xf32>
      scf.yield %select_n3A_1037, %select_n3A_1036 : vector<8x512xf32>, vector<8x512xi32>
    }
    %reduce_min3A = arith.constant dense<0x7F800000> : vector<8xf32>
    %reduce_min3A_48 = vector.multi_reduction <minimumf>, %while3A_47#0, %reduce_min3A [1] : vector<8x512xf32> to vector<8xf32>
    %broadcast_in_dim3A_49 = vector.shape_cast %reduce_min3A_48 : vector<8xf32> to vector<8x1xf32>
    %eq3A = vector.broadcast %broadcast_in_dim3A_49 : vector<8x1xf32> to vector<8x512xf32>
    %eq3A_50 = arith.cmpf oeq, %while3A_47#0, %eq3A : vector<8x512xf32>
    %jit3A = arith.constant 1073741824 : i32
    %broadcast_in_dim3A_51 = vector.broadcast %jit3A : i32 to vector<8x512xi32>
    %select_n3A = arith.select %eq3A_50, %while3A_47#1, %broadcast_in_dim3A_51 : vector<8x512xi1>, vector<8x512xi32>
    %reduce_min3A_52 = arith.constant dense<2147483647> : vector<8xi32>
    %reduce_min3A_53 = vector.multi_reduction <minsi>, %select_n3A, %reduce_min3A_52 [1] : vector<8x512xi32> to vector<8xi32>
    %broadcast_in_dim3A_54 = vector.shape_cast %reduce_min3A_53 : vector<8xi32> to vector<8x1xi32>
    %min3A = arith.constant 49999 : i32
    %min3A_55 = vector.broadcast %min3A : i32 to vector<8x1xi32>
    %min3A_56 = arith.minsi %broadcast_in_dim3A_54, %min3A_55 : vector<8x1xi32>
    %swap3A = arith.constant 0 : index
    %swap3A_57 = arith.constant 0 : index
    %swap3A_58 = vector.load %arg6[%swap3A, %swap3A_57] : memref<8x32xi32, #tpu.memory_space<vmem>>, vector<8x1xi32>
    tpu.vector_store %arg6[%swap3A, %swap3A_57], %min3A_56 {strides = array<i32>} : memref<8x32xi32, #tpu.memory_space<vmem>>, vector<8x1xi32>,
    %broadcast_in_dim3A_59 = arith.constant 0x7F800000 : f32
    %broadcast_in_dim3A_60 = vector.broadcast %broadcast_in_dim3A_59 : f32 to vector<8x512xf32>
    %broadcast_in_dim3A_61 = arith.constant 1073741824 : i32
    %broadcast_in_dim3A_62 = vector.broadcast %broadcast_in_dim3A_61 : i32 to vector<8x512xi32>
    %while3A_63 = arith.subi %get3A_4, %get3A_1 : i32
    %while3A_64 = arith.addi %get3A_1, %while3A_63 : i32
    %while3A_65 = arith.constant 1 : i32
    %while3A_66 = arith.divsi %while3A_63, %while3A_65 : i32
    %while3A_67 = arith.muli %while3A_66, %while3A_65 : i32
    %while3A_68 = arith.addi %get3A_1, %while3A_67 : i32
    %while3A_69 = arith.constant 1 : i32
    %while3A_70:2 = scf.for %while3A_1020 = %get3A_1 to %while3A_68 step %while3A_69 iter_args(%while3A_1021 = %broadcast_in_dim3A_60, %while3A_1022 = %broadcast_in_dim3A_62) -> (vector<8x512xf32>, vector<8x512xi32>)  : i32 {
      %mul3A = arith.constant 512 : i32
      %mul3A_1023 = arith.muli %while3A_1020, %mul3A : i32
      %multiple_of3A = tpu.assume_multiple %mul3A_1023, 512 : i32
      %get3A_1024 = arith.constant 0 : index
      %get3A_1025 = arith.index_cast %multiple_of3A : i32 to index
      %get3A_1026 = vector.load %arg7[%get3A_1024, %get3A_1025] : memref<8x50176xf32, #tpu.memory_space<vmem>>, vector<8x512xf32>
      %mul3A_1027 = arith.constant 512 : i32
      %mul3A_1028 = arith.muli %while3A_1020, %mul3A_1027 : i32
      %add3A = vector.broadcast %mul3A_1028 : i32 to vector<8x512xi32>
      %add3A_1029 = arith.addi %iota3A, %add3A : vector<8x512xi32>
      %gt3A = vector.broadcast %broadcast_in_dim3A_49 : vector<8x1xf32> to vector<8x512xf32>
      %gt3A_1030 = arith.cmpf ogt, %get3A_1026, %gt3A : vector<8x512xf32>
      %eq3A_1031 = vector.broadcast %broadcast_in_dim3A_49 : vector<8x1xf32> to vector<8x512xf32>
      %eq3A_1032 = arith.cmpf oeq, %get3A_1026, %eq3A_1031 : vector<8x512xf32>
      %gt3A_1033 = vector.broadcast %broadcast_in_dim3A_54 : vector<8x1xi32> to vector<8x512xi32>
      %gt3A_1034 = arith.cmpi sgt, %add3A_1029, %gt3A_1033 : vector<8x512xi32>
      %and3A = arith.andi %eq3A_1032, %gt3A_1034 : vector<8x512xi1>
      %or3A = arith.ori %gt3A_1030, %and3A : vector<8x512xi1>
      %lt3A = arith.cmpf olt, %get3A_1026, %while3A_1021 : vector<8x512xf32>
      %and3A_1035 = arith.andi %or3A, %lt3A : vector<8x512xi1>
      %select_n3A_1036 = arith.select %and3A_1035, %add3A_1029, %while3A_1022 : vector<8x512xi1>, vector<8x512xi32>
      %select_n3A_1037 = arith.select %and3A_1035, %get3A_1026, %while3A_1021 : vector<8x512xi1>, vector<8x512xf32>
      scf.yield %select_n3A_1037, %select_n3A_1036 : vector<8x512xf32>, vector<8x512xi32>
    }
    %while3A_71 = arith.constant 1 : i32
    %while3A_72:2 = scf.for %while3A_1020 = %while3A_68 to %while3A_64 step %while3A_71 iter_args(%while3A_1021 = %while3A_70#0, %while3A_1022 = %while3A_70#1) -> (vector<8x512xf32>, vector<8x512xi32>)  : i32 {
      %mul3A = arith.constant 512 : i32
      %mul3A_1023 = arith.muli %while3A_1020, %mul3A : i32
      %multiple_of3A = tpu.assume_multiple %mul3A_1023, 512 : i32
      %get3A_1024 = arith.constant 0 : index
      %get3A_1025 = arith.index_cast %multiple_of3A : i32 to index
      %get3A_1026 = vector.load %arg7[%get3A_1024, %get3A_1025] : memref<8x50176xf32, #tpu.memory_space<vmem>>, vector<8x512xf32>
      %mul3A_1027 = arith.constant 512 : i32
      %mul3A_1028 = arith.muli %while3A_1020, %mul3A_1027 : i32
      %add3A = vector.broadcast %mul3A_1028 : i32 to vector<8x512xi32>
      %add3A_1029 = arith.addi %iota3A, %add3A : vector<8x512xi32>
      %gt3A = vector.broadcast %broadcast_in_dim3A_49 : vector<8x1xf32> to vector<8x512xf32>
      %gt3A_1030 = arith.cmpf ogt, %get3A_1026, %gt3A : vector<8x512xf32>
      %eq3A_1031 = vector.broadcast %broadcast_in_dim3A_49 : vector<8x1xf32> to vector<8x512xf32>
      %eq3A_1032 = arith.cmpf oeq, %get3A_1026, %eq3A_1031 : vector<8x512xf32>
      %gt3A_1033 = vector.broadcast %broadcast_in_dim3A_54 : vector<8x1xi32> to vector<8x512xi32>
      %gt3A_1034 = arith.cmpi sgt, %add3A_1029, %gt3A_1033 : vector<8x512xi32>
      %and3A = arith.andi %eq3A_1032, %gt3A_1034 : vector<8x512xi1>
      %or3A = arith.ori %gt3A_1030, %and3A : vector<8x512xi1>
      %lt3A = arith.cmpf olt, %get3A_1026, %while3A_1021 : vector<8x512xf32>
      %and3A_1035 = arith.andi %or3A, %lt3A : vector<8x512xi1>
      %select_n3A_1036 = arith.select %and3A_1035, %add3A_1029, %while3A_1022 : vector<8x512xi1>, vector<8x512xi32>
      %select_n3A_1037 = arith.select %and3A_1035, %get3A_1026, %while3A_1021 : vector<8x512xi1>, vector<8x512xf32>
      scf.yield %select_n3A_1037, %select_n3A_1036 : vector<8x512xf32>, vector<8x512xi32>
    }
    %reduce_min3A_73 = arith.constant dense<0x7F800000> : vector<8xf32>
    %reduce_min3A_74 = vector.multi_reduction <minimumf>, %while3A_72#0, %reduce_min3A_73 [1] : vector<8x512xf32> to vector<8xf32>
    %broadcast_in_dim3A_75 = vector.shape_cast %reduce_min3A_74 : vector<8xf32> to vector<8x1xf32>
    %eq3A_76 = vector.broadcast %broadcast_in_dim3A_75 : vector<8x1xf32> to vector<8x512xf32>
    %eq3A_77 = arith.cmpf oeq, %while3A_72#0, %eq3A_76 : vector<8x512xf32>
    %jit3A_78 = arith.constant 1073741824 : i32
    %broadcast_in_dim3A_79 = vector.broadcast %jit3A_78 : i32 to vector<8x512xi32>
    %select_n3A_80 = arith.select %eq3A_77, %while3A_72#1, %broadcast_in_dim3A_79 : vector<8x512xi1>, vector<8x512xi32>
    %reduce_min3A_81 = arith.constant dense<2147483647> : vector<8xi32>
    %reduce_min3A_82 = vector.multi_reduction <minsi>, %select_n3A_80, %reduce_min3A_81 [1] : vector<8x512xi32> to vector<8xi32>
    %broadcast_in_dim3A_83 = vector.shape_cast %reduce_min3A_82 : vector<8xi32> to vector<8x1xi32>
    %min3A_84 = arith.constant 49999 : i32
    %min3A_85 = vector.broadcast %min3A_84 : i32 to vector<8x1xi32>
    %min3A_86 = arith.minsi %broadcast_in_dim3A_83, %min3A_85 : vector<8x1xi32>
    %swap3A_87 = arith.constant 0 : index
    %swap3A_88 = arith.constant 1 : index
    %swap3A_89 = vector.load %arg6[%swap3A_87, %swap3A_88] : memref<8x32xi32, #tpu.memory_space<vmem>>, vector<8x1xi32>
    tpu.vector_store %arg6[%swap3A_87, %swap3A_88], %min3A_86 {strides = array<i32>} : memref<8x32xi32, #tpu.memory_space<vmem>>, vector<8x1xi32>,
    %broadcast_in_dim3A_90 = arith.constant 0x7F800000 : f32
    %broadcast_in_dim3A_91 = vector.broadcast %broadcast_in_dim3A_90 : f32 to vector<8x512xf32>
    %broadcast_in_dim3A_92 = arith.constant 1073741824 : i32
    %broadcast_in_dim3A_93 = vector.broadcast %broadcast_in_dim3A_92 : i32 to vector<8x512xi32>
    %while3A_94 = arith.subi %get3A_4, %get3A_1 : i32
    %while3A_95 = arith.addi %get3A_1, %while3A_94 : i32
    %while3A_96 = arith.constant 1 : i32
    %while3A_97 = arith.divsi %while3A_94, %while3A_96 : i32
    %while3A_98 = arith.muli %while3A_97, %while3A_96 : i32
    %while3A_99 = arith.addi %get3A_1, %while3A_98 : i32
    %while3A_100 = arith.constant 1 : i32
    %while3A_101:2 = scf.for %while3A_1020 = %get3A_1 to %while3A_99 step %while3A_100 iter_args(%while3A_1021 = %broadcast_in_dim3A_91, %while3A_1022 = %broadcast_in_dim3A_93) -> (vector<8x512xf32>, vector<8x512xi32>)  : i32 {
      %mul3A = arith.constant 512 : i32
      %mul3A_1023 = arith.muli %while3A_1020, %mul3A : i32
      %multiple_of3A = tpu.assume_multiple %mul3A_1023, 512 : i32
      %get3A_1024 = arith.constant 0 : index
      %get3A_1025 = arith.index_cast %multiple_of3A : i32 to index
      %get3A_1026 = vector.load %arg7[%get3A_1024, %get3A_1025] : memref<8x50176xf32, #tpu.memory_space<vmem>>, vector<8x512xf32>
      %mul3A_1027 = arith.constant 512 : i32
      %mul3A_1028 = arith.muli %while3A_1020, %mul3A_1027 : i32
      %add3A = vector.broadcast %mul3A_1028 : i32 to vector<8x512xi32>
      %add3A_1029 = arith.addi %iota3A, %add3A : vector<8x512xi32>
      %gt3A = vector.broadcast %broadcast_in_dim3A_75 : vector<8x1xf32> to vector<8x512xf32>
      %gt3A_1030 = arith.cmpf ogt, %get3A_1026, %gt3A : vector<8x512xf32>
      %eq3A_1031 = vector.broadcast %broadcast_in_dim3A_75 : vector<8x1xf32> to vector<8x512xf32>
      %eq3A_1032 = arith.cmpf oeq, %get3A_1026, %eq3A_1031 : vector<8x512xf32>
      %gt3A_1033 = vector.broadcast %broadcast_in_dim3A_83 : vector<8x1xi32> to vector<8x512xi32>
      %gt3A_1034 = arith.cmpi sgt, %add3A_1029, %gt3A_1033 : vector<8x512xi32>
      %and3A = arith.andi %eq3A_1032, %gt3A_1034 : vector<8x512xi1>
      %or3A = arith.ori %gt3A_1030, %and3A : vector<8x512xi1>
      %lt3A = arith.cmpf olt, %get3A_1026, %while3A_1021 : vector<8x512xf32>
      %and3A_1035 = arith.andi %or3A, %lt3A : vector<8x512xi1>
      %select_n3A_1036 = arith.select %and3A_1035, %add3A_1029, %while3A_1022 : vector<8x512xi1>, vector<8x512xi32>
      %select_n3A_1037 = arith.select %and3A_1035, %get3A_1026, %while3A_1021 : vector<8x512xi1>, vector<8x512xf32>
      scf.yield %select_n3A_1037, %select_n3A_1036 : vector<8x512xf32>, vector<8x512xi32>
    }
    %while3A_102 = arith.constant 1 : i32
    %while3A_103:2 = scf.for %while3A_1020 = %while3A_99 to %while3A_95 step %while3A_102 iter_args(%while3A_1021 = %while3A_101#0, %while3A_1022 = %while3A_101#1) -> (vector<8x512xf32>, vector<8x512xi32>)  : i32 {
      %mul3A = arith.constant 512 : i32
      %mul3A_1023 = arith.muli %while3A_1020, %mul3A : i32
      %multiple_of3A = tpu.assume_multiple %mul3A_1023, 512 : i32
      %get3A_1024 = arith.constant 0 : index
      %get3A_1025 = arith.index_cast %multiple_of3A : i32 to index
      %get3A_1026 = vector.load %arg7[%get3A_1024, %get3A_1025] : memref<8x50176xf32, #tpu.memory_space<vmem>>, vector<8x512xf32>
      %mul3A_1027 = arith.constant 512 : i32
      %mul3A_1028 = arith.muli %while3A_1020, %mul3A_1027 : i32
      %add3A = vector.broadcast %mul3A_1028 : i32 to vector<8x512xi32>
      %add3A_1029 = arith.addi %iota3A, %add3A : vector<8x512xi32>
      %gt3A = vector.broadcast %broadcast_in_dim3A_75 : vector<8x1xf32> to vector<8x512xf32>
      %gt3A_1030 = arith.cmpf ogt, %get3A_1026, %gt3A : vector<8x512xf32>
      %eq3A_1031 = vector.broadcast %broadcast_in_dim3A_75 : vector<8x1xf32> to vector<8x512xf32>
      %eq3A_1032 = arith.cmpf oeq, %get3A_1026, %eq3A_1031 : vector<8x512xf32>
      %gt3A_1033 = vector.broadcast %broadcast_in_dim3A_83 : vector<8x1xi32> to vector<8x512xi32>
      %gt3A_1034 = arith.cmpi sgt, %add3A_1029, %gt3A_1033 : vector<8x512xi32>
      %and3A = arith.andi %eq3A_1032, %gt3A_1034 : vector<8x512xi1>
      %or3A = arith.ori %gt3A_1030, %and3A : vector<8x512xi1>
      %lt3A = arith.cmpf olt, %get3A_1026, %while3A_1021 : vector<8x512xf32>
      %and3A_1035 = arith.andi %or3A, %lt3A : vector<8x512xi1>
      %select_n3A_1036 = arith.select %and3A_1035, %add3A_1029, %while3A_1022 : vector<8x512xi1>, vector<8x512xi32>
      %select_n3A_1037 = arith.select %and3A_1035, %get3A_1026, %while3A_1021 : vector<8x512xi1>, vector<8x512xf32>
      scf.yield %select_n3A_1037, %select_n3A_1036 : vector<8x512xf32>, vector<8x512xi32>
    }
    %reduce_min3A_104 = arith.constant dense<0x7F800000> : vector<8xf32>
    %reduce_min3A_105 = vector.multi_reduction <minimumf>, %while3A_103#0, %reduce_min3A_104 [1] : vector<8x512xf32> to vector<8xf32>
    %broadcast_in_dim3A_106 = vector.shape_cast %reduce_min3A_105 : vector<8xf32> to vector<8x1xf32>
    %eq3A_107 = vector.broadcast %broadcast_in_dim3A_106 : vector<8x1xf32> to vector<8x512xf32>
    %eq3A_108 = arith.cmpf oeq, %while3A_103#0, %eq3A_107 : vector<8x512xf32>
    %jit3A_109 = arith.constant 1073741824 : i32
    %broadcast_in_dim3A_110 = vector.broadcast %jit3A_109 : i32 to vector<8x512xi32>
    %select_n3A_111 = arith.select %eq3A_108, %while3A_103#1, %broadcast_in_dim3A_110 : vector<8x512xi1>, vector<8x512xi32>
    %reduce_min3A_112 = arith.constant dense<2147483647> : vector<8xi32>
    %reduce_min3A_113 = vector.multi_reduction <minsi>, %select_n3A_111, %reduce_min3A_112 [1] : vector<8x512xi32> to vector<8xi32>
    %broadcast_in_dim3A_114 = vector.shape_cast %reduce_min3A_113 : vector<8xi32> to vector<8x1xi32>
    %min3A_115 = arith.constant 49999 : i32
    %min3A_116 = vector.broadcast %min3A_115 : i32 to vector<8x1xi32>
    %min3A_117 = arith.minsi %broadcast_in_dim3A_114, %min3A_116 : vector<8x1xi32>
    %swap3A_118 = arith.constant 0 : index
    %swap3A_119 = arith.constant 2 : index
    %swap3A_120 = vector.load %arg6[%swap3A_118, %swap3A_119] : memref<8x32xi32, #tpu.memory_space<vmem>>, vector<8x1xi32>
    tpu.vector_store %arg6[%swap3A_118, %swap3A_119], %min3A_117 {strides = array<i32>} : memref<8x32xi32, #tpu.memory_space<vmem>>, vector<8x1xi32>,
    %broadcast_in_dim3A_121 = arith.constant 0x7F800000 : f32
    %broadcast_in_dim3A_122 = vector.broadcast %broadcast_in_dim3A_121 : f32 to vector<8x512xf32>
    %broadcast_in_dim3A_123 = arith.constant 1073741824 : i32
    %broadcast_in_dim3A_124 = vector.broadcast %broadcast_in_dim3A_123 : i32 to vector<8x512xi32>
    %while3A_125 = arith.subi %get3A_4, %get3A_1 : i32
    %while3A_126 = arith.addi %get3A_1, %while3A_125 : i32
    %while3A_127 = arith.constant 1 : i32
    %while3A_128 = arith.divsi %while3A_125, %while3A_127 : i32
    %while3A_129 = arith.muli %while3A_128, %while3A_127 : i32
    %while3A_130 = arith.addi %get3A_1, %while3A_129 : i32
    %while3A_131 = arith.constant 1 : i32
    %while3A_132:2 = scf.for %while3A_1020 = %get3A_1 to %while3A_130 step %while3A_131 iter_args(%while3A_1021 = %broadcast_in_dim3A_122, %while3A_1022 = %broadcast_in_dim3A_124) -> (vector<8x512xf32>, vector<8x512xi32>)  : i32 {
      %mul3A = arith.constant 512 : i32
      %mul3A_1023 = arith.muli %while3A_1020, %mul3A : i32
      %multiple_of3A = tpu.assume_multiple %mul3A_1023, 512 : i32
      %get3A_1024 = arith.constant 0 : index
      %get3A_1025 = arith.index_cast %multiple_of3A : i32 to index
      %get3A_1026 = vector.load %arg7[%get3A_1024, %get3A_1025] : memref<8x50176xf32, #tpu.memory_space<vmem>>, vector<8x512xf32>
      %mul3A_1027 = arith.constant 512 : i32
      %mul3A_1028 = arith.muli %while3A_1020, %mul3A_1027 : i32
      %add3A = vector.broadcast %mul3A_1028 : i32 to vector<8x512xi32>
      %add3A_1029 = arith.addi %iota3A, %add3A : vector<8x512xi32>
      %gt3A = vector.broadcast %broadcast_in_dim3A_106 : vector<8x1xf32> to vector<8x512xf32>
      %gt3A_1030 = arith.cmpf ogt, %get3A_1026, %gt3A : vector<8x512xf32>
      %eq3A_1031 = vector.broadcast %broadcast_in_dim3A_106 : vector<8x1xf32> to vector<8x512xf32>
      %eq3A_1032 = arith.cmpf oeq, %get3A_1026, %eq3A_1031 : vector<8x512xf32>
      %gt3A_1033 = vector.broadcast %broadcast_in_dim3A_114 : vector<8x1xi32> to vector<8x512xi32>
      %gt3A_1034 = arith.cmpi sgt, %add3A_1029, %gt3A_1033 : vector<8x512xi32>
      %and3A = arith.andi %eq3A_1032, %gt3A_1034 : vector<8x512xi1>
      %or3A = arith.ori %gt3A_1030, %and3A : vector<8x512xi1>
      %lt3A = arith.cmpf olt, %get3A_1026, %while3A_1021 : vector<8x512xf32>
      %and3A_1035 = arith.andi %or3A, %lt3A : vector<8x512xi1>
      %select_n3A_1036 = arith.select %and3A_1035, %add3A_1029, %while3A_1022 : vector<8x512xi1>, vector<8x512xi32>
      %select_n3A_1037 = arith.select %and3A_1035, %get3A_1026, %while3A_1021 : vector<8x512xi1>, vector<8x512xf32>
      scf.yield %select_n3A_1037, %select_n3A_1036 : vector<8x512xf32>, vector<8x512xi32>
    }
    %while3A_133 = arith.constant 1 : i32
    %while3A_134:2 = scf.for %while3A_1020 = %while3A_130 to %while3A_126 step %while3A_133 iter_args(%while3A_1021 = %while3A_132#0, %while3A_1022 = %while3A_132#1) -> (vector<8x512xf32>, vector<8x512xi32>)  : i32 {
      %mul3A = arith.constant 512 : i32
      %mul3A_1023 = arith.muli %while3A_1020, %mul3A : i32
      %multiple_of3A = tpu.assume_multiple %mul3A_1023, 512 : i32
      %get3A_1024 = arith.constant 0 : index
      %get3A_1025 = arith.index_cast %multiple_of3A : i32 to index
      %get3A_1026 = vector.load %arg7[%get3A_1024, %get3A_1025] : memref<8x50176xf32, #tpu.memory_space<vmem>>, vector<8x512xf32>
      %mul3A_1027 = arith.constant 512 : i32
      %mul3A_1028 = arith.muli %while3A_1020, %mul3A_1027 : i32
      %add3A = vector.broadcast %mul3A_1028 : i32 to vector<8x512xi32>
      %add3A_1029 = arith.addi %iota3A, %add3A : vector<8x512xi32>
      %gt3A = vector.broadcast %broadcast_in_dim3A_106 : vector<8x1xf32> to vector<8x512xf32>
      %gt3A_1030 = arith.cmpf ogt, %get3A_1026, %gt3A : vector<8x512xf32>
      %eq3A_1031 = vector.broadcast %broadcast_in_dim3A_106 : vector<8x1xf32> to vector<8x512xf32>
      %eq3A_1032 = arith.cmpf oeq, %get3A_1026, %eq3A_1031 : vector<8x512xf32>
      %gt3A_1033 = vector.broadcast %broadcast_in_dim3A_114 : vector<8x1xi32> to vector<8x512xi32>
      %gt3A_1034 = arith.cmpi sgt, %add3A_1029, %gt3A_1033 : vector<8x512xi32>
      %and3A = arith.andi %eq3A_1032, %gt3A_1034 : vector<8x512xi1>
      %or3A = arith.ori %gt3A_1030, %and3A : vector<8x512xi1>
      %lt3A = arith.cmpf olt, %get3A_1026, %while3A_1021 : vector<8x512xf32>
      %and3A_1035 = arith.andi %or3A, %lt3A : vector<8x512xi1>
      %select_n3A_1036 = arith.select %and3A_1035, %add3A_1029, %while3A_1022 : vector<8x512xi1>, vector<8x512xi32>
      %select_n3A_1037 = arith.select %and3A_1035, %get3A_1026, %while3A_1021 : vector<8x512xi1>, vector<8x512xf32>
      scf.yield %select_n3A_1037, %select_n3A_1036 : vector<8x512xf32>, vector<8x512xi32>
    }
    %reduce_min3A_135 = arith.constant dense<0x7F800000> : vector<8xf32>
    %reduce_min3A_136 = vector.multi_reduction <minimumf>, %while3A_134#0, %reduce_min3A_135 [1] : vector<8x512xf32> to vector<8xf32>
    %broadcast_in_dim3A_137 = vector.shape_cast %reduce_min3A_136 : vector<8xf32> to vector<8x1xf32>
    %eq3A_138 = vector.broadcast %broadcast_in_dim3A_137 : vector<8x1xf32> to vector<8x512xf32>
    %eq3A_139 = arith.cmpf oeq, %while3A_134#0, %eq3A_138 : vector<8x512xf32>
    %jit3A_140 = arith.constant 1073741824 : i32
    %broadcast_in_dim3A_141 = vector.broadcast %jit3A_140 : i32 to vector<8x512xi32>
    %select_n3A_142 = arith.select %eq3A_139, %while3A_134#1, %broadcast_in_dim3A_141 : vector<8x512xi1>, vector<8x512xi32>
    %reduce_min3A_143 = arith.constant dense<2147483647> : vector<8xi32>
    %reduce_min3A_144 = vector.multi_reduction <minsi>, %select_n3A_142, %reduce_min3A_143 [1] : vector<8x512xi32> to vector<8xi32>
    %broadcast_in_dim3A_145 = vector.shape_cast %reduce_min3A_144 : vector<8xi32> to vector<8x1xi32>
    %min3A_146 = arith.constant 49999 : i32
    %min3A_147 = vector.broadcast %min3A_146 : i32 to vector<8x1xi32>
    %min3A_148 = arith.minsi %broadcast_in_dim3A_145, %min3A_147 : vector<8x1xi32>
    %swap3A_149 = arith.constant 0 : index
    %swap3A_150 = arith.constant 3 : index
    %swap3A_151 = vector.load %arg6[%swap3A_149, %swap3A_150] : memref<8x32xi32, #tpu.memory_space<vmem>>, vector<8x1xi32>
    tpu.vector_store %arg6[%swap3A_149, %swap3A_150], %min3A_148 {strides = array<i32>} : memref<8x32xi32, #tpu.memory_space<vmem>>, vector<8x1xi32>,
    %broadcast_in_dim3A_152 = arith.constant 0x7F800000 : f32
    %broadcast_in_dim3A_153 = vector.broadcast %broadcast_in_dim3A_152 : f32 to vector<8x512xf32>
    %broadcast_in_dim3A_154 = arith.constant 1073741824 : i32
    %broadcast_in_dim3A_155 = vector.broadcast %broadcast_in_dim3A_154 : i32 to vector<8x512xi32>
    %while3A_156 = arith.subi %get3A_4, %get3A_1 : i32
    %while3A_157 = arith.addi %get3A_1, %while3A_156 : i32
    %while3A_158 = arith.constant 1 : i32
    %while3A_159 = arith.divsi %while3A_156, %while3A_158 : i32
    %while3A_160 = arith.muli %while3A_159, %while3A_158 : i32
    %while3A_161 = arith.addi %get3A_1, %while3A_160 : i32
    %while3A_162 = arith.constant 1 : i32
    %while3A_163:2 = scf.for %while3A_1020 = %get3A_1 to %while3A_161 step %while3A_162 iter_args(%while3A_1021 = %broadcast_in_dim3A_153, %while3A_1022 = %broadcast_in_dim3A_155) -> (vector<8x512xf32>, vector<8x512xi32>)  : i32 {
      %mul3A = arith.constant 512 : i32
      %mul3A_1023 = arith.muli %while3A_1020, %mul3A : i32
      %multiple_of3A = tpu.assume_multiple %mul3A_1023, 512 : i32
      %get3A_1024 = arith.constant 0 : index
      %get3A_1025 = arith.index_cast %multiple_of3A : i32 to index
      %get3A_1026 = vector.load %arg7[%get3A_1024, %get3A_1025] : memref<8x50176xf32, #tpu.memory_space<vmem>>, vector<8x512xf32>
      %mul3A_1027 = arith.constant 512 : i32
      %mul3A_1028 = arith.muli %while3A_1020, %mul3A_1027 : i32
      %add3A = vector.broadcast %mul3A_1028 : i32 to vector<8x512xi32>
      %add3A_1029 = arith.addi %iota3A, %add3A : vector<8x512xi32>
      %gt3A = vector.broadcast %broadcast_in_dim3A_137 : vector<8x1xf32> to vector<8x512xf32>
      %gt3A_1030 = arith.cmpf ogt, %get3A_1026, %gt3A : vector<8x512xf32>
      %eq3A_1031 = vector.broadcast %broadcast_in_dim3A_137 : vector<8x1xf32> to vector<8x512xf32>
      %eq3A_1032 = arith.cmpf oeq, %get3A_1026, %eq3A_1031 : vector<8x512xf32>
      %gt3A_1033 = vector.broadcast %broadcast_in_dim3A_145 : vector<8x1xi32> to vector<8x512xi32>
      %gt3A_1034 = arith.cmpi sgt, %add3A_1029, %gt3A_1033 : vector<8x512xi32>
      %and3A = arith.andi %eq3A_1032, %gt3A_1034 : vector<8x512xi1>
      %or3A = arith.ori %gt3A_1030, %and3A : vector<8x512xi1>
      %lt3A = arith.cmpf olt, %get3A_1026, %while3A_1021 : vector<8x512xf32>
      %and3A_1035 = arith.andi %or3A, %lt3A : vector<8x512xi1>
      %select_n3A_1036 = arith.select %and3A_1035, %add3A_1029, %while3A_1022 : vector<8x512xi1>, vector<8x512xi32>
      %select_n3A_1037 = arith.select %and3A_1035, %get3A_1026, %while3A_1021 : vector<8x512xi1>, vector<8x512xf32>
      scf.yield %select_n3A_1037, %select_n3A_1036 : vector<8x512xf32>, vector<8x512xi32>
    }
    %while3A_164 = arith.constant 1 : i32
    %while3A_165:2 = scf.for %while3A_1020 = %while3A_161 to %while3A_157 step %while3A_164 iter_args(%while3A_1021 = %while3A_163#0, %while3A_1022 = %while3A_163#1) -> (vector<8x512xf32>, vector<8x512xi32>)  : i32 {
      %mul3A = arith.constant 512 : i32
      %mul3A_1023 = arith.muli %while3A_1020, %mul3A : i32
      %multiple_of3A = tpu.assume_multiple %mul3A_1023, 512 : i32
      %get3A_1024 = arith.constant 0 : index
      %get3A_1025 = arith.index_cast %multiple_of3A : i32 to index
      %get3A_1026 = vector.load %arg7[%get3A_1024, %get3A_1025] : memref<8x50176xf32, #tpu.memory_space<vmem>>, vector<8x512xf32>
      %mul3A_1027 = arith.constant 512 : i32
      %mul3A_1028 = arith.muli %while3A_1020, %mul3A_1027 : i32
      %add3A = vector.broadcast %mul3A_1028 : i32 to vector<8x512xi32>
      %add3A_1029 = arith.addi %iota3A, %add3A : vector<8x512xi32>
      %gt3A = vector.broadcast %broadcast_in_dim3A_137 : vector<8x1xf32> to vector<8x512xf32>
      %gt3A_1030 = arith.cmpf ogt, %get3A_1026, %gt3A : vector<8x512xf32>
      %eq3A_1031 = vector.broadcast %broadcast_in_dim3A_137 : vector<8x1xf32> to vector<8x512xf32>
      %eq3A_1032 = arith.cmpf oeq, %get3A_1026, %eq3A_1031 : vector<8x512xf32>
      %gt3A_1033 = vector.broadcast %broadcast_in_dim3A_145 : vector<8x1xi32> to vector<8x512xi32>
      %gt3A_1034 = arith.cmpi sgt, %add3A_1029, %gt3A_1033 : vector<8x512xi32>
      %and3A = arith.andi %eq3A_1032, %gt3A_1034 : vector<8x512xi1>
      %or3A = arith.ori %gt3A_1030, %and3A : vector<8x512xi1>
      %lt3A = arith.cmpf olt, %get3A_1026, %while3A_1021 : vector<8x512xf32>
      %and3A_1035 = arith.andi %or3A, %lt3A : vector<8x512xi1>
      %select_n3A_1036 = arith.select %and3A_1035, %add3A_1029, %while3A_1022 : vector<8x512xi1>, vector<8x512xi32>
      %select_n3A_1037 = arith.select %and3A_1035, %get3A_1026, %while3A_1021 : vector<8x512xi1>, vector<8x512xf32>
      scf.yield %select_n3A_1037, %select_n3A_1036 : vector<8x512xf32>, vector<8x512xi32>
    }
    %reduce_min3A_166 = arith.constant dense<0x7F800000> : vector<8xf32>
    %reduce_min3A_167 = vector.multi_reduction <minimumf>, %while3A_165#0, %reduce_min3A_166 [1] : vector<8x512xf32> to vector<8xf32>
    %broadcast_in_dim3A_168 = vector.shape_cast %reduce_min3A_167 : vector<8xf32> to vector<8x1xf32>
    %eq3A_169 = vector.broadcast %broadcast_in_dim3A_168 : vector<8x1xf32> to vector<8x512xf32>
    %eq3A_170 = arith.cmpf oeq, %while3A_165#0, %eq3A_169 : vector<8x512xf32>
    %jit3A_171 = arith.constant 1073741824 : i32
    %broadcast_in_dim3A_172 = vector.broadcast %jit3A_171 : i32 to vector<8x512xi32>
    %select_n3A_173 = arith.select %eq3A_170, %while3A_165#1, %broadcast_in_dim3A_172 : vector<8x512xi1>, vector<8x512xi32>
    %reduce_min3A_174 = arith.constant dense<2147483647> : vector<8xi32>
    %reduce_min3A_175 = vector.multi_reduction <minsi>, %select_n3A_173, %reduce_min3A_174 [1] : vector<8x512xi32> to vector<8xi32>
    %broadcast_in_dim3A_176 = vector.shape_cast %reduce_min3A_175 : vector<8xi32> to vector<8x1xi32>
    %min3A_177 = arith.constant 49999 : i32
    %min3A_178 = vector.broadcast %min3A_177 : i32 to vector<8x1xi32>
    %min3A_179 = arith.minsi %broadcast_in_dim3A_176, %min3A_178 : vector<8x1xi32>
    %swap3A_180 = arith.constant 0 : index
    %swap3A_181 = arith.constant 4 : index
    %swap3A_182 = vector.load %arg6[%swap3A_180, %swap3A_181] : memref<8x32xi32, #tpu.memory_space<vmem>>, vector<8x1xi32>
    tpu.vector_store %arg6[%swap3A_180, %swap3A_181], %min3A_179 {strides = array<i32>} : memref<8x32xi32, #tpu.memory_space<vmem>>, vector<8x1xi32>,
    %broadcast_in_dim3A_183 = arith.constant 0x7F800000 : f32
    %broadcast_in_dim3A_184 = vector.broadcast %broadcast_in_dim3A_183 : f32 to vector<8x512xf32>
    %broadcast_in_dim3A_185 = arith.constant 1073741824 : i32
    %broadcast_in_dim3A_186 = vector.broadcast %broadcast_in_dim3A_185 : i32 to vector<8x512xi32>
    %while3A_187 = arith.subi %get3A_4, %get3A_1 : i32
    %while3A_188 = arith.addi %get3A_1, %while3A_187 : i32
    %while3A_189 = arith.constant 1 : i32
    %while3A_190 = arith.divsi %while3A_187, %while3A_189 : i32
    %while3A_191 = arith.muli %while3A_190, %while3A_189 : i32
    %while3A_192 = arith.addi %get3A_1, %while3A_191 : i32
    %while3A_193 = arith.constant 1 : i32
    %while3A_194:2 = scf.for %while3A_1020 = %get3A_1 to %while3A_192 step %while3A_193 iter_args(%while3A_1021 = %broadcast_in_dim3A_184, %while3A_1022 = %broadcast_in_dim3A_186) -> (vector<8x512xf32>, vector<8x512xi32>)  : i32 {
      %mul3A = arith.constant 512 : i32
      %mul3A_1023 = arith.muli %while3A_1020, %mul3A : i32
      %multiple_of3A = tpu.assume_multiple %mul3A_1023, 512 : i32
      %get3A_1024 = arith.constant 0 : index
      %get3A_1025 = arith.index_cast %multiple_of3A : i32 to index
      %get3A_1026 = vector.load %arg7[%get3A_1024, %get3A_1025] : memref<8x50176xf32, #tpu.memory_space<vmem>>, vector<8x512xf32>
      %mul3A_1027 = arith.constant 512 : i32
      %mul3A_1028 = arith.muli %while3A_1020, %mul3A_1027 : i32
      %add3A = vector.broadcast %mul3A_1028 : i32 to vector<8x512xi32>
      %add3A_1029 = arith.addi %iota3A, %add3A : vector<8x512xi32>
      %gt3A = vector.broadcast %broadcast_in_dim3A_168 : vector<8x1xf32> to vector<8x512xf32>
      %gt3A_1030 = arith.cmpf ogt, %get3A_1026, %gt3A : vector<8x512xf32>
      %eq3A_1031 = vector.broadcast %broadcast_in_dim3A_168 : vector<8x1xf32> to vector<8x512xf32>
      %eq3A_1032 = arith.cmpf oeq, %get3A_1026, %eq3A_1031 : vector<8x512xf32>
      %gt3A_1033 = vector.broadcast %broadcast_in_dim3A_176 : vector<8x1xi32> to vector<8x512xi32>
      %gt3A_1034 = arith.cmpi sgt, %add3A_1029, %gt3A_1033 : vector<8x512xi32>
      %and3A = arith.andi %eq3A_1032, %gt3A_1034 : vector<8x512xi1>
      %or3A = arith.ori %gt3A_1030, %and3A : vector<8x512xi1>
      %lt3A = arith.cmpf olt, %get3A_1026, %while3A_1021 : vector<8x512xf32>
      %and3A_1035 = arith.andi %or3A, %lt3A : vector<8x512xi1>
      %select_n3A_1036 = arith.select %and3A_1035, %add3A_1029, %while3A_1022 : vector<8x512xi1>, vector<8x512xi32>
      %select_n3A_1037 = arith.select %and3A_1035, %get3A_1026, %while3A_1021 : vector<8x512xi1>, vector<8x512xf32>
      scf.yield %select_n3A_1037, %select_n3A_1036 : vector<8x512xf32>, vector<8x512xi32>
    }
    %while3A_195 = arith.constant 1 : i32
    %while3A_196:2 = scf.for %while3A_1020 = %while3A_192 to %while3A_188 step %while3A_195 iter_args(%while3A_1021 = %while3A_194#0, %while3A_1022 = %while3A_194#1) -> (vector<8x512xf32>, vector<8x512xi32>)  : i32 {
      %mul3A = arith.constant 512 : i32
      %mul3A_1023 = arith.muli %while3A_1020, %mul3A : i32
      %multiple_of3A = tpu.assume_multiple %mul3A_1023, 512 : i32
      %get3A_1024 = arith.constant 0 : index
      %get3A_1025 = arith.index_cast %multiple_of3A : i32 to index
      %get3A_1026 = vector.load %arg7[%get3A_1024, %get3A_1025] : memref<8x50176xf32, #tpu.memory_space<vmem>>, vector<8x512xf32>
      %mul3A_1027 = arith.constant 512 : i32
      %mul3A_1028 = arith.muli %while3A_1020, %mul3A_1027 : i32
      %add3A = vector.broadcast %mul3A_1028 : i32 to vector<8x512xi32>
      %add3A_1029 = arith.addi %iota3A, %add3A : vector<8x512xi32>
      %gt3A = vector.broadcast %broadcast_in_dim3A_168 : vector<8x1xf32> to vector<8x512xf32>
      %gt3A_1030 = arith.cmpf ogt, %get3A_1026, %gt3A : vector<8x512xf32>
      %eq3A_1031 = vector.broadcast %broadcast_in_dim3A_168 : vector<8x1xf32> to vector<8x512xf32>
      %eq3A_1032 = arith.cmpf oeq, %get3A_1026, %eq3A_1031 : vector<8x512xf32>
      %gt3A_1033 = vector.broadcast %broadcast_in_dim3A_176 : vector<8x1xi32> to vector<8x512xi32>
      %gt3A_1034 = arith.cmpi sgt, %add3A_1029, %gt3A_1033 : vector<8x512xi32>
      %and3A = arith.andi %eq3A_1032, %gt3A_1034 : vector<8x512xi1>
      %or3A = arith.ori %gt3A_1030, %and3A : vector<8x512xi1>
      %lt3A = arith.cmpf olt, %get3A_1026, %while3A_1021 : vector<8x512xf32>
      %and3A_1035 = arith.andi %or3A, %lt3A : vector<8x512xi1>
      %select_n3A_1036 = arith.select %and3A_1035, %add3A_1029, %while3A_1022 : vector<8x512xi1>, vector<8x512xi32>
      %select_n3A_1037 = arith.select %and3A_1035, %get3A_1026, %while3A_1021 : vector<8x512xi1>, vector<8x512xf32>
      scf.yield %select_n3A_1037, %select_n3A_1036 : vector<8x512xf32>, vector<8x512xi32>
    }
    %reduce_min3A_197 = arith.constant dense<0x7F800000> : vector<8xf32>
    %reduce_min3A_198 = vector.multi_reduction <minimumf>, %while3A_196#0, %reduce_min3A_197 [1] : vector<8x512xf32> to vector<8xf32>
    %broadcast_in_dim3A_199 = vector.shape_cast %reduce_min3A_198 : vector<8xf32> to vector<8x1xf32>
    %eq3A_200 = vector.broadcast %broadcast_in_dim3A_199 : vector<8x1xf32> to vector<8x512xf32>
    %eq3A_201 = arith.cmpf oeq, %while3A_196#0, %eq3A_200 : vector<8x512xf32>
    %jit3A_202 = arith.constant 1073741824 : i32
    %broadcast_in_dim3A_203 = vector.broadcast %jit3A_202 : i32 to vector<8x512xi32>
    %select_n3A_204 = arith.select %eq3A_201, %while3A_196#1, %broadcast_in_dim3A_203 : vector<8x512xi1>, vector<8x512xi32>
    %reduce_min3A_205 = arith.constant dense<2147483647> : vector<8xi32>
    %reduce_min3A_206 = vector.multi_reduction <minsi>, %select_n3A_204, %reduce_min3A_205 [1] : vector<8x512xi32> to vector<8xi32>
    %broadcast_in_dim3A_207 = vector.shape_cast %reduce_min3A_206 : vector<8xi32> to vector<8x1xi32>
    %min3A_208 = arith.constant 49999 : i32
    %min3A_209 = vector.broadcast %min3A_208 : i32 to vector<8x1xi32>
    %min3A_210 = arith.minsi %broadcast_in_dim3A_207, %min3A_209 : vector<8x1xi32>
    %swap3A_211 = arith.constant 0 : index
    %swap3A_212 = arith.constant 5 : index
    %swap3A_213 = vector.load %arg6[%swap3A_211, %swap3A_212] : memref<8x32xi32, #tpu.memory_space<vmem>>, vector<8x1xi32>
    tpu.vector_store %arg6[%swap3A_211, %swap3A_212], %min3A_210 {strides = array<i32>} : memref<8x32xi32, #tpu.memory_space<vmem>>, vector<8x1xi32>,
    %broadcast_in_dim3A_214 = arith.constant 0x7F800000 : f32
    %broadcast_in_dim3A_215 = vector.broadcast %broadcast_in_dim3A_214 : f32 to vector<8x512xf32>
    %broadcast_in_dim3A_216 = arith.constant 1073741824 : i32
    %broadcast_in_dim3A_217 = vector.broadcast %broadcast_in_dim3A_216 : i32 to vector<8x512xi32>
    %while3A_218 = arith.subi %get3A_4, %get3A_1 : i32
    %while3A_219 = arith.addi %get3A_1, %while3A_218 : i32
    %while3A_220 = arith.constant 1 : i32
    %while3A_221 = arith.divsi %while3A_218, %while3A_220 : i32
    %while3A_222 = arith.muli %while3A_221, %while3A_220 : i32
    %while3A_223 = arith.addi %get3A_1, %while3A_222 : i32
    %while3A_224 = arith.constant 1 : i32
    %while3A_225:2 = scf.for %while3A_1020 = %get3A_1 to %while3A_223 step %while3A_224 iter_args(%while3A_1021 = %broadcast_in_dim3A_215, %while3A_1022 = %broadcast_in_dim3A_217) -> (vector<8x512xf32>, vector<8x512xi32>)  : i32 {
      %mul3A = arith.constant 512 : i32
      %mul3A_1023 = arith.muli %while3A_1020, %mul3A : i32
      %multiple_of3A = tpu.assume_multiple %mul3A_1023, 512 : i32
      %get3A_1024 = arith.constant 0 : index
      %get3A_1025 = arith.index_cast %multiple_of3A : i32 to index
      %get3A_1026 = vector.load %arg7[%get3A_1024, %get3A_1025] : memref<8x50176xf32, #tpu.memory_space<vmem>>, vector<8x512xf32>
      %mul3A_1027 = arith.constant 512 : i32
      %mul3A_1028 = arith.muli %while3A_1020, %mul3A_1027 : i32
      %add3A = vector.broadcast %mul3A_1028 : i32 to vector<8x512xi32>
      %add3A_1029 = arith.addi %iota3A, %add3A : vector<8x512xi32>
      %gt3A = vector.broadcast %broadcast_in_dim3A_199 : vector<8x1xf32> to vector<8x512xf32>
      %gt3A_1030 = arith.cmpf ogt, %get3A_1026, %gt3A : vector<8x512xf32>
      %eq3A_1031 = vector.broadcast %broadcast_in_dim3A_199 : vector<8x1xf32> to vector<8x512xf32>
      %eq3A_1032 = arith.cmpf oeq, %get3A_1026, %eq3A_1031 : vector<8x512xf32>
      %gt3A_1033 = vector.broadcast %broadcast_in_dim3A_207 : vector<8x1xi32> to vector<8x512xi32>
      %gt3A_1034 = arith.cmpi sgt, %add3A_1029, %gt3A_1033 : vector<8x512xi32>
      %and3A = arith.andi %eq3A_1032, %gt3A_1034 : vector<8x512xi1>
      %or3A = arith.ori %gt3A_1030, %and3A : vector<8x512xi1>
      %lt3A = arith.cmpf olt, %get3A_1026, %while3A_1021 : vector<8x512xf32>
      %and3A_1035 = arith.andi %or3A, %lt3A : vector<8x512xi1>
      %select_n3A_1036 = arith.select %and3A_1035, %add3A_1029, %while3A_1022 : vector<8x512xi1>, vector<8x512xi32>
      %select_n3A_1037 = arith.select %and3A_1035, %get3A_1026, %while3A_1021 : vector<8x512xi1>, vector<8x512xf32>
      scf.yield %select_n3A_1037, %select_n3A_1036 : vector<8x512xf32>, vector<8x512xi32>
    }
    %while3A_226 = arith.constant 1 : i32
    %while3A_227:2 = scf.for %while3A_1020 = %while3A_223 to %while3A_219 step %while3A_226 iter_args(%while3A_1021 = %while3A_225#0, %while3A_1022 = %while3A_225#1) -> (vector<8x512xf32>, vector<8x512xi32>)  : i32 {
      %mul3A = arith.constant 512 : i32
      %mul3A_1023 = arith.muli %while3A_1020, %mul3A : i32
      %multiple_of3A = tpu.assume_multiple %mul3A_1023, 512 : i32
      %get3A_1024 = arith.constant 0 : index
      %get3A_1025 = arith.index_cast %multiple_of3A : i32 to index
      %get3A_1026 = vector.load %arg7[%get3A_1024, %get3A_1025] : memref<8x50176xf32, #tpu.memory_space<vmem>>, vector<8x512xf32>
      %mul3A_1027 = arith.constant 512 : i32
      %mul3A_1028 = arith.muli %while3A_1020, %mul3A_1027 : i32
      %add3A = vector.broadcast %mul3A_1028 : i32 to vector<8x512xi32>
      %add3A_1029 = arith.addi %iota3A, %add3A : vector<8x512xi32>
      %gt3A = vector.broadcast %broadcast_in_dim3A_199 : vector<8x1xf32> to vector<8x512xf32>
      %gt3A_1030 = arith.cmpf ogt, %get3A_1026, %gt3A : vector<8x512xf32>
      %eq3A_1031 = vector.broadcast %broadcast_in_dim3A_199 : vector<8x1xf32> to vector<8x512xf32>
      %eq3A_1032 = arith.cmpf oeq, %get3A_1026, %eq3A_1031 : vector<8x512xf32>
      %gt3A_1033 = vector.broadcast %broadcast_in_dim3A_207 : vector<8x1xi32> to vector<8x512xi32>
      %gt3A_1034 = arith.cmpi sgt, %add3A_1029, %gt3A_1033 : vector<8x512xi32>
      %and3A = arith.andi %eq3A_1032, %gt3A_1034 : vector<8x512xi1>
      %or3A = arith.ori %gt3A_1030, %and3A : vector<8x512xi1>
      %lt3A = arith.cmpf olt, %get3A_1026, %while3A_1021 : vector<8x512xf32>
      %and3A_1035 = arith.andi %or3A, %lt3A : vector<8x512xi1>
      %select_n3A_1036 = arith.select %and3A_1035, %add3A_1029, %while3A_1022 : vector<8x512xi1>, vector<8x512xi32>
      %select_n3A_1037 = arith.select %and3A_1035, %get3A_1026, %while3A_1021 : vector<8x512xi1>, vector<8x512xf32>
      scf.yield %select_n3A_1037, %select_n3A_1036 : vector<8x512xf32>, vector<8x512xi32>
    }
    %reduce_min3A_228 = arith.constant dense<0x7F800000> : vector<8xf32>
    %reduce_min3A_229 = vector.multi_reduction <minimumf>, %while3A_227#0, %reduce_min3A_228 [1] : vector<8x512xf32> to vector<8xf32>
    %broadcast_in_dim3A_230 = vector.shape_cast %reduce_min3A_229 : vector<8xf32> to vector<8x1xf32>
    %eq3A_231 = vector.broadcast %broadcast_in_dim3A_230 : vector<8x1xf32> to vector<8x512xf32>
    %eq3A_232 = arith.cmpf oeq, %while3A_227#0, %eq3A_231 : vector<8x512xf32>
    %jit3A_233 = arith.constant 1073741824 : i32
    %broadcast_in_dim3A_234 = vector.broadcast %jit3A_233 : i32 to vector<8x512xi32>
    %select_n3A_235 = arith.select %eq3A_232, %while3A_227#1, %broadcast_in_dim3A_234 : vector<8x512xi1>, vector<8x512xi32>
    %reduce_min3A_236 = arith.constant dense<2147483647> : vector<8xi32>
    %reduce_min3A_237 = vector.multi_reduction <minsi>, %select_n3A_235, %reduce_min3A_236 [1] : vector<8x512xi32> to vector<8xi32>
    %broadcast_in_dim3A_238 = vector.shape_cast %reduce_min3A_237 : vector<8xi32> to vector<8x1xi32>
    %min3A_239 = arith.constant 49999 : i32
    %min3A_240 = vector.broadcast %min3A_239 : i32 to vector<8x1xi32>
    %min3A_241 = arith.minsi %broadcast_in_dim3A_238, %min3A_240 : vector<8x1xi32>
    %swap3A_242 = arith.constant 0 : index
    %swap3A_243 = arith.constant 6 : index
    %swap3A_244 = vector.load %arg6[%swap3A_242, %swap3A_243] : memref<8x32xi32, #tpu.memory_space<vmem>>, vector<8x1xi32>
    tpu.vector_store %arg6[%swap3A_242, %swap3A_243], %min3A_241 {strides = array<i32>} : memref<8x32xi32, #tpu.memory_space<vmem>>, vector<8x1xi32>,
    %broadcast_in_dim3A_245 = arith.constant 0x7F800000 : f32
    %broadcast_in_dim3A_246 = vector.broadcast %broadcast_in_dim3A_245 : f32 to vector<8x512xf32>
    %broadcast_in_dim3A_247 = arith.constant 1073741824 : i32
    %broadcast_in_dim3A_248 = vector.broadcast %broadcast_in_dim3A_247 : i32 to vector<8x512xi32>
    %while3A_249 = arith.subi %get3A_4, %get3A_1 : i32
    %while3A_250 = arith.addi %get3A_1, %while3A_249 : i32
    %while3A_251 = arith.constant 1 : i32
    %while3A_252 = arith.divsi %while3A_249, %while3A_251 : i32
    %while3A_253 = arith.muli %while3A_252, %while3A_251 : i32
    %while3A_254 = arith.addi %get3A_1, %while3A_253 : i32
    %while3A_255 = arith.constant 1 : i32
    %while3A_256:2 = scf.for %while3A_1020 = %get3A_1 to %while3A_254 step %while3A_255 iter_args(%while3A_1021 = %broadcast_in_dim3A_246, %while3A_1022 = %broadcast_in_dim3A_248) -> (vector<8x512xf32>, vector<8x512xi32>)  : i32 {
      %mul3A = arith.constant 512 : i32
      %mul3A_1023 = arith.muli %while3A_1020, %mul3A : i32
      %multiple_of3A = tpu.assume_multiple %mul3A_1023, 512 : i32
      %get3A_1024 = arith.constant 0 : index
      %get3A_1025 = arith.index_cast %multiple_of3A : i32 to index
      %get3A_1026 = vector.load %arg7[%get3A_1024, %get3A_1025] : memref<8x50176xf32, #tpu.memory_space<vmem>>, vector<8x512xf32>
      %mul3A_1027 = arith.constant 512 : i32
      %mul3A_1028 = arith.muli %while3A_1020, %mul3A_1027 : i32
      %add3A = vector.broadcast %mul3A_1028 : i32 to vector<8x512xi32>
      %add3A_1029 = arith.addi %iota3A, %add3A : vector<8x512xi32>
      %gt3A = vector.broadcast %broadcast_in_dim3A_230 : vector<8x1xf32> to vector<8x512xf32>
      %gt3A_1030 = arith.cmpf ogt, %get3A_1026, %gt3A : vector<8x512xf32>
      %eq3A_1031 = vector.broadcast %broadcast_in_dim3A_230 : vector<8x1xf32> to vector<8x512xf32>
      %eq3A_1032 = arith.cmpf oeq, %get3A_1026, %eq3A_1031 : vector<8x512xf32>
      %gt3A_1033 = vector.broadcast %broadcast_in_dim3A_238 : vector<8x1xi32> to vector<8x512xi32>
      %gt3A_1034 = arith.cmpi sgt, %add3A_1029, %gt3A_1033 : vector<8x512xi32>
      %and3A = arith.andi %eq3A_1032, %gt3A_1034 : vector<8x512xi1>
      %or3A = arith.ori %gt3A_1030, %and3A : vector<8x512xi1>
      %lt3A = arith.cmpf olt, %get3A_1026, %while3A_1021 : vector<8x512xf32>
      %and3A_1035 = arith.andi %or3A, %lt3A : vector<8x512xi1>
      %select_n3A_1036 = arith.select %and3A_1035, %add3A_1029, %while3A_1022 : vector<8x512xi1>, vector<8x512xi32>
      %select_n3A_1037 = arith.select %and3A_1035, %get3A_1026, %while3A_1021 : vector<8x512xi1>, vector<8x512xf32>
      scf.yield %select_n3A_1037, %select_n3A_1036 : vector<8x512xf32>, vector<8x512xi32>
    }
    %while3A_257 = arith.constant 1 : i32
    %while3A_258:2 = scf.for %while3A_1020 = %while3A_254 to %while3A_250 step %while3A_257 iter_args(%while3A_1021 = %while3A_256#0, %while3A_1022 = %while3A_256#1) -> (vector<8x512xf32>, vector<8x512xi32>)  : i32 {
      %mul3A = arith.constant 512 : i32
      %mul3A_1023 = arith.muli %while3A_1020, %mul3A : i32
      %multiple_of3A = tpu.assume_multiple %mul3A_1023, 512 : i32
      %get3A_1024 = arith.constant 0 : index
      %get3A_1025 = arith.index_cast %multiple_of3A : i32 to index
      %get3A_1026 = vector.load %arg7[%get3A_1024, %get3A_1025] : memref<8x50176xf32, #tpu.memory_space<vmem>>, vector<8x512xf32>
      %mul3A_1027 = arith.constant 512 : i32
      %mul3A_1028 = arith.muli %while3A_1020, %mul3A_1027 : i32
      %add3A = vector.broadcast %mul3A_1028 : i32 to vector<8x512xi32>
      %add3A_1029 = arith.addi %iota3A, %add3A : vector<8x512xi32>
      %gt3A = vector.broadcast %broadcast_in_dim3A_230 : vector<8x1xf32> to vector<8x512xf32>
      %gt3A_1030 = arith.cmpf ogt, %get3A_1026, %gt3A : vector<8x512xf32>
      %eq3A_1031 = vector.broadcast %broadcast_in_dim3A_230 : vector<8x1xf32> to vector<8x512xf32>
      %eq3A_1032 = arith.cmpf oeq, %get3A_1026, %eq3A_1031 : vector<8x512xf32>
      %gt3A_1033 = vector.broadcast %broadcast_in_dim3A_238 : vector<8x1xi32> to vector<8x512xi32>
      %gt3A_1034 = arith.cmpi sgt, %add3A_1029, %gt3A_1033 : vector<8x512xi32>
      %and3A = arith.andi %eq3A_1032, %gt3A_1034 : vector<8x512xi1>
      %or3A = arith.ori %gt3A_1030, %and3A : vector<8x512xi1>
      %lt3A = arith.cmpf olt, %get3A_1026, %while3A_1021 : vector<8x512xf32>
      %and3A_1035 = arith.andi %or3A, %lt3A : vector<8x512xi1>
      %select_n3A_1036 = arith.select %and3A_1035, %add3A_1029, %while3A_1022 : vector<8x512xi1>, vector<8x512xi32>
      %select_n3A_1037 = arith.select %and3A_1035, %get3A_1026, %while3A_1021 : vector<8x512xi1>, vector<8x512xf32>
      scf.yield %select_n3A_1037, %select_n3A_1036 : vector<8x512xf32>, vector<8x512xi32>
    }
    %reduce_min3A_259 = arith.constant dense<0x7F800000> : vector<8xf32>
    %reduce_min3A_260 = vector.multi_reduction <minimumf>, %while3A_258#0, %reduce_min3A_259 [1] : vector<8x512xf32> to vector<8xf32>
    %broadcast_in_dim3A_261 = vector.shape_cast %reduce_min3A_260 : vector<8xf32> to vector<8x1xf32>
    %eq3A_262 = vector.broadcast %broadcast_in_dim3A_261 : vector<8x1xf32> to vector<8x512xf32>
    %eq3A_263 = arith.cmpf oeq, %while3A_258#0, %eq3A_262 : vector<8x512xf32>
    %jit3A_264 = arith.constant 1073741824 : i32
    %broadcast_in_dim3A_265 = vector.broadcast %jit3A_264 : i32 to vector<8x512xi32>
    %select_n3A_266 = arith.select %eq3A_263, %while3A_258#1, %broadcast_in_dim3A_265 : vector<8x512xi1>, vector<8x512xi32>
    %reduce_min3A_267 = arith.constant dense<2147483647> : vector<8xi32>
    %reduce_min3A_268 = vector.multi_reduction <minsi>, %select_n3A_266, %reduce_min3A_267 [1] : vector<8x512xi32> to vector<8xi32>
    %broadcast_in_dim3A_269 = vector.shape_cast %reduce_min3A_268 : vector<8xi32> to vector<8x1xi32>
    %min3A_270 = arith.constant 49999 : i32
    %min3A_271 = vector.broadcast %min3A_270 : i32 to vector<8x1xi32>
    %min3A_272 = arith.minsi %broadcast_in_dim3A_269, %min3A_271 : vector<8x1xi32>
    %swap3A_273 = arith.constant 0 : index
    %swap3A_274 = arith.constant 7 : index
    %swap3A_275 = vector.load %arg6[%swap3A_273, %swap3A_274] : memref<8x32xi32, #tpu.memory_space<vmem>>, vector<8x1xi32>
    tpu.vector_store %arg6[%swap3A_273, %swap3A_274], %min3A_272 {strides = array<i32>} : memref<8x32xi32, #tpu.memory_space<vmem>>, vector<8x1xi32>,
    %broadcast_in_dim3A_276 = arith.constant 0x7F800000 : f32
    %broadcast_in_dim3A_277 = vector.broadcast %broadcast_in_dim3A_276 : f32 to vector<8x512xf32>
    %broadcast_in_dim3A_278 = arith.constant 1073741824 : i32
    %broadcast_in_dim3A_279 = vector.broadcast %broadcast_in_dim3A_278 : i32 to vector<8x512xi32>
    %while3A_280 = arith.subi %get3A_4, %get3A_1 : i32
    %while3A_281 = arith.addi %get3A_1, %while3A_280 : i32
    %while3A_282 = arith.constant 1 : i32
    %while3A_283 = arith.divsi %while3A_280, %while3A_282 : i32
    %while3A_284 = arith.muli %while3A_283, %while3A_282 : i32
    %while3A_285 = arith.addi %get3A_1, %while3A_284 : i32
    %while3A_286 = arith.constant 1 : i32
    %while3A_287:2 = scf.for %while3A_1020 = %get3A_1 to %while3A_285 step %while3A_286 iter_args(%while3A_1021 = %broadcast_in_dim3A_277, %while3A_1022 = %broadcast_in_dim3A_279) -> (vector<8x512xf32>, vector<8x512xi32>)  : i32 {
      %mul3A = arith.constant 512 : i32
      %mul3A_1023 = arith.muli %while3A_1020, %mul3A : i32
      %multiple_of3A = tpu.assume_multiple %mul3A_1023, 512 : i32
      %get3A_1024 = arith.constant 0 : index
      %get3A_1025 = arith.index_cast %multiple_of3A : i32 to index
      %get3A_1026 = vector.load %arg7[%get3A_1024, %get3A_1025] : memref<8x50176xf32, #tpu.memory_space<vmem>>, vector<8x512xf32>
      %mul3A_1027 = arith.constant 512 : i32
      %mul3A_1028 = arith.muli %while3A_1020, %mul3A_1027 : i32
      %add3A = vector.broadcast %mul3A_1028 : i32 to vector<8x512xi32>
      %add3A_1029 = arith.addi %iota3A, %add3A : vector<8x512xi32>
      %gt3A = vector.broadcast %broadcast_in_dim3A_261 : vector<8x1xf32> to vector<8x512xf32>
      %gt3A_1030 = arith.cmpf ogt, %get3A_1026, %gt3A : vector<8x512xf32>
      %eq3A_1031 = vector.broadcast %broadcast_in_dim3A_261 : vector<8x1xf32> to vector<8x512xf32>
      %eq3A_1032 = arith.cmpf oeq, %get3A_1026, %eq3A_1031 : vector<8x512xf32>
      %gt3A_1033 = vector.broadcast %broadcast_in_dim3A_269 : vector<8x1xi32> to vector<8x512xi32>
      %gt3A_1034 = arith.cmpi sgt, %add3A_1029, %gt3A_1033 : vector<8x512xi32>
      %and3A = arith.andi %eq3A_1032, %gt3A_1034 : vector<8x512xi1>
      %or3A = arith.ori %gt3A_1030, %and3A : vector<8x512xi1>
      %lt3A = arith.cmpf olt, %get3A_1026, %while3A_1021 : vector<8x512xf32>
      %and3A_1035 = arith.andi %or3A, %lt3A : vector<8x512xi1>
      %select_n3A_1036 = arith.select %and3A_1035, %add3A_1029, %while3A_1022 : vector<8x512xi1>, vector<8x512xi32>
      %select_n3A_1037 = arith.select %and3A_1035, %get3A_1026, %while3A_1021 : vector<8x512xi1>, vector<8x512xf32>
      scf.yield %select_n3A_1037, %select_n3A_1036 : vector<8x512xf32>, vector<8x512xi32>
    }
    %while3A_288 = arith.constant 1 : i32
    %while3A_289:2 = scf.for %while3A_1020 = %while3A_285 to %while3A_281 step %while3A_288 iter_args(%while3A_1021 = %while3A_287#0, %while3A_1022 = %while3A_287#1) -> (vector<8x512xf32>, vector<8x512xi32>)  : i32 {
      %mul3A = arith.constant 512 : i32
      %mul3A_1023 = arith.muli %while3A_1020, %mul3A : i32
      %multiple_of3A = tpu.assume_multiple %mul3A_1023, 512 : i32
      %get3A_1024 = arith.constant 0 : index
      %get3A_1025 = arith.index_cast %multiple_of3A : i32 to index
      %get3A_1026 = vector.load %arg7[%get3A_1024, %get3A_1025] : memref<8x50176xf32, #tpu.memory_space<vmem>>, vector<8x512xf32>
      %mul3A_1027 = arith.constant 512 : i32
      %mul3A_1028 = arith.muli %while3A_1020, %mul3A_1027 : i32
      %add3A = vector.broadcast %mul3A_1028 : i32 to vector<8x512xi32>
      %add3A_1029 = arith.addi %iota3A, %add3A : vector<8x512xi32>
      %gt3A = vector.broadcast %broadcast_in_dim3A_261 : vector<8x1xf32> to vector<8x512xf32>
      %gt3A_1030 = arith.cmpf ogt, %get3A_1026, %gt3A : vector<8x512xf32>
      %eq3A_1031 = vector.broadcast %broadcast_in_dim3A_261 : vector<8x1xf32> to vector<8x512xf32>
      %eq3A_1032 = arith.cmpf oeq, %get3A_1026, %eq3A_1031 : vector<8x512xf32>
      %gt3A_1033 = vector.broadcast %broadcast_in_dim3A_269 : vector<8x1xi32> to vector<8x512xi32>
      %gt3A_1034 = arith.cmpi sgt, %add3A_1029, %gt3A_1033 : vector<8x512xi32>
      %and3A = arith.andi %eq3A_1032, %gt3A_1034 : vector<8x512xi1>
      %or3A = arith.ori %gt3A_1030, %and3A : vector<8x512xi1>
      %lt3A = arith.cmpf olt, %get3A_1026, %while3A_1021 : vector<8x512xf32>
      %and3A_1035 = arith.andi %or3A, %lt3A : vector<8x512xi1>
      %select_n3A_1036 = arith.select %and3A_1035, %add3A_1029, %while3A_1022 : vector<8x512xi1>, vector<8x512xi32>
      %select_n3A_1037 = arith.select %and3A_1035, %get3A_1026, %while3A_1021 : vector<8x512xi1>, vector<8x512xf32>
      scf.yield %select_n3A_1037, %select_n3A_1036 : vector<8x512xf32>, vector<8x512xi32>
    }
    %reduce_min3A_290 = arith.constant dense<0x7F800000> : vector<8xf32>
    %reduce_min3A_291 = vector.multi_reduction <minimumf>, %while3A_289#0, %reduce_min3A_290 [1] : vector<8x512xf32> to vector<8xf32>
    %broadcast_in_dim3A_292 = vector.shape_cast %reduce_min3A_291 : vector<8xf32> to vector<8x1xf32>
    %eq3A_293 = vector.broadcast %broadcast_in_dim3A_292 : vector<8x1xf32> to vector<8x512xf32>
    %eq3A_294 = arith.cmpf oeq, %while3A_289#0, %eq3A_293 : vector<8x512xf32>
    %jit3A_295 = arith.constant 1073741824 : i32
    %broadcast_in_dim3A_296 = vector.broadcast %jit3A_295 : i32 to vector<8x512xi32>
    %select_n3A_297 = arith.select %eq3A_294, %while3A_289#1, %broadcast_in_dim3A_296 : vector<8x512xi1>, vector<8x512xi32>
    %reduce_min3A_298 = arith.constant dense<2147483647> : vector<8xi32>
    %reduce_min3A_299 = vector.multi_reduction <minsi>, %select_n3A_297, %reduce_min3A_298 [1] : vector<8x512xi32> to vector<8xi32>
    %broadcast_in_dim3A_300 = vector.shape_cast %reduce_min3A_299 : vector<8xi32> to vector<8x1xi32>
    %min3A_301 = arith.constant 49999 : i32
    %min3A_302 = vector.broadcast %min3A_301 : i32 to vector<8x1xi32>
    %min3A_303 = arith.minsi %broadcast_in_dim3A_300, %min3A_302 : vector<8x1xi32>
    %swap3A_304 = arith.constant 0 : index
    %swap3A_305 = arith.constant 8 : index
    %swap3A_306 = vector.load %arg6[%swap3A_304, %swap3A_305] : memref<8x32xi32, #tpu.memory_space<vmem>>, vector<8x1xi32>
    tpu.vector_store %arg6[%swap3A_304, %swap3A_305], %min3A_303 {strides = array<i32>} : memref<8x32xi32, #tpu.memory_space<vmem>>, vector<8x1xi32>,
    %broadcast_in_dim3A_307 = arith.constant 0x7F800000 : f32
    %broadcast_in_dim3A_308 = vector.broadcast %broadcast_in_dim3A_307 : f32 to vector<8x512xf32>
    %broadcast_in_dim3A_309 = arith.constant 1073741824 : i32
    %broadcast_in_dim3A_310 = vector.broadcast %broadcast_in_dim3A_309 : i32 to vector<8x512xi32>
    %while3A_311 = arith.subi %get3A_4, %get3A_1 : i32
    %while3A_312 = arith.addi %get3A_1, %while3A_311 : i32
    %while3A_313 = arith.constant 1 : i32
    %while3A_314 = arith.divsi %while3A_311, %while3A_313 : i32
    %while3A_315 = arith.muli %while3A_314, %while3A_313 : i32
    %while3A_316 = arith.addi %get3A_1, %while3A_315 : i32
    %while3A_317 = arith.constant 1 : i32
    %while3A_318:2 = scf.for %while3A_1020 = %get3A_1 to %while3A_316 step %while3A_317 iter_args(%while3A_1021 = %broadcast_in_dim3A_308, %while3A_1022 = %broadcast_in_dim3A_310) -> (vector<8x512xf32>, vector<8x512xi32>)  : i32 {
      %mul3A = arith.constant 512 : i32
      %mul3A_1023 = arith.muli %while3A_1020, %mul3A : i32
      %multiple_of3A = tpu.assume_multiple %mul3A_1023, 512 : i32
      %get3A_1024 = arith.constant 0 : index
      %get3A_1025 = arith.index_cast %multiple_of3A : i32 to index
      %get3A_1026 = vector.load %arg7[%get3A_1024, %get3A_1025] : memref<8x50176xf32, #tpu.memory_space<vmem>>, vector<8x512xf32>
      %mul3A_1027 = arith.constant 512 : i32
      %mul3A_1028 = arith.muli %while3A_1020, %mul3A_1027 : i32
      %add3A = vector.broadcast %mul3A_1028 : i32 to vector<8x512xi32>
      %add3A_1029 = arith.addi %iota3A, %add3A : vector<8x512xi32>
      %gt3A = vector.broadcast %broadcast_in_dim3A_292 : vector<8x1xf32> to vector<8x512xf32>
      %gt3A_1030 = arith.cmpf ogt, %get3A_1026, %gt3A : vector<8x512xf32>
      %eq3A_1031 = vector.broadcast %broadcast_in_dim3A_292 : vector<8x1xf32> to vector<8x512xf32>
      %eq3A_1032 = arith.cmpf oeq, %get3A_1026, %eq3A_1031 : vector<8x512xf32>
      %gt3A_1033 = vector.broadcast %broadcast_in_dim3A_300 : vector<8x1xi32> to vector<8x512xi32>
      %gt3A_1034 = arith.cmpi sgt, %add3A_1029, %gt3A_1033 : vector<8x512xi32>
      %and3A = arith.andi %eq3A_1032, %gt3A_1034 : vector<8x512xi1>
      %or3A = arith.ori %gt3A_1030, %and3A : vector<8x512xi1>
      %lt3A = arith.cmpf olt, %get3A_1026, %while3A_1021 : vector<8x512xf32>
      %and3A_1035 = arith.andi %or3A, %lt3A : vector<8x512xi1>
      %select_n3A_1036 = arith.select %and3A_1035, %add3A_1029, %while3A_1022 : vector<8x512xi1>, vector<8x512xi32>
      %select_n3A_1037 = arith.select %and3A_1035, %get3A_1026, %while3A_1021 : vector<8x512xi1>, vector<8x512xf32>
      scf.yield %select_n3A_1037, %select_n3A_1036 : vector<8x512xf32>, vector<8x512xi32>
    }
    %while3A_319 = arith.constant 1 : i32
    %while3A_320:2 = scf.for %while3A_1020 = %while3A_316 to %while3A_312 step %while3A_319 iter_args(%while3A_1021 = %while3A_318#0, %while3A_1022 = %while3A_318#1) -> (vector<8x512xf32>, vector<8x512xi32>)  : i32 {
      %mul3A = arith.constant 512 : i32
      %mul3A_1023 = arith.muli %while3A_1020, %mul3A : i32
      %multiple_of3A = tpu.assume_multiple %mul3A_1023, 512 : i32
      %get3A_1024 = arith.constant 0 : index
      %get3A_1025 = arith.index_cast %multiple_of3A : i32 to index
      %get3A_1026 = vector.load %arg7[%get3A_1024, %get3A_1025] : memref<8x50176xf32, #tpu.memory_space<vmem>>, vector<8x512xf32>
      %mul3A_1027 = arith.constant 512 : i32
      %mul3A_1028 = arith.muli %while3A_1020, %mul3A_1027 : i32
      %add3A = vector.broadcast %mul3A_1028 : i32 to vector<8x512xi32>
      %add3A_1029 = arith.addi %iota3A, %add3A : vector<8x512xi32>
      %gt3A = vector.broadcast %broadcast_in_dim3A_292 : vector<8x1xf32> to vector<8x512xf32>
      %gt3A_1030 = arith.cmpf ogt, %get3A_1026, %gt3A : vector<8x512xf32>
      %eq3A_1031 = vector.broadcast %broadcast_in_dim3A_292 : vector<8x1xf32> to vector<8x512xf32>
      %eq3A_1032 = arith.cmpf oeq, %get3A_1026, %eq3A_1031 : vector<8x512xf32>
      %gt3A_1033 = vector.broadcast %broadcast_in_dim3A_300 : vector<8x1xi32> to vector<8x512xi32>
      %gt3A_1034 = arith.cmpi sgt, %add3A_1029, %gt3A_1033 : vector<8x512xi32>
      %and3A = arith.andi %eq3A_1032, %gt3A_1034 : vector<8x512xi1>
      %or3A = arith.ori %gt3A_1030, %and3A : vector<8x512xi1>
      %lt3A = arith.cmpf olt, %get3A_1026, %while3A_1021 : vector<8x512xf32>
      %and3A_1035 = arith.andi %or3A, %lt3A : vector<8x512xi1>
      %select_n3A_1036 = arith.select %and3A_1035, %add3A_1029, %while3A_1022 : vector<8x512xi1>, vector<8x512xi32>
      %select_n3A_1037 = arith.select %and3A_1035, %get3A_1026, %while3A_1021 : vector<8x512xi1>, vector<8x512xf32>
      scf.yield %select_n3A_1037, %select_n3A_1036 : vector<8x512xf32>, vector<8x512xi32>
    }
    %reduce_min3A_321 = arith.constant dense<0x7F800000> : vector<8xf32>
    %reduce_min3A_322 = vector.multi_reduction <minimumf>, %while3A_320#0, %reduce_min3A_321 [1] : vector<8x512xf32> to vector<8xf32>
    %broadcast_in_dim3A_323 = vector.shape_cast %reduce_min3A_322 : vector<8xf32> to vector<8x1xf32>
    %eq3A_324 = vector.broadcast %broadcast_in_dim3A_323 : vector<8x1xf32> to vector<8x512xf32>
    %eq3A_325 = arith.cmpf oeq, %while3A_320#0, %eq3A_324 : vector<8x512xf32>
    %jit3A_326 = arith.constant 1073741824 : i32
    %broadcast_in_dim3A_327 = vector.broadcast %jit3A_326 : i32 to vector<8x512xi32>
    %select_n3A_328 = arith.select %eq3A_325, %while3A_320#1, %broadcast_in_dim3A_327 : vector<8x512xi1>, vector<8x512xi32>
    %reduce_min3A_329 = arith.constant dense<2147483647> : vector<8xi32>
    %reduce_min3A_330 = vector.multi_reduction <minsi>, %select_n3A_328, %reduce_min3A_329 [1] : vector<8x512xi32> to vector<8xi32>
    %broadcast_in_dim3A_331 = vector.shape_cast %reduce_min3A_330 : vector<8xi32> to vector<8x1xi32>
    %min3A_332 = arith.constant 49999 : i32
    %min3A_333 = vector.broadcast %min3A_332 : i32 to vector<8x1xi32>
    %min3A_334 = arith.minsi %broadcast_in_dim3A_331, %min3A_333 : vector<8x1xi32>
    %swap3A_335 = arith.constant 0 : index
    %swap3A_336 = arith.constant 9 : index
    %swap3A_337 = vector.load %arg6[%swap3A_335, %swap3A_336] : memref<8x32xi32, #tpu.memory_space<vmem>>, vector<8x1xi32>
    tpu.vector_store %arg6[%swap3A_335, %swap3A_336], %min3A_334 {strides = array<i32>} : memref<8x32xi32, #tpu.memory_space<vmem>>, vector<8x1xi32>,
    %broadcast_in_dim3A_338 = arith.constant 0x7F800000 : f32
    %broadcast_in_dim3A_339 = vector.broadcast %broadcast_in_dim3A_338 : f32 to vector<8x512xf32>
    %broadcast_in_dim3A_340 = arith.constant 1073741824 : i32
    %broadcast_in_dim3A_341 = vector.broadcast %broadcast_in_dim3A_340 : i32 to vector<8x512xi32>
    %while3A_342 = arith.subi %get3A_4, %get3A_1 : i32
    %while3A_343 = arith.addi %get3A_1, %while3A_342 : i32
    %while3A_344 = arith.constant 1 : i32
    %while3A_345 = arith.divsi %while3A_342, %while3A_344 : i32
    %while3A_346 = arith.muli %while3A_345, %while3A_344 : i32
    %while3A_347 = arith.addi %get3A_1, %while3A_346 : i32
    %while3A_348 = arith.constant 1 : i32
    %while3A_349:2 = scf.for %while3A_1020 = %get3A_1 to %while3A_347 step %while3A_348 iter_args(%while3A_1021 = %broadcast_in_dim3A_339, %while3A_1022 = %broadcast_in_dim3A_341) -> (vector<8x512xf32>, vector<8x512xi32>)  : i32 {
      %mul3A = arith.constant 512 : i32
      %mul3A_1023 = arith.muli %while3A_1020, %mul3A : i32
      %multiple_of3A = tpu.assume_multiple %mul3A_1023, 512 : i32
      %get3A_1024 = arith.constant 0 : index
      %get3A_1025 = arith.index_cast %multiple_of3A : i32 to index
      %get3A_1026 = vector.load %arg7[%get3A_1024, %get3A_1025] : memref<8x50176xf32, #tpu.memory_space<vmem>>, vector<8x512xf32>
      %mul3A_1027 = arith.constant 512 : i32
      %mul3A_1028 = arith.muli %while3A_1020, %mul3A_1027 : i32
      %add3A = vector.broadcast %mul3A_1028 : i32 to vector<8x512xi32>
      %add3A_1029 = arith.addi %iota3A, %add3A : vector<8x512xi32>
      %gt3A = vector.broadcast %broadcast_in_dim3A_323 : vector<8x1xf32> to vector<8x512xf32>
      %gt3A_1030 = arith.cmpf ogt, %get3A_1026, %gt3A : vector<8x512xf32>
      %eq3A_1031 = vector.broadcast %broadcast_in_dim3A_323 : vector<8x1xf32> to vector<8x512xf32>
      %eq3A_1032 = arith.cmpf oeq, %get3A_1026, %eq3A_1031 : vector<8x512xf32>
      %gt3A_1033 = vector.broadcast %broadcast_in_dim3A_331 : vector<8x1xi32> to vector<8x512xi32>
      %gt3A_1034 = arith.cmpi sgt, %add3A_1029, %gt3A_1033 : vector<8x512xi32>
      %and3A = arith.andi %eq3A_1032, %gt3A_1034 : vector<8x512xi1>
      %or3A = arith.ori %gt3A_1030, %and3A : vector<8x512xi1>
      %lt3A = arith.cmpf olt, %get3A_1026, %while3A_1021 : vector<8x512xf32>
      %and3A_1035 = arith.andi %or3A, %lt3A : vector<8x512xi1>
      %select_n3A_1036 = arith.select %and3A_1035, %add3A_1029, %while3A_1022 : vector<8x512xi1>, vector<8x512xi32>
      %select_n3A_1037 = arith.select %and3A_1035, %get3A_1026, %while3A_1021 : vector<8x512xi1>, vector<8x512xf32>
      scf.yield %select_n3A_1037, %select_n3A_1036 : vector<8x512xf32>, vector<8x512xi32>
    }
    %while3A_350 = arith.constant 1 : i32
    %while3A_351:2 = scf.for %while3A_1020 = %while3A_347 to %while3A_343 step %while3A_350 iter_args(%while3A_1021 = %while3A_349#0, %while3A_1022 = %while3A_349#1) -> (vector<8x512xf32>, vector<8x512xi32>)  : i32 {
      %mul3A = arith.constant 512 : i32
      %mul3A_1023 = arith.muli %while3A_1020, %mul3A : i32
      %multiple_of3A = tpu.assume_multiple %mul3A_1023, 512 : i32
      %get3A_1024 = arith.constant 0 : index
      %get3A_1025 = arith.index_cast %multiple_of3A : i32 to index
      %get3A_1026 = vector.load %arg7[%get3A_1024, %get3A_1025] : memref<8x50176xf32, #tpu.memory_space<vmem>>, vector<8x512xf32>
      %mul3A_1027 = arith.constant 512 : i32
      %mul3A_1028 = arith.muli %while3A_1020, %mul3A_1027 : i32
      %add3A = vector.broadcast %mul3A_1028 : i32 to vector<8x512xi32>
      %add3A_1029 = arith.addi %iota3A, %add3A : vector<8x512xi32>
      %gt3A = vector.broadcast %broadcast_in_dim3A_323 : vector<8x1xf32> to vector<8x512xf32>
      %gt3A_1030 = arith.cmpf ogt, %get3A_1026, %gt3A : vector<8x512xf32>
      %eq3A_1031 = vector.broadcast %broadcast_in_dim3A_323 : vector<8x1xf32> to vector<8x512xf32>
      %eq3A_1032 = arith.cmpf oeq, %get3A_1026, %eq3A_1031 : vector<8x512xf32>
      %gt3A_1033 = vector.broadcast %broadcast_in_dim3A_331 : vector<8x1xi32> to vector<8x512xi32>
      %gt3A_1034 = arith.cmpi sgt, %add3A_1029, %gt3A_1033 : vector<8x512xi32>
      %and3A = arith.andi %eq3A_1032, %gt3A_1034 : vector<8x512xi1>
      %or3A = arith.ori %gt3A_1030, %and3A : vector<8x512xi1>
      %lt3A = arith.cmpf olt, %get3A_1026, %while3A_1021 : vector<8x512xf32>
      %and3A_1035 = arith.andi %or3A, %lt3A : vector<8x512xi1>
      %select_n3A_1036 = arith.select %and3A_1035, %add3A_1029, %while3A_1022 : vector<8x512xi1>, vector<8x512xi32>
      %select_n3A_1037 = arith.select %and3A_1035, %get3A_1026, %while3A_1021 : vector<8x512xi1>, vector<8x512xf32>
      scf.yield %select_n3A_1037, %select_n3A_1036 : vector<8x512xf32>, vector<8x512xi32>
    }
    %reduce_min3A_352 = arith.constant dense<0x7F800000> : vector<8xf32>
    %reduce_min3A_353 = vector.multi_reduction <minimumf>, %while3A_351#0, %reduce_min3A_352 [1] : vector<8x512xf32> to vector<8xf32>
    %broadcast_in_dim3A_354 = vector.shape_cast %reduce_min3A_353 : vector<8xf32> to vector<8x1xf32>
    %eq3A_355 = vector.broadcast %broadcast_in_dim3A_354 : vector<8x1xf32> to vector<8x512xf32>
    %eq3A_356 = arith.cmpf oeq, %while3A_351#0, %eq3A_355 : vector<8x512xf32>
    %jit3A_357 = arith.constant 1073741824 : i32
    %broadcast_in_dim3A_358 = vector.broadcast %jit3A_357 : i32 to vector<8x512xi32>
    %select_n3A_359 = arith.select %eq3A_356, %while3A_351#1, %broadcast_in_dim3A_358 : vector<8x512xi1>, vector<8x512xi32>
    %reduce_min3A_360 = arith.constant dense<2147483647> : vector<8xi32>
    %reduce_min3A_361 = vector.multi_reduction <minsi>, %select_n3A_359, %reduce_min3A_360 [1] : vector<8x512xi32> to vector<8xi32>
    %broadcast_in_dim3A_362 = vector.shape_cast %reduce_min3A_361 : vector<8xi32> to vector<8x1xi32>
    %min3A_363 = arith.constant 49999 : i32
    %min3A_364 = vector.broadcast %min3A_363 : i32 to vector<8x1xi32>
    %min3A_365 = arith.minsi %broadcast_in_dim3A_362, %min3A_364 : vector<8x1xi32>
    %swap3A_366 = arith.constant 0 : index
    %swap3A_367 = arith.constant 10 : index
    %swap3A_368 = vector.load %arg6[%swap3A_366, %swap3A_367] : memref<8x32xi32, #tpu.memory_space<vmem>>, vector<8x1xi32>
    tpu.vector_store %arg6[%swap3A_366, %swap3A_367], %min3A_365 {strides = array<i32>} : memref<8x32xi32, #tpu.memory_space<vmem>>, vector<8x1xi32>,
    %broadcast_in_dim3A_369 = arith.constant 0x7F800000 : f32
    %broadcast_in_dim3A_370 = vector.broadcast %broadcast_in_dim3A_369 : f32 to vector<8x512xf32>
    %broadcast_in_dim3A_371 = arith.constant 1073741824 : i32
    %broadcast_in_dim3A_372 = vector.broadcast %broadcast_in_dim3A_371 : i32 to vector<8x512xi32>
    %while3A_373 = arith.subi %get3A_4, %get3A_1 : i32
    %while3A_374 = arith.addi %get3A_1, %while3A_373 : i32
    %while3A_375 = arith.constant 1 : i32
    %while3A_376 = arith.divsi %while3A_373, %while3A_375 : i32
    %while3A_377 = arith.muli %while3A_376, %while3A_375 : i32
    %while3A_378 = arith.addi %get3A_1, %while3A_377 : i32
    %while3A_379 = arith.constant 1 : i32
    %while3A_380:2 = scf.for %while3A_1020 = %get3A_1 to %while3A_378 step %while3A_379 iter_args(%while3A_1021 = %broadcast_in_dim3A_370, %while3A_1022 = %broadcast_in_dim3A_372) -> (vector<8x512xf32>, vector<8x512xi32>)  : i32 {
      %mul3A = arith.constant 512 : i32
      %mul3A_1023 = arith.muli %while3A_1020, %mul3A : i32
      %multiple_of3A = tpu.assume_multiple %mul3A_1023, 512 : i32
      %get3A_1024 = arith.constant 0 : index
      %get3A_1025 = arith.index_cast %multiple_of3A : i32 to index
      %get3A_1026 = vector.load %arg7[%get3A_1024, %get3A_1025] : memref<8x50176xf32, #tpu.memory_space<vmem>>, vector<8x512xf32>
      %mul3A_1027 = arith.constant 512 : i32
      %mul3A_1028 = arith.muli %while3A_1020, %mul3A_1027 : i32
      %add3A = vector.broadcast %mul3A_1028 : i32 to vector<8x512xi32>
      %add3A_1029 = arith.addi %iota3A, %add3A : vector<8x512xi32>
      %gt3A = vector.broadcast %broadcast_in_dim3A_354 : vector<8x1xf32> to vector<8x512xf32>
      %gt3A_1030 = arith.cmpf ogt, %get3A_1026, %gt3A : vector<8x512xf32>
      %eq3A_1031 = vector.broadcast %broadcast_in_dim3A_354 : vector<8x1xf32> to vector<8x512xf32>
      %eq3A_1032 = arith.cmpf oeq, %get3A_1026, %eq3A_1031 : vector<8x512xf32>
      %gt3A_1033 = vector.broadcast %broadcast_in_dim3A_362 : vector<8x1xi32> to vector<8x512xi32>
      %gt3A_1034 = arith.cmpi sgt, %add3A_1029, %gt3A_1033 : vector<8x512xi32>
      %and3A = arith.andi %eq3A_1032, %gt3A_1034 : vector<8x512xi1>
      %or3A = arith.ori %gt3A_1030, %and3A : vector<8x512xi1>
      %lt3A = arith.cmpf olt, %get3A_1026, %while3A_1021 : vector<8x512xf32>
      %and3A_1035 = arith.andi %or3A, %lt3A : vector<8x512xi1>
      %select_n3A_1036 = arith.select %and3A_1035, %add3A_1029, %while3A_1022 : vector<8x512xi1>, vector<8x512xi32>
      %select_n3A_1037 = arith.select %and3A_1035, %get3A_1026, %while3A_1021 : vector<8x512xi1>, vector<8x512xf32>
      scf.yield %select_n3A_1037, %select_n3A_1036 : vector<8x512xf32>, vector<8x512xi32>
    }
    %while3A_381 = arith.constant 1 : i32
    %while3A_382:2 = scf.for %while3A_1020 = %while3A_378 to %while3A_374 step %while3A_381 iter_args(%while3A_1021 = %while3A_380#0, %while3A_1022 = %while3A_380#1) -> (vector<8x512xf32>, vector<8x512xi32>)  : i32 {
      %mul3A = arith.constant 512 : i32
      %mul3A_1023 = arith.muli %while3A_1020, %mul3A : i32
      %multiple_of3A = tpu.assume_multiple %mul3A_1023, 512 : i32
      %get3A_1024 = arith.constant 0 : index
      %get3A_1025 = arith.index_cast %multiple_of3A : i32 to index
      %get3A_1026 = vector.load %arg7[%get3A_1024, %get3A_1025] : memref<8x50176xf32, #tpu.memory_space<vmem>>, vector<8x512xf32>
      %mul3A_1027 = arith.constant 512 : i32
      %mul3A_1028 = arith.muli %while3A_1020, %mul3A_1027 : i32
      %add3A = vector.broadcast %mul3A_1028 : i32 to vector<8x512xi32>
      %add3A_1029 = arith.addi %iota3A, %add3A : vector<8x512xi32>
      %gt3A = vector.broadcast %broadcast_in_dim3A_354 : vector<8x1xf32> to vector<8x512xf32>
      %gt3A_1030 = arith.cmpf ogt, %get3A_1026, %gt3A : vector<8x512xf32>
      %eq3A_1031 = vector.broadcast %broadcast_in_dim3A_354 : vector<8x1xf32> to vector<8x512xf32>
      %eq3A_1032 = arith.cmpf oeq, %get3A_1026, %eq3A_1031 : vector<8x512xf32>
      %gt3A_1033 = vector.broadcast %broadcast_in_dim3A_362 : vector<8x1xi32> to vector<8x512xi32>
      %gt3A_1034 = arith.cmpi sgt, %add3A_1029, %gt3A_1033 : vector<8x512xi32>
      %and3A = arith.andi %eq3A_1032, %gt3A_1034 : vector<8x512xi1>
      %or3A = arith.ori %gt3A_1030, %and3A : vector<8x512xi1>
      %lt3A = arith.cmpf olt, %get3A_1026, %while3A_1021 : vector<8x512xf32>
      %and3A_1035 = arith.andi %or3A, %lt3A : vector<8x512xi1>
      %select_n3A_1036 = arith.select %and3A_1035, %add3A_1029, %while3A_1022 : vector<8x512xi1>, vector<8x512xi32>
      %select_n3A_1037 = arith.select %and3A_1035, %get3A_1026, %while3A_1021 : vector<8x512xi1>, vector<8x512xf32>
      scf.yield %select_n3A_1037, %select_n3A_1036 : vector<8x512xf32>, vector<8x512xi32>
    }
    %reduce_min3A_383 = arith.constant dense<0x7F800000> : vector<8xf32>
    %reduce_min3A_384 = vector.multi_reduction <minimumf>, %while3A_382#0, %reduce_min3A_383 [1] : vector<8x512xf32> to vector<8xf32>
    %broadcast_in_dim3A_385 = vector.shape_cast %reduce_min3A_384 : vector<8xf32> to vector<8x1xf32>
    %eq3A_386 = vector.broadcast %broadcast_in_dim3A_385 : vector<8x1xf32> to vector<8x512xf32>
    %eq3A_387 = arith.cmpf oeq, %while3A_382#0, %eq3A_386 : vector<8x512xf32>
    %jit3A_388 = arith.constant 1073741824 : i32
    %broadcast_in_dim3A_389 = vector.broadcast %jit3A_388 : i32 to vector<8x512xi32>
    %select_n3A_390 = arith.select %eq3A_387, %while3A_382#1, %broadcast_in_dim3A_389 : vector<8x512xi1>, vector<8x512xi32>
    %reduce_min3A_391 = arith.constant dense<2147483647> : vector<8xi32>
    %reduce_min3A_392 = vector.multi_reduction <minsi>, %select_n3A_390, %reduce_min3A_391 [1] : vector<8x512xi32> to vector<8xi32>
    %broadcast_in_dim3A_393 = vector.shape_cast %reduce_min3A_392 : vector<8xi32> to vector<8x1xi32>
    %min3A_394 = arith.constant 49999 : i32
    %min3A_395 = vector.broadcast %min3A_394 : i32 to vector<8x1xi32>
    %min3A_396 = arith.minsi %broadcast_in_dim3A_393, %min3A_395 : vector<8x1xi32>
    %swap3A_397 = arith.constant 0 : index
    %swap3A_398 = arith.constant 11 : index
    %swap3A_399 = vector.load %arg6[%swap3A_397, %swap3A_398] : memref<8x32xi32, #tpu.memory_space<vmem>>, vector<8x1xi32>
    tpu.vector_store %arg6[%swap3A_397, %swap3A_398], %min3A_396 {strides = array<i32>} : memref<8x32xi32, #tpu.memory_space<vmem>>, vector<8x1xi32>,
    %broadcast_in_dim3A_400 = arith.constant 0x7F800000 : f32
    %broadcast_in_dim3A_401 = vector.broadcast %broadcast_in_dim3A_400 : f32 to vector<8x512xf32>
    %broadcast_in_dim3A_402 = arith.constant 1073741824 : i32
    %broadcast_in_dim3A_403 = vector.broadcast %broadcast_in_dim3A_402 : i32 to vector<8x512xi32>
    %while3A_404 = arith.subi %get3A_4, %get3A_1 : i32
    %while3A_405 = arith.addi %get3A_1, %while3A_404 : i32
    %while3A_406 = arith.constant 1 : i32
    %while3A_407 = arith.divsi %while3A_404, %while3A_406 : i32
    %while3A_408 = arith.muli %while3A_407, %while3A_406 : i32
    %while3A_409 = arith.addi %get3A_1, %while3A_408 : i32
    %while3A_410 = arith.constant 1 : i32
    %while3A_411:2 = scf.for %while3A_1020 = %get3A_1 to %while3A_409 step %while3A_410 iter_args(%while3A_1021 = %broadcast_in_dim3A_401, %while3A_1022 = %broadcast_in_dim3A_403) -> (vector<8x512xf32>, vector<8x512xi32>)  : i32 {
      %mul3A = arith.constant 512 : i32
      %mul3A_1023 = arith.muli %while3A_1020, %mul3A : i32
      %multiple_of3A = tpu.assume_multiple %mul3A_1023, 512 : i32
      %get3A_1024 = arith.constant 0 : index
      %get3A_1025 = arith.index_cast %multiple_of3A : i32 to index
      %get3A_1026 = vector.load %arg7[%get3A_1024, %get3A_1025] : memref<8x50176xf32, #tpu.memory_space<vmem>>, vector<8x512xf32>
      %mul3A_1027 = arith.constant 512 : i32
      %mul3A_1028 = arith.muli %while3A_1020, %mul3A_1027 : i32
      %add3A = vector.broadcast %mul3A_1028 : i32 to vector<8x512xi32>
      %add3A_1029 = arith.addi %iota3A, %add3A : vector<8x512xi32>
      %gt3A = vector.broadcast %broadcast_in_dim3A_385 : vector<8x1xf32> to vector<8x512xf32>
      %gt3A_1030 = arith.cmpf ogt, %get3A_1026, %gt3A : vector<8x512xf32>
      %eq3A_1031 = vector.broadcast %broadcast_in_dim3A_385 : vector<8x1xf32> to vector<8x512xf32>
      %eq3A_1032 = arith.cmpf oeq, %get3A_1026, %eq3A_1031 : vector<8x512xf32>
      %gt3A_1033 = vector.broadcast %broadcast_in_dim3A_393 : vector<8x1xi32> to vector<8x512xi32>
      %gt3A_1034 = arith.cmpi sgt, %add3A_1029, %gt3A_1033 : vector<8x512xi32>
      %and3A = arith.andi %eq3A_1032, %gt3A_1034 : vector<8x512xi1>
      %or3A = arith.ori %gt3A_1030, %and3A : vector<8x512xi1>
      %lt3A = arith.cmpf olt, %get3A_1026, %while3A_1021 : vector<8x512xf32>
      %and3A_1035 = arith.andi %or3A, %lt3A : vector<8x512xi1>
      %select_n3A_1036 = arith.select %and3A_1035, %add3A_1029, %while3A_1022 : vector<8x512xi1>, vector<8x512xi32>
      %select_n3A_1037 = arith.select %and3A_1035, %get3A_1026, %while3A_1021 : vector<8x512xi1>, vector<8x512xf32>
      scf.yield %select_n3A_1037, %select_n3A_1036 : vector<8x512xf32>, vector<8x512xi32>
    }
    %while3A_412 = arith.constant 1 : i32
    %while3A_413:2 = scf.for %while3A_1020 = %while3A_409 to %while3A_405 step %while3A_412 iter_args(%while3A_1021 = %while3A_411#0, %while3A_1022 = %while3A_411#1) -> (vector<8x512xf32>, vector<8x512xi32>)  : i32 {
      %mul3A = arith.constant 512 : i32
      %mul3A_1023 = arith.muli %while3A_1020, %mul3A : i32
      %multiple_of3A = tpu.assume_multiple %mul3A_1023, 512 : i32
      %get3A_1024 = arith.constant 0 : index
      %get3A_1025 = arith.index_cast %multiple_of3A : i32 to index
      %get3A_1026 = vector.load %arg7[%get3A_1024, %get3A_1025] : memref<8x50176xf32, #tpu.memory_space<vmem>>, vector<8x512xf32>
      %mul3A_1027 = arith.constant 512 : i32
      %mul3A_1028 = arith.muli %while3A_1020, %mul3A_1027 : i32
      %add3A = vector.broadcast %mul3A_1028 : i32 to vector<8x512xi32>
      %add3A_1029 = arith.addi %iota3A, %add3A : vector<8x512xi32>
      %gt3A = vector.broadcast %broadcast_in_dim3A_385 : vector<8x1xf32> to vector<8x512xf32>
      %gt3A_1030 = arith.cmpf ogt, %get3A_1026, %gt3A : vector<8x512xf32>
      %eq3A_1031 = vector.broadcast %broadcast_in_dim3A_385 : vector<8x1xf32> to vector<8x512xf32>
      %eq3A_1032 = arith.cmpf oeq, %get3A_1026, %eq3A_1031 : vector<8x512xf32>
      %gt3A_1033 = vector.broadcast %broadcast_in_dim3A_393 : vector<8x1xi32> to vector<8x512xi32>
      %gt3A_1034 = arith.cmpi sgt, %add3A_1029, %gt3A_1033 : vector<8x512xi32>
      %and3A = arith.andi %eq3A_1032, %gt3A_1034 : vector<8x512xi1>
      %or3A = arith.ori %gt3A_1030, %and3A : vector<8x512xi1>
      %lt3A = arith.cmpf olt, %get3A_1026, %while3A_1021 : vector<8x512xf32>
      %and3A_1035 = arith.andi %or3A, %lt3A : vector<8x512xi1>
      %select_n3A_1036 = arith.select %and3A_1035, %add3A_1029, %while3A_1022 : vector<8x512xi1>, vector<8x512xi32>
      %select_n3A_1037 = arith.select %and3A_1035, %get3A_1026, %while3A_1021 : vector<8x512xi1>, vector<8x512xf32>
      scf.yield %select_n3A_1037, %select_n3A_1036 : vector<8x512xf32>, vector<8x512xi32>
    }
    %reduce_min3A_414 = arith.constant dense<0x7F800000> : vector<8xf32>
    %reduce_min3A_415 = vector.multi_reduction <minimumf>, %while3A_413#0, %reduce_min3A_414 [1] : vector<8x512xf32> to vector<8xf32>
    %broadcast_in_dim3A_416 = vector.shape_cast %reduce_min3A_415 : vector<8xf32> to vector<8x1xf32>
    %eq3A_417 = vector.broadcast %broadcast_in_dim3A_416 : vector<8x1xf32> to vector<8x512xf32>
    %eq3A_418 = arith.cmpf oeq, %while3A_413#0, %eq3A_417 : vector<8x512xf32>
    %jit3A_419 = arith.constant 1073741824 : i32
    %broadcast_in_dim3A_420 = vector.broadcast %jit3A_419 : i32 to vector<8x512xi32>
    %select_n3A_421 = arith.select %eq3A_418, %while3A_413#1, %broadcast_in_dim3A_420 : vector<8x512xi1>, vector<8x512xi32>
    %reduce_min3A_422 = arith.constant dense<2147483647> : vector<8xi32>
    %reduce_min3A_423 = vector.multi_reduction <minsi>, %select_n3A_421, %reduce_min3A_422 [1] : vector<8x512xi32> to vector<8xi32>
    %broadcast_in_dim3A_424 = vector.shape_cast %reduce_min3A_423 : vector<8xi32> to vector<8x1xi32>
    %min3A_425 = arith.constant 49999 : i32
    %min3A_426 = vector.broadcast %min3A_425 : i32 to vector<8x1xi32>
    %min3A_427 = arith.minsi %broadcast_in_dim3A_424, %min3A_426 : vector<8x1xi32>
    %swap3A_428 = arith.constant 0 : index
    %swap3A_429 = arith.constant 12 : index
    %swap3A_430 = vector.load %arg6[%swap3A_428, %swap3A_429] : memref<8x32xi32, #tpu.memory_space<vmem>>, vector<8x1xi32>
    tpu.vector_store %arg6[%swap3A_428, %swap3A_429], %min3A_427 {strides = array<i32>} : memref<8x32xi32, #tpu.memory_space<vmem>>, vector<8x1xi32>,
    %broadcast_in_dim3A_431 = arith.constant 0x7F800000 : f32
    %broadcast_in_dim3A_432 = vector.broadcast %broadcast_in_dim3A_431 : f32 to vector<8x512xf32>
    %broadcast_in_dim3A_433 = arith.constant 1073741824 : i32
    %broadcast_in_dim3A_434 = vector.broadcast %broadcast_in_dim3A_433 : i32 to vector<8x512xi32>
    %while3A_435 = arith.subi %get3A_4, %get3A_1 : i32
    %while3A_436 = arith.addi %get3A_1, %while3A_435 : i32
    %while3A_437 = arith.constant 1 : i32
    %while3A_438 = arith.divsi %while3A_435, %while3A_437 : i32
    %while3A_439 = arith.muli %while3A_438, %while3A_437 : i32
    %while3A_440 = arith.addi %get3A_1, %while3A_439 : i32
    %while3A_441 = arith.constant 1 : i32
    %while3A_442:2 = scf.for %while3A_1020 = %get3A_1 to %while3A_440 step %while3A_441 iter_args(%while3A_1021 = %broadcast_in_dim3A_432, %while3A_1022 = %broadcast_in_dim3A_434) -> (vector<8x512xf32>, vector<8x512xi32>)  : i32 {
      %mul3A = arith.constant 512 : i32
      %mul3A_1023 = arith.muli %while3A_1020, %mul3A : i32
      %multiple_of3A = tpu.assume_multiple %mul3A_1023, 512 : i32
      %get3A_1024 = arith.constant 0 : index
      %get3A_1025 = arith.index_cast %multiple_of3A : i32 to index
      %get3A_1026 = vector.load %arg7[%get3A_1024, %get3A_1025] : memref<8x50176xf32, #tpu.memory_space<vmem>>, vector<8x512xf32>
      %mul3A_1027 = arith.constant 512 : i32
      %mul3A_1028 = arith.muli %while3A_1020, %mul3A_1027 : i32
      %add3A = vector.broadcast %mul3A_1028 : i32 to vector<8x512xi32>
      %add3A_1029 = arith.addi %iota3A, %add3A : vector<8x512xi32>
      %gt3A = vector.broadcast %broadcast_in_dim3A_416 : vector<8x1xf32> to vector<8x512xf32>
      %gt3A_1030 = arith.cmpf ogt, %get3A_1026, %gt3A : vector<8x512xf32>
      %eq3A_1031 = vector.broadcast %broadcast_in_dim3A_416 : vector<8x1xf32> to vector<8x512xf32>
      %eq3A_1032 = arith.cmpf oeq, %get3A_1026, %eq3A_1031 : vector<8x512xf32>
      %gt3A_1033 = vector.broadcast %broadcast_in_dim3A_424 : vector<8x1xi32> to vector<8x512xi32>
      %gt3A_1034 = arith.cmpi sgt, %add3A_1029, %gt3A_1033 : vector<8x512xi32>
      %and3A = arith.andi %eq3A_1032, %gt3A_1034 : vector<8x512xi1>
      %or3A = arith.ori %gt3A_1030, %and3A : vector<8x512xi1>
      %lt3A = arith.cmpf olt, %get3A_1026, %while3A_1021 : vector<8x512xf32>
      %and3A_1035 = arith.andi %or3A, %lt3A : vector<8x512xi1>
      %select_n3A_1036 = arith.select %and3A_1035, %add3A_1029, %while3A_1022 : vector<8x512xi1>, vector<8x512xi32>
      %select_n3A_1037 = arith.select %and3A_1035, %get3A_1026, %while3A_1021 : vector<8x512xi1>, vector<8x512xf32>
      scf.yield %select_n3A_1037, %select_n3A_1036 : vector<8x512xf32>, vector<8x512xi32>
    }
    %while3A_443 = arith.constant 1 : i32
    %while3A_444:2 = scf.for %while3A_1020 = %while3A_440 to %while3A_436 step %while3A_443 iter_args(%while3A_1021 = %while3A_442#0, %while3A_1022 = %while3A_442#1) -> (vector<8x512xf32>, vector<8x512xi32>)  : i32 {
      %mul3A = arith.constant 512 : i32
      %mul3A_1023 = arith.muli %while3A_1020, %mul3A : i32
      %multiple_of3A = tpu.assume_multiple %mul3A_1023, 512 : i32
      %get3A_1024 = arith.constant 0 : index
      %get3A_1025 = arith.index_cast %multiple_of3A : i32 to index
      %get3A_1026 = vector.load %arg7[%get3A_1024, %get3A_1025] : memref<8x50176xf32, #tpu.memory_space<vmem>>, vector<8x512xf32>
      %mul3A_1027 = arith.constant 512 : i32
      %mul3A_1028 = arith.muli %while3A_1020, %mul3A_1027 : i32
      %add3A = vector.broadcast %mul3A_1028 : i32 to vector<8x512xi32>
      %add3A_1029 = arith.addi %iota3A, %add3A : vector<8x512xi32>
      %gt3A = vector.broadcast %broadcast_in_dim3A_416 : vector<8x1xf32> to vector<8x512xf32>
      %gt3A_1030 = arith.cmpf ogt, %get3A_1026, %gt3A : vector<8x512xf32>
      %eq3A_1031 = vector.broadcast %broadcast_in_dim3A_416 : vector<8x1xf32> to vector<8x512xf32>
      %eq3A_1032 = arith.cmpf oeq, %get3A_1026, %eq3A_1031 : vector<8x512xf32>
      %gt3A_1033 = vector.broadcast %broadcast_in_dim3A_424 : vector<8x1xi32> to vector<8x512xi32>
      %gt3A_1034 = arith.cmpi sgt, %add3A_1029, %gt3A_1033 : vector<8x512xi32>
      %and3A = arith.andi %eq3A_1032, %gt3A_1034 : vector<8x512xi1>
      %or3A = arith.ori %gt3A_1030, %and3A : vector<8x512xi1>
      %lt3A = arith.cmpf olt, %get3A_1026, %while3A_1021 : vector<8x512xf32>
      %and3A_1035 = arith.andi %or3A, %lt3A : vector<8x512xi1>
      %select_n3A_1036 = arith.select %and3A_1035, %add3A_1029, %while3A_1022 : vector<8x512xi1>, vector<8x512xi32>
      %select_n3A_1037 = arith.select %and3A_1035, %get3A_1026, %while3A_1021 : vector<8x512xi1>, vector<8x512xf32>
      scf.yield %select_n3A_1037, %select_n3A_1036 : vector<8x512xf32>, vector<8x512xi32>
    }
    %reduce_min3A_445 = arith.constant dense<0x7F800000> : vector<8xf32>
    %reduce_min3A_446 = vector.multi_reduction <minimumf>, %while3A_444#0, %reduce_min3A_445 [1] : vector<8x512xf32> to vector<8xf32>
    %broadcast_in_dim3A_447 = vector.shape_cast %reduce_min3A_446 : vector<8xf32> to vector<8x1xf32>
    %eq3A_448 = vector.broadcast %broadcast_in_dim3A_447 : vector<8x1xf32> to vector<8x512xf32>
    %eq3A_449 = arith.cmpf oeq, %while3A_444#0, %eq3A_448 : vector<8x512xf32>
    %jit3A_450 = arith.constant 1073741824 : i32
    %broadcast_in_dim3A_451 = vector.broadcast %jit3A_450 : i32 to vector<8x512xi32>
    %select_n3A_452 = arith.select %eq3A_449, %while3A_444#1, %broadcast_in_dim3A_451 : vector<8x512xi1>, vector<8x512xi32>
    %reduce_min3A_453 = arith.constant dense<2147483647> : vector<8xi32>
    %reduce_min3A_454 = vector.multi_reduction <minsi>, %select_n3A_452, %reduce_min3A_453 [1] : vector<8x512xi32> to vector<8xi32>
    %broadcast_in_dim3A_455 = vector.shape_cast %reduce_min3A_454 : vector<8xi32> to vector<8x1xi32>
    %min3A_456 = arith.constant 49999 : i32
    %min3A_457 = vector.broadcast %min3A_456 : i32 to vector<8x1xi32>
    %min3A_458 = arith.minsi %broadcast_in_dim3A_455, %min3A_457 : vector<8x1xi32>
    %swap3A_459 = arith.constant 0 : index
    %swap3A_460 = arith.constant 13 : index
    %swap3A_461 = vector.load %arg6[%swap3A_459, %swap3A_460] : memref<8x32xi32, #tpu.memory_space<vmem>>, vector<8x1xi32>
    tpu.vector_store %arg6[%swap3A_459, %swap3A_460], %min3A_458 {strides = array<i32>} : memref<8x32xi32, #tpu.memory_space<vmem>>, vector<8x1xi32>,
    %broadcast_in_dim3A_462 = arith.constant 0x7F800000 : f32
    %broadcast_in_dim3A_463 = vector.broadcast %broadcast_in_dim3A_462 : f32 to vector<8x512xf32>
    %broadcast_in_dim3A_464 = arith.constant 1073741824 : i32
    %broadcast_in_dim3A_465 = vector.broadcast %broadcast_in_dim3A_464 : i32 to vector<8x512xi32>
    %while3A_466 = arith.subi %get3A_4, %get3A_1 : i32
    %while3A_467 = arith.addi %get3A_1, %while3A_466 : i32
    %while3A_468 = arith.constant 1 : i32
    %while3A_469 = arith.divsi %while3A_466, %while3A_468 : i32
    %while3A_470 = arith.muli %while3A_469, %while3A_468 : i32
    %while3A_471 = arith.addi %get3A_1, %while3A_470 : i32
    %while3A_472 = arith.constant 1 : i32
    %while3A_473:2 = scf.for %while3A_1020 = %get3A_1 to %while3A_471 step %while3A_472 iter_args(%while3A_1021 = %broadcast_in_dim3A_463, %while3A_1022 = %broadcast_in_dim3A_465) -> (vector<8x512xf32>, vector<8x512xi32>)  : i32 {
      %mul3A = arith.constant 512 : i32
      %mul3A_1023 = arith.muli %while3A_1020, %mul3A : i32
      %multiple_of3A = tpu.assume_multiple %mul3A_1023, 512 : i32
      %get3A_1024 = arith.constant 0 : index
      %get3A_1025 = arith.index_cast %multiple_of3A : i32 to index
      %get3A_1026 = vector.load %arg7[%get3A_1024, %get3A_1025] : memref<8x50176xf32, #tpu.memory_space<vmem>>, vector<8x512xf32>
      %mul3A_1027 = arith.constant 512 : i32
      %mul3A_1028 = arith.muli %while3A_1020, %mul3A_1027 : i32
      %add3A = vector.broadcast %mul3A_1028 : i32 to vector<8x512xi32>
      %add3A_1029 = arith.addi %iota3A, %add3A : vector<8x512xi32>
      %gt3A = vector.broadcast %broadcast_in_dim3A_447 : vector<8x1xf32> to vector<8x512xf32>
      %gt3A_1030 = arith.cmpf ogt, %get3A_1026, %gt3A : vector<8x512xf32>
      %eq3A_1031 = vector.broadcast %broadcast_in_dim3A_447 : vector<8x1xf32> to vector<8x512xf32>
      %eq3A_1032 = arith.cmpf oeq, %get3A_1026, %eq3A_1031 : vector<8x512xf32>
      %gt3A_1033 = vector.broadcast %broadcast_in_dim3A_455 : vector<8x1xi32> to vector<8x512xi32>
      %gt3A_1034 = arith.cmpi sgt, %add3A_1029, %gt3A_1033 : vector<8x512xi32>
      %and3A = arith.andi %eq3A_1032, %gt3A_1034 : vector<8x512xi1>
      %or3A = arith.ori %gt3A_1030, %and3A : vector<8x512xi1>
      %lt3A = arith.cmpf olt, %get3A_1026, %while3A_1021 : vector<8x512xf32>
      %and3A_1035 = arith.andi %or3A, %lt3A : vector<8x512xi1>
      %select_n3A_1036 = arith.select %and3A_1035, %add3A_1029, %while3A_1022 : vector<8x512xi1>, vector<8x512xi32>
      %select_n3A_1037 = arith.select %and3A_1035, %get3A_1026, %while3A_1021 : vector<8x512xi1>, vector<8x512xf32>
      scf.yield %select_n3A_1037, %select_n3A_1036 : vector<8x512xf32>, vector<8x512xi32>
    }
    %while3A_474 = arith.constant 1 : i32
    %while3A_475:2 = scf.for %while3A_1020 = %while3A_471 to %while3A_467 step %while3A_474 iter_args(%while3A_1021 = %while3A_473#0, %while3A_1022 = %while3A_473#1) -> (vector<8x512xf32>, vector<8x512xi32>)  : i32 {
      %mul3A = arith.constant 512 : i32
      %mul3A_1023 = arith.muli %while3A_1020, %mul3A : i32
      %multiple_of3A = tpu.assume_multiple %mul3A_1023, 512 : i32
      %get3A_1024 = arith.constant 0 : index
      %get3A_1025 = arith.index_cast %multiple_of3A : i32 to index
      %get3A_1026 = vector.load %arg7[%get3A_1024, %get3A_1025] : memref<8x50176xf32, #tpu.memory_space<vmem>>, vector<8x512xf32>
      %mul3A_1027 = arith.constant 512 : i32
      %mul3A_1028 = arith.muli %while3A_1020, %mul3A_1027 : i32
      %add3A = vector.broadcast %mul3A_1028 : i32 to vector<8x512xi32>
      %add3A_1029 = arith.addi %iota3A, %add3A : vector<8x512xi32>
      %gt3A = vector.broadcast %broadcast_in_dim3A_447 : vector<8x1xf32> to vector<8x512xf32>
      %gt3A_1030 = arith.cmpf ogt, %get3A_1026, %gt3A : vector<8x512xf32>
      %eq3A_1031 = vector.broadcast %broadcast_in_dim3A_447 : vector<8x1xf32> to vector<8x512xf32>
      %eq3A_1032 = arith.cmpf oeq, %get3A_1026, %eq3A_1031 : vector<8x512xf32>
      %gt3A_1033 = vector.broadcast %broadcast_in_dim3A_455 : vector<8x1xi32> to vector<8x512xi32>
      %gt3A_1034 = arith.cmpi sgt, %add3A_1029, %gt3A_1033 : vector<8x512xi32>
      %and3A = arith.andi %eq3A_1032, %gt3A_1034 : vector<8x512xi1>
      %or3A = arith.ori %gt3A_1030, %and3A : vector<8x512xi1>
      %lt3A = arith.cmpf olt, %get3A_1026, %while3A_1021 : vector<8x512xf32>
      %and3A_1035 = arith.andi %or3A, %lt3A : vector<8x512xi1>
      %select_n3A_1036 = arith.select %and3A_1035, %add3A_1029, %while3A_1022 : vector<8x512xi1>, vector<8x512xi32>
      %select_n3A_1037 = arith.select %and3A_1035, %get3A_1026, %while3A_1021 : vector<8x512xi1>, vector<8x512xf32>
      scf.yield %select_n3A_1037, %select_n3A_1036 : vector<8x512xf32>, vector<8x512xi32>
    }
    %reduce_min3A_476 = arith.constant dense<0x7F800000> : vector<8xf32>
    %reduce_min3A_477 = vector.multi_reduction <minimumf>, %while3A_475#0, %reduce_min3A_476 [1] : vector<8x512xf32> to vector<8xf32>
    %broadcast_in_dim3A_478 = vector.shape_cast %reduce_min3A_477 : vector<8xf32> to vector<8x1xf32>
    %eq3A_479 = vector.broadcast %broadcast_in_dim3A_478 : vector<8x1xf32> to vector<8x512xf32>
    %eq3A_480 = arith.cmpf oeq, %while3A_475#0, %eq3A_479 : vector<8x512xf32>
    %jit3A_481 = arith.constant 1073741824 : i32
    %broadcast_in_dim3A_482 = vector.broadcast %jit3A_481 : i32 to vector<8x512xi32>
    %select_n3A_483 = arith.select %eq3A_480, %while3A_475#1, %broadcast_in_dim3A_482 : vector<8x512xi1>, vector<8x512xi32>
    %reduce_min3A_484 = arith.constant dense<2147483647> : vector<8xi32>
    %reduce_min3A_485 = vector.multi_reduction <minsi>, %select_n3A_483, %reduce_min3A_484 [1] : vector<8x512xi32> to vector<8xi32>
    %broadcast_in_dim3A_486 = vector.shape_cast %reduce_min3A_485 : vector<8xi32> to vector<8x1xi32>
    %min3A_487 = arith.constant 49999 : i32
    %min3A_488 = vector.broadcast %min3A_487 : i32 to vector<8x1xi32>
    %min3A_489 = arith.minsi %broadcast_in_dim3A_486, %min3A_488 : vector<8x1xi32>
    %swap3A_490 = arith.constant 0 : index
    %swap3A_491 = arith.constant 14 : index
    %swap3A_492 = vector.load %arg6[%swap3A_490, %swap3A_491] : memref<8x32xi32, #tpu.memory_space<vmem>>, vector<8x1xi32>
    tpu.vector_store %arg6[%swap3A_490, %swap3A_491], %min3A_489 {strides = array<i32>} : memref<8x32xi32, #tpu.memory_space<vmem>>, vector<8x1xi32>,
    %broadcast_in_dim3A_493 = arith.constant 0x7F800000 : f32
    %broadcast_in_dim3A_494 = vector.broadcast %broadcast_in_dim3A_493 : f32 to vector<8x512xf32>
    %broadcast_in_dim3A_495 = arith.constant 1073741824 : i32
    %broadcast_in_dim3A_496 = vector.broadcast %broadcast_in_dim3A_495 : i32 to vector<8x512xi32>
    %while3A_497 = arith.subi %get3A_4, %get3A_1 : i32
    %while3A_498 = arith.addi %get3A_1, %while3A_497 : i32
    %while3A_499 = arith.constant 1 : i32
    %while3A_500 = arith.divsi %while3A_497, %while3A_499 : i32
    %while3A_501 = arith.muli %while3A_500, %while3A_499 : i32
    %while3A_502 = arith.addi %get3A_1, %while3A_501 : i32
    %while3A_503 = arith.constant 1 : i32
    %while3A_504:2 = scf.for %while3A_1020 = %get3A_1 to %while3A_502 step %while3A_503 iter_args(%while3A_1021 = %broadcast_in_dim3A_494, %while3A_1022 = %broadcast_in_dim3A_496) -> (vector<8x512xf32>, vector<8x512xi32>)  : i32 {
      %mul3A = arith.constant 512 : i32
      %mul3A_1023 = arith.muli %while3A_1020, %mul3A : i32
      %multiple_of3A = tpu.assume_multiple %mul3A_1023, 512 : i32
      %get3A_1024 = arith.constant 0 : index
      %get3A_1025 = arith.index_cast %multiple_of3A : i32 to index
      %get3A_1026 = vector.load %arg7[%get3A_1024, %get3A_1025] : memref<8x50176xf32, #tpu.memory_space<vmem>>, vector<8x512xf32>
      %mul3A_1027 = arith.constant 512 : i32
      %mul3A_1028 = arith.muli %while3A_1020, %mul3A_1027 : i32
      %add3A = vector.broadcast %mul3A_1028 : i32 to vector<8x512xi32>
      %add3A_1029 = arith.addi %iota3A, %add3A : vector<8x512xi32>
      %gt3A = vector.broadcast %broadcast_in_dim3A_478 : vector<8x1xf32> to vector<8x512xf32>
      %gt3A_1030 = arith.cmpf ogt, %get3A_1026, %gt3A : vector<8x512xf32>
      %eq3A_1031 = vector.broadcast %broadcast_in_dim3A_478 : vector<8x1xf32> to vector<8x512xf32>
      %eq3A_1032 = arith.cmpf oeq, %get3A_1026, %eq3A_1031 : vector<8x512xf32>
      %gt3A_1033 = vector.broadcast %broadcast_in_dim3A_486 : vector<8x1xi32> to vector<8x512xi32>
      %gt3A_1034 = arith.cmpi sgt, %add3A_1029, %gt3A_1033 : vector<8x512xi32>
      %and3A = arith.andi %eq3A_1032, %gt3A_1034 : vector<8x512xi1>
      %or3A = arith.ori %gt3A_1030, %and3A : vector<8x512xi1>
      %lt3A = arith.cmpf olt, %get3A_1026, %while3A_1021 : vector<8x512xf32>
      %and3A_1035 = arith.andi %or3A, %lt3A : vector<8x512xi1>
      %select_n3A_1036 = arith.select %and3A_1035, %add3A_1029, %while3A_1022 : vector<8x512xi1>, vector<8x512xi32>
      %select_n3A_1037 = arith.select %and3A_1035, %get3A_1026, %while3A_1021 : vector<8x512xi1>, vector<8x512xf32>
      scf.yield %select_n3A_1037, %select_n3A_1036 : vector<8x512xf32>, vector<8x512xi32>
    }
    %while3A_505 = arith.constant 1 : i32
    %while3A_506:2 = scf.for %while3A_1020 = %while3A_502 to %while3A_498 step %while3A_505 iter_args(%while3A_1021 = %while3A_504#0, %while3A_1022 = %while3A_504#1) -> (vector<8x512xf32>, vector<8x512xi32>)  : i32 {
      %mul3A = arith.constant 512 : i32
      %mul3A_1023 = arith.muli %while3A_1020, %mul3A : i32
      %multiple_of3A = tpu.assume_multiple %mul3A_1023, 512 : i32
      %get3A_1024 = arith.constant 0 : index
      %get3A_1025 = arith.index_cast %multiple_of3A : i32 to index
      %get3A_1026 = vector.load %arg7[%get3A_1024, %get3A_1025] : memref<8x50176xf32, #tpu.memory_space<vmem>>, vector<8x512xf32>
      %mul3A_1027 = arith.constant 512 : i32
      %mul3A_1028 = arith.muli %while3A_1020, %mul3A_1027 : i32
      %add3A = vector.broadcast %mul3A_1028 : i32 to vector<8x512xi32>
      %add3A_1029 = arith.addi %iota3A, %add3A : vector<8x512xi32>
      %gt3A = vector.broadcast %broadcast_in_dim3A_478 : vector<8x1xf32> to vector<8x512xf32>
      %gt3A_1030 = arith.cmpf ogt, %get3A_1026, %gt3A : vector<8x512xf32>
      %eq3A_1031 = vector.broadcast %broadcast_in_dim3A_478 : vector<8x1xf32> to vector<8x512xf32>
      %eq3A_1032 = arith.cmpf oeq, %get3A_1026, %eq3A_1031 : vector<8x512xf32>
      %gt3A_1033 = vector.broadcast %broadcast_in_dim3A_486 : vector<8x1xi32> to vector<8x512xi32>
      %gt3A_1034 = arith.cmpi sgt, %add3A_1029, %gt3A_1033 : vector<8x512xi32>
      %and3A = arith.andi %eq3A_1032, %gt3A_1034 : vector<8x512xi1>
      %or3A = arith.ori %gt3A_1030, %and3A : vector<8x512xi1>
      %lt3A = arith.cmpf olt, %get3A_1026, %while3A_1021 : vector<8x512xf32>
      %and3A_1035 = arith.andi %or3A, %lt3A : vector<8x512xi1>
      %select_n3A_1036 = arith.select %and3A_1035, %add3A_1029, %while3A_1022 : vector<8x512xi1>, vector<8x512xi32>
      %select_n3A_1037 = arith.select %and3A_1035, %get3A_1026, %while3A_1021 : vector<8x512xi1>, vector<8x512xf32>
      scf.yield %select_n3A_1037, %select_n3A_1036 : vector<8x512xf32>, vector<8x512xi32>
    }
    %reduce_min3A_507 = arith.constant dense<0x7F800000> : vector<8xf32>
    %reduce_min3A_508 = vector.multi_reduction <minimumf>, %while3A_506#0, %reduce_min3A_507 [1] : vector<8x512xf32> to vector<8xf32>
    %broadcast_in_dim3A_509 = vector.shape_cast %reduce_min3A_508 : vector<8xf32> to vector<8x1xf32>
    %eq3A_510 = vector.broadcast %broadcast_in_dim3A_509 : vector<8x1xf32> to vector<8x512xf32>
    %eq3A_511 = arith.cmpf oeq, %while3A_506#0, %eq3A_510 : vector<8x512xf32>
    %jit3A_512 = arith.constant 1073741824 : i32
    %broadcast_in_dim3A_513 = vector.broadcast %jit3A_512 : i32 to vector<8x512xi32>
    %select_n3A_514 = arith.select %eq3A_511, %while3A_506#1, %broadcast_in_dim3A_513 : vector<8x512xi1>, vector<8x512xi32>
    %reduce_min3A_515 = arith.constant dense<2147483647> : vector<8xi32>
    %reduce_min3A_516 = vector.multi_reduction <minsi>, %select_n3A_514, %reduce_min3A_515 [1] : vector<8x512xi32> to vector<8xi32>
    %broadcast_in_dim3A_517 = vector.shape_cast %reduce_min3A_516 : vector<8xi32> to vector<8x1xi32>
    %min3A_518 = arith.constant 49999 : i32
    %min3A_519 = vector.broadcast %min3A_518 : i32 to vector<8x1xi32>
    %min3A_520 = arith.minsi %broadcast_in_dim3A_517, %min3A_519 : vector<8x1xi32>
    %swap3A_521 = arith.constant 0 : index
    %swap3A_522 = arith.constant 15 : index
    %swap3A_523 = vector.load %arg6[%swap3A_521, %swap3A_522] : memref<8x32xi32, #tpu.memory_space<vmem>>, vector<8x1xi32>
    tpu.vector_store %arg6[%swap3A_521, %swap3A_522], %min3A_520 {strides = array<i32>} : memref<8x32xi32, #tpu.memory_space<vmem>>, vector<8x1xi32>,
    %broadcast_in_dim3A_524 = arith.constant 0x7F800000 : f32
    %broadcast_in_dim3A_525 = vector.broadcast %broadcast_in_dim3A_524 : f32 to vector<8x512xf32>
    %broadcast_in_dim3A_526 = arith.constant 1073741824 : i32
    %broadcast_in_dim3A_527 = vector.broadcast %broadcast_in_dim3A_526 : i32 to vector<8x512xi32>
    %while3A_528 = arith.subi %get3A_4, %get3A_1 : i32
    %while3A_529 = arith.addi %get3A_1, %while3A_528 : i32
    %while3A_530 = arith.constant 1 : i32
    %while3A_531 = arith.divsi %while3A_528, %while3A_530 : i32
    %while3A_532 = arith.muli %while3A_531, %while3A_530 : i32
    %while3A_533 = arith.addi %get3A_1, %while3A_532 : i32
    %while3A_534 = arith.constant 1 : i32
    %while3A_535:2 = scf.for %while3A_1020 = %get3A_1 to %while3A_533 step %while3A_534 iter_args(%while3A_1021 = %broadcast_in_dim3A_525, %while3A_1022 = %broadcast_in_dim3A_527) -> (vector<8x512xf32>, vector<8x512xi32>)  : i32 {
      %mul3A = arith.constant 512 : i32
      %mul3A_1023 = arith.muli %while3A_1020, %mul3A : i32
      %multiple_of3A = tpu.assume_multiple %mul3A_1023, 512 : i32
      %get3A_1024 = arith.constant 0 : index
      %get3A_1025 = arith.index_cast %multiple_of3A : i32 to index
      %get3A_1026 = vector.load %arg7[%get3A_1024, %get3A_1025] : memref<8x50176xf32, #tpu.memory_space<vmem>>, vector<8x512xf32>
      %mul3A_1027 = arith.constant 512 : i32
      %mul3A_1028 = arith.muli %while3A_1020, %mul3A_1027 : i32
      %add3A = vector.broadcast %mul3A_1028 : i32 to vector<8x512xi32>
      %add3A_1029 = arith.addi %iota3A, %add3A : vector<8x512xi32>
      %gt3A = vector.broadcast %broadcast_in_dim3A_509 : vector<8x1xf32> to vector<8x512xf32>
      %gt3A_1030 = arith.cmpf ogt, %get3A_1026, %gt3A : vector<8x512xf32>
      %eq3A_1031 = vector.broadcast %broadcast_in_dim3A_509 : vector<8x1xf32> to vector<8x512xf32>
      %eq3A_1032 = arith.cmpf oeq, %get3A_1026, %eq3A_1031 : vector<8x512xf32>
      %gt3A_1033 = vector.broadcast %broadcast_in_dim3A_517 : vector<8x1xi32> to vector<8x512xi32>
      %gt3A_1034 = arith.cmpi sgt, %add3A_1029, %gt3A_1033 : vector<8x512xi32>
      %and3A = arith.andi %eq3A_1032, %gt3A_1034 : vector<8x512xi1>
      %or3A = arith.ori %gt3A_1030, %and3A : vector<8x512xi1>
      %lt3A = arith.cmpf olt, %get3A_1026, %while3A_1021 : vector<8x512xf32>
      %and3A_1035 = arith.andi %or3A, %lt3A : vector<8x512xi1>
      %select_n3A_1036 = arith.select %and3A_1035, %add3A_1029, %while3A_1022 : vector<8x512xi1>, vector<8x512xi32>
      %select_n3A_1037 = arith.select %and3A_1035, %get3A_1026, %while3A_1021 : vector<8x512xi1>, vector<8x512xf32>
      scf.yield %select_n3A_1037, %select_n3A_1036 : vector<8x512xf32>, vector<8x512xi32>
    }
    %while3A_536 = arith.constant 1 : i32
    %while3A_537:2 = scf.for %while3A_1020 = %while3A_533 to %while3A_529 step %while3A_536 iter_args(%while3A_1021 = %while3A_535#0, %while3A_1022 = %while3A_535#1) -> (vector<8x512xf32>, vector<8x512xi32>)  : i32 {
      %mul3A = arith.constant 512 : i32
      %mul3A_1023 = arith.muli %while3A_1020, %mul3A : i32
      %multiple_of3A = tpu.assume_multiple %mul3A_1023, 512 : i32
      %get3A_1024 = arith.constant 0 : index
      %get3A_1025 = arith.index_cast %multiple_of3A : i32 to index
      %get3A_1026 = vector.load %arg7[%get3A_1024, %get3A_1025] : memref<8x50176xf32, #tpu.memory_space<vmem>>, vector<8x512xf32>
      %mul3A_1027 = arith.constant 512 : i32
      %mul3A_1028 = arith.muli %while3A_1020, %mul3A_1027 : i32
      %add3A = vector.broadcast %mul3A_1028 : i32 to vector<8x512xi32>
      %add3A_1029 = arith.addi %iota3A, %add3A : vector<8x512xi32>
      %gt3A = vector.broadcast %broadcast_in_dim3A_509 : vector<8x1xf32> to vector<8x512xf32>
      %gt3A_1030 = arith.cmpf ogt, %get3A_1026, %gt3A : vector<8x512xf32>
      %eq3A_1031 = vector.broadcast %broadcast_in_dim3A_509 : vector<8x1xf32> to vector<8x512xf32>
      %eq3A_1032 = arith.cmpf oeq, %get3A_1026, %eq3A_1031 : vector<8x512xf32>
      %gt3A_1033 = vector.broadcast %broadcast_in_dim3A_517 : vector<8x1xi32> to vector<8x512xi32>
      %gt3A_1034 = arith.cmpi sgt, %add3A_1029, %gt3A_1033 : vector<8x512xi32>
      %and3A = arith.andi %eq3A_1032, %gt3A_1034 : vector<8x512xi1>
      %or3A = arith.ori %gt3A_1030, %and3A : vector<8x512xi1>
      %lt3A = arith.cmpf olt, %get3A_1026, %while3A_1021 : vector<8x512xf32>
      %and3A_1035 = arith.andi %or3A, %lt3A : vector<8x512xi1>
      %select_n3A_1036 = arith.select %and3A_1035, %add3A_1029, %while3A_1022 : vector<8x512xi1>, vector<8x512xi32>
      %select_n3A_1037 = arith.select %and3A_1035, %get3A_1026, %while3A_1021 : vector<8x512xi1>, vector<8x512xf32>
      scf.yield %select_n3A_1037, %select_n3A_1036 : vector<8x512xf32>, vector<8x512xi32>
    }
    %reduce_min3A_538 = arith.constant dense<0x7F800000> : vector<8xf32>
    %reduce_min3A_539 = vector.multi_reduction <minimumf>, %while3A_537#0, %reduce_min3A_538 [1] : vector<8x512xf32> to vector<8xf32>
    %broadcast_in_dim3A_540 = vector.shape_cast %reduce_min3A_539 : vector<8xf32> to vector<8x1xf32>
    %eq3A_541 = vector.broadcast %broadcast_in_dim3A_540 : vector<8x1xf32> to vector<8x512xf32>
    %eq3A_542 = arith.cmpf oeq, %while3A_537#0, %eq3A_541 : vector<8x512xf32>
    %jit3A_543 = arith.constant 1073741824 : i32
    %broadcast_in_dim3A_544 = vector.broadcast %jit3A_543 : i32 to vector<8x512xi32>
    %select_n3A_545 = arith.select %eq3A_542, %while3A_537#1, %broadcast_in_dim3A_544 : vector<8x512xi1>, vector<8x512xi32>
    %reduce_min3A_546 = arith.constant dense<2147483647> : vector<8xi32>
    %reduce_min3A_547 = vector.multi_reduction <minsi>, %select_n3A_545, %reduce_min3A_546 [1] : vector<8x512xi32> to vector<8xi32>
    %broadcast_in_dim3A_548 = vector.shape_cast %reduce_min3A_547 : vector<8xi32> to vector<8x1xi32>
    %min3A_549 = arith.constant 49999 : i32
    %min3A_550 = vector.broadcast %min3A_549 : i32 to vector<8x1xi32>
    %min3A_551 = arith.minsi %broadcast_in_dim3A_548, %min3A_550 : vector<8x1xi32>
    %swap3A_552 = arith.constant 0 : index
    %swap3A_553 = arith.constant 16 : index
    %swap3A_554 = vector.load %arg6[%swap3A_552, %swap3A_553] : memref<8x32xi32, #tpu.memory_space<vmem>>, vector<8x1xi32>
    tpu.vector_store %arg6[%swap3A_552, %swap3A_553], %min3A_551 {strides = array<i32>} : memref<8x32xi32, #tpu.memory_space<vmem>>, vector<8x1xi32>,
    %broadcast_in_dim3A_555 = arith.constant 0x7F800000 : f32
    %broadcast_in_dim3A_556 = vector.broadcast %broadcast_in_dim3A_555 : f32 to vector<8x512xf32>
    %broadcast_in_dim3A_557 = arith.constant 1073741824 : i32
    %broadcast_in_dim3A_558 = vector.broadcast %broadcast_in_dim3A_557 : i32 to vector<8x512xi32>
    %while3A_559 = arith.subi %get3A_4, %get3A_1 : i32
    %while3A_560 = arith.addi %get3A_1, %while3A_559 : i32
    %while3A_561 = arith.constant 1 : i32
    %while3A_562 = arith.divsi %while3A_559, %while3A_561 : i32
    %while3A_563 = arith.muli %while3A_562, %while3A_561 : i32
    %while3A_564 = arith.addi %get3A_1, %while3A_563 : i32
    %while3A_565 = arith.constant 1 : i32
    %while3A_566:2 = scf.for %while3A_1020 = %get3A_1 to %while3A_564 step %while3A_565 iter_args(%while3A_1021 = %broadcast_in_dim3A_556, %while3A_1022 = %broadcast_in_dim3A_558) -> (vector<8x512xf32>, vector<8x512xi32>)  : i32 {
      %mul3A = arith.constant 512 : i32
      %mul3A_1023 = arith.muli %while3A_1020, %mul3A : i32
      %multiple_of3A = tpu.assume_multiple %mul3A_1023, 512 : i32
      %get3A_1024 = arith.constant 0 : index
      %get3A_1025 = arith.index_cast %multiple_of3A : i32 to index
      %get3A_1026 = vector.load %arg7[%get3A_1024, %get3A_1025] : memref<8x50176xf32, #tpu.memory_space<vmem>>, vector<8x512xf32>
      %mul3A_1027 = arith.constant 512 : i32
      %mul3A_1028 = arith.muli %while3A_1020, %mul3A_1027 : i32
      %add3A = vector.broadcast %mul3A_1028 : i32 to vector<8x512xi32>
      %add3A_1029 = arith.addi %iota3A, %add3A : vector<8x512xi32>
      %gt3A = vector.broadcast %broadcast_in_dim3A_540 : vector<8x1xf32> to vector<8x512xf32>
      %gt3A_1030 = arith.cmpf ogt, %get3A_1026, %gt3A : vector<8x512xf32>
      %eq3A_1031 = vector.broadcast %broadcast_in_dim3A_540 : vector<8x1xf32> to vector<8x512xf32>
      %eq3A_1032 = arith.cmpf oeq, %get3A_1026, %eq3A_1031 : vector<8x512xf32>
      %gt3A_1033 = vector.broadcast %broadcast_in_dim3A_548 : vector<8x1xi32> to vector<8x512xi32>
      %gt3A_1034 = arith.cmpi sgt, %add3A_1029, %gt3A_1033 : vector<8x512xi32>
      %and3A = arith.andi %eq3A_1032, %gt3A_1034 : vector<8x512xi1>
      %or3A = arith.ori %gt3A_1030, %and3A : vector<8x512xi1>
      %lt3A = arith.cmpf olt, %get3A_1026, %while3A_1021 : vector<8x512xf32>
      %and3A_1035 = arith.andi %or3A, %lt3A : vector<8x512xi1>
      %select_n3A_1036 = arith.select %and3A_1035, %add3A_1029, %while3A_1022 : vector<8x512xi1>, vector<8x512xi32>
      %select_n3A_1037 = arith.select %and3A_1035, %get3A_1026, %while3A_1021 : vector<8x512xi1>, vector<8x512xf32>
      scf.yield %select_n3A_1037, %select_n3A_1036 : vector<8x512xf32>, vector<8x512xi32>
    }
    %while3A_567 = arith.constant 1 : i32
    %while3A_568:2 = scf.for %while3A_1020 = %while3A_564 to %while3A_560 step %while3A_567 iter_args(%while3A_1021 = %while3A_566#0, %while3A_1022 = %while3A_566#1) -> (vector<8x512xf32>, vector<8x512xi32>)  : i32 {
      %mul3A = arith.constant 512 : i32
      %mul3A_1023 = arith.muli %while3A_1020, %mul3A : i32
      %multiple_of3A = tpu.assume_multiple %mul3A_1023, 512 : i32
      %get3A_1024 = arith.constant 0 : index
      %get3A_1025 = arith.index_cast %multiple_of3A : i32 to index
      %get3A_1026 = vector.load %arg7[%get3A_1024, %get3A_1025] : memref<8x50176xf32, #tpu.memory_space<vmem>>, vector<8x512xf32>
      %mul3A_1027 = arith.constant 512 : i32
      %mul3A_1028 = arith.muli %while3A_1020, %mul3A_1027 : i32
      %add3A = vector.broadcast %mul3A_1028 : i32 to vector<8x512xi32>
      %add3A_1029 = arith.addi %iota3A, %add3A : vector<8x512xi32>
      %gt3A = vector.broadcast %broadcast_in_dim3A_540 : vector<8x1xf32> to vector<8x512xf32>
      %gt3A_1030 = arith.cmpf ogt, %get3A_1026, %gt3A : vector<8x512xf32>
      %eq3A_1031 = vector.broadcast %broadcast_in_dim3A_540 : vector<8x1xf32> to vector<8x512xf32>
      %eq3A_1032 = arith.cmpf oeq, %get3A_1026, %eq3A_1031 : vector<8x512xf32>
      %gt3A_1033 = vector.broadcast %broadcast_in_dim3A_548 : vector<8x1xi32> to vector<8x512xi32>
      %gt3A_1034 = arith.cmpi sgt, %add3A_1029, %gt3A_1033 : vector<8x512xi32>
      %and3A = arith.andi %eq3A_1032, %gt3A_1034 : vector<8x512xi1>
      %or3A = arith.ori %gt3A_1030, %and3A : vector<8x512xi1>
      %lt3A = arith.cmpf olt, %get3A_1026, %while3A_1021 : vector<8x512xf32>
      %and3A_1035 = arith.andi %or3A, %lt3A : vector<8x512xi1>
      %select_n3A_1036 = arith.select %and3A_1035, %add3A_1029, %while3A_1022 : vector<8x512xi1>, vector<8x512xi32>
      %select_n3A_1037 = arith.select %and3A_1035, %get3A_1026, %while3A_1021 : vector<8x512xi1>, vector<8x512xf32>
      scf.yield %select_n3A_1037, %select_n3A_1036 : vector<8x512xf32>, vector<8x512xi32>
    }
    %reduce_min3A_569 = arith.constant dense<0x7F800000> : vector<8xf32>
    %reduce_min3A_570 = vector.multi_reduction <minimumf>, %while3A_568#0, %reduce_min3A_569 [1] : vector<8x512xf32> to vector<8xf32>
    %broadcast_in_dim3A_571 = vector.shape_cast %reduce_min3A_570 : vector<8xf32> to vector<8x1xf32>
    %eq3A_572 = vector.broadcast %broadcast_in_dim3A_571 : vector<8x1xf32> to vector<8x512xf32>
    %eq3A_573 = arith.cmpf oeq, %while3A_568#0, %eq3A_572 : vector<8x512xf32>
    %jit3A_574 = arith.constant 1073741824 : i32
    %broadcast_in_dim3A_575 = vector.broadcast %jit3A_574 : i32 to vector<8x512xi32>
    %select_n3A_576 = arith.select %eq3A_573, %while3A_568#1, %broadcast_in_dim3A_575 : vector<8x512xi1>, vector<8x512xi32>
    %reduce_min3A_577 = arith.constant dense<2147483647> : vector<8xi32>
    %reduce_min3A_578 = vector.multi_reduction <minsi>, %select_n3A_576, %reduce_min3A_577 [1] : vector<8x512xi32> to vector<8xi32>
    %broadcast_in_dim3A_579 = vector.shape_cast %reduce_min3A_578 : vector<8xi32> to vector<8x1xi32>
    %min3A_580 = arith.constant 49999 : i32
    %min3A_581 = vector.broadcast %min3A_580 : i32 to vector<8x1xi32>
    %min3A_582 = arith.minsi %broadcast_in_dim3A_579, %min3A_581 : vector<8x1xi32>
    %swap3A_583 = arith.constant 0 : index
    %swap3A_584 = arith.constant 17 : index
    %swap3A_585 = vector.load %arg6[%swap3A_583, %swap3A_584] : memref<8x32xi32, #tpu.memory_space<vmem>>, vector<8x1xi32>
    tpu.vector_store %arg6[%swap3A_583, %swap3A_584], %min3A_582 {strides = array<i32>} : memref<8x32xi32, #tpu.memory_space<vmem>>, vector<8x1xi32>,
    %broadcast_in_dim3A_586 = arith.constant 0x7F800000 : f32
    %broadcast_in_dim3A_587 = vector.broadcast %broadcast_in_dim3A_586 : f32 to vector<8x512xf32>
    %broadcast_in_dim3A_588 = arith.constant 1073741824 : i32
    %broadcast_in_dim3A_589 = vector.broadcast %broadcast_in_dim3A_588 : i32 to vector<8x512xi32>
    %while3A_590 = arith.subi %get3A_4, %get3A_1 : i32
    %while3A_591 = arith.addi %get3A_1, %while3A_590 : i32
    %while3A_592 = arith.constant 1 : i32
    %while3A_593 = arith.divsi %while3A_590, %while3A_592 : i32
    %while3A_594 = arith.muli %while3A_593, %while3A_592 : i32
    %while3A_595 = arith.addi %get3A_1, %while3A_594 : i32
    %while3A_596 = arith.constant 1 : i32
    %while3A_597:2 = scf.for %while3A_1020 = %get3A_1 to %while3A_595 step %while3A_596 iter_args(%while3A_1021 = %broadcast_in_dim3A_587, %while3A_1022 = %broadcast_in_dim3A_589) -> (vector<8x512xf32>, vector<8x512xi32>)  : i32 {
      %mul3A = arith.constant 512 : i32
      %mul3A_1023 = arith.muli %while3A_1020, %mul3A : i32
      %multiple_of3A = tpu.assume_multiple %mul3A_1023, 512 : i32
      %get3A_1024 = arith.constant 0 : index
      %get3A_1025 = arith.index_cast %multiple_of3A : i32 to index
      %get3A_1026 = vector.load %arg7[%get3A_1024, %get3A_1025] : memref<8x50176xf32, #tpu.memory_space<vmem>>, vector<8x512xf32>
      %mul3A_1027 = arith.constant 512 : i32
      %mul3A_1028 = arith.muli %while3A_1020, %mul3A_1027 : i32
      %add3A = vector.broadcast %mul3A_1028 : i32 to vector<8x512xi32>
      %add3A_1029 = arith.addi %iota3A, %add3A : vector<8x512xi32>
      %gt3A = vector.broadcast %broadcast_in_dim3A_571 : vector<8x1xf32> to vector<8x512xf32>
      %gt3A_1030 = arith.cmpf ogt, %get3A_1026, %gt3A : vector<8x512xf32>
      %eq3A_1031 = vector.broadcast %broadcast_in_dim3A_571 : vector<8x1xf32> to vector<8x512xf32>
      %eq3A_1032 = arith.cmpf oeq, %get3A_1026, %eq3A_1031 : vector<8x512xf32>
      %gt3A_1033 = vector.broadcast %broadcast_in_dim3A_579 : vector<8x1xi32> to vector<8x512xi32>
      %gt3A_1034 = arith.cmpi sgt, %add3A_1029, %gt3A_1033 : vector<8x512xi32>
      %and3A = arith.andi %eq3A_1032, %gt3A_1034 : vector<8x512xi1>
      %or3A = arith.ori %gt3A_1030, %and3A : vector<8x512xi1>
      %lt3A = arith.cmpf olt, %get3A_1026, %while3A_1021 : vector<8x512xf32>
      %and3A_1035 = arith.andi %or3A, %lt3A : vector<8x512xi1>
      %select_n3A_1036 = arith.select %and3A_1035, %add3A_1029, %while3A_1022 : vector<8x512xi1>, vector<8x512xi32>
      %select_n3A_1037 = arith.select %and3A_1035, %get3A_1026, %while3A_1021 : vector<8x512xi1>, vector<8x512xf32>
      scf.yield %select_n3A_1037, %select_n3A_1036 : vector<8x512xf32>, vector<8x512xi32>
    }
    %while3A_598 = arith.constant 1 : i32
    %while3A_599:2 = scf.for %while3A_1020 = %while3A_595 to %while3A_591 step %while3A_598 iter_args(%while3A_1021 = %while3A_597#0, %while3A_1022 = %while3A_597#1) -> (vector<8x512xf32>, vector<8x512xi32>)  : i32 {
      %mul3A = arith.constant 512 : i32
      %mul3A_1023 = arith.muli %while3A_1020, %mul3A : i32
      %multiple_of3A = tpu.assume_multiple %mul3A_1023, 512 : i32
      %get3A_1024 = arith.constant 0 : index
      %get3A_1025 = arith.index_cast %multiple_of3A : i32 to index
      %get3A_1026 = vector.load %arg7[%get3A_1024, %get3A_1025] : memref<8x50176xf32, #tpu.memory_space<vmem>>, vector<8x512xf32>
      %mul3A_1027 = arith.constant 512 : i32
      %mul3A_1028 = arith.muli %while3A_1020, %mul3A_1027 : i32
      %add3A = vector.broadcast %mul3A_1028 : i32 to vector<8x512xi32>
      %add3A_1029 = arith.addi %iota3A, %add3A : vector<8x512xi32>
      %gt3A = vector.broadcast %broadcast_in_dim3A_571 : vector<8x1xf32> to vector<8x512xf32>
      %gt3A_1030 = arith.cmpf ogt, %get3A_1026, %gt3A : vector<8x512xf32>
      %eq3A_1031 = vector.broadcast %broadcast_in_dim3A_571 : vector<8x1xf32> to vector<8x512xf32>
      %eq3A_1032 = arith.cmpf oeq, %get3A_1026, %eq3A_1031 : vector<8x512xf32>
      %gt3A_1033 = vector.broadcast %broadcast_in_dim3A_579 : vector<8x1xi32> to vector<8x512xi32>
      %gt3A_1034 = arith.cmpi sgt, %add3A_1029, %gt3A_1033 : vector<8x512xi32>
      %and3A = arith.andi %eq3A_1032, %gt3A_1034 : vector<8x512xi1>
      %or3A = arith.ori %gt3A_1030, %and3A : vector<8x512xi1>
      %lt3A = arith.cmpf olt, %get3A_1026, %while3A_1021 : vector<8x512xf32>
      %and3A_1035 = arith.andi %or3A, %lt3A : vector<8x512xi1>
      %select_n3A_1036 = arith.select %and3A_1035, %add3A_1029, %while3A_1022 : vector<8x512xi1>, vector<8x512xi32>
      %select_n3A_1037 = arith.select %and3A_1035, %get3A_1026, %while3A_1021 : vector<8x512xi1>, vector<8x512xf32>
      scf.yield %select_n3A_1037, %select_n3A_1036 : vector<8x512xf32>, vector<8x512xi32>
    }
    %reduce_min3A_600 = arith.constant dense<0x7F800000> : vector<8xf32>
    %reduce_min3A_601 = vector.multi_reduction <minimumf>, %while3A_599#0, %reduce_min3A_600 [1] : vector<8x512xf32> to vector<8xf32>
    %broadcast_in_dim3A_602 = vector.shape_cast %reduce_min3A_601 : vector<8xf32> to vector<8x1xf32>
    %eq3A_603 = vector.broadcast %broadcast_in_dim3A_602 : vector<8x1xf32> to vector<8x512xf32>
    %eq3A_604 = arith.cmpf oeq, %while3A_599#0, %eq3A_603 : vector<8x512xf32>
    %jit3A_605 = arith.constant 1073741824 : i32
    %broadcast_in_dim3A_606 = vector.broadcast %jit3A_605 : i32 to vector<8x512xi32>
    %select_n3A_607 = arith.select %eq3A_604, %while3A_599#1, %broadcast_in_dim3A_606 : vector<8x512xi1>, vector<8x512xi32>
    %reduce_min3A_608 = arith.constant dense<2147483647> : vector<8xi32>
    %reduce_min3A_609 = vector.multi_reduction <minsi>, %select_n3A_607, %reduce_min3A_608 [1] : vector<8x512xi32> to vector<8xi32>
    %broadcast_in_dim3A_610 = vector.shape_cast %reduce_min3A_609 : vector<8xi32> to vector<8x1xi32>
    %min3A_611 = arith.constant 49999 : i32
    %min3A_612 = vector.broadcast %min3A_611 : i32 to vector<8x1xi32>
    %min3A_613 = arith.minsi %broadcast_in_dim3A_610, %min3A_612 : vector<8x1xi32>
    %swap3A_614 = arith.constant 0 : index
    %swap3A_615 = arith.constant 18 : index
    %swap3A_616 = vector.load %arg6[%swap3A_614, %swap3A_615] : memref<8x32xi32, #tpu.memory_space<vmem>>, vector<8x1xi32>
    tpu.vector_store %arg6[%swap3A_614, %swap3A_615], %min3A_613 {strides = array<i32>} : memref<8x32xi32, #tpu.memory_space<vmem>>, vector<8x1xi32>,
    %broadcast_in_dim3A_617 = arith.constant 0x7F800000 : f32
    %broadcast_in_dim3A_618 = vector.broadcast %broadcast_in_dim3A_617 : f32 to vector<8x512xf32>
    %broadcast_in_dim3A_619 = arith.constant 1073741824 : i32
    %broadcast_in_dim3A_620 = vector.broadcast %broadcast_in_dim3A_619 : i32 to vector<8x512xi32>
    %while3A_621 = arith.subi %get3A_4, %get3A_1 : i32
    %while3A_622 = arith.addi %get3A_1, %while3A_621 : i32
    %while3A_623 = arith.constant 1 : i32
    %while3A_624 = arith.divsi %while3A_621, %while3A_623 : i32
    %while3A_625 = arith.muli %while3A_624, %while3A_623 : i32
    %while3A_626 = arith.addi %get3A_1, %while3A_625 : i32
    %while3A_627 = arith.constant 1 : i32
    %while3A_628:2 = scf.for %while3A_1020 = %get3A_1 to %while3A_626 step %while3A_627 iter_args(%while3A_1021 = %broadcast_in_dim3A_618, %while3A_1022 = %broadcast_in_dim3A_620) -> (vector<8x512xf32>, vector<8x512xi32>)  : i32 {
      %mul3A = arith.constant 512 : i32
      %mul3A_1023 = arith.muli %while3A_1020, %mul3A : i32
      %multiple_of3A = tpu.assume_multiple %mul3A_1023, 512 : i32
      %get3A_1024 = arith.constant 0 : index
      %get3A_1025 = arith.index_cast %multiple_of3A : i32 to index
      %get3A_1026 = vector.load %arg7[%get3A_1024, %get3A_1025] : memref<8x50176xf32, #tpu.memory_space<vmem>>, vector<8x512xf32>
      %mul3A_1027 = arith.constant 512 : i32
      %mul3A_1028 = arith.muli %while3A_1020, %mul3A_1027 : i32
      %add3A = vector.broadcast %mul3A_1028 : i32 to vector<8x512xi32>
      %add3A_1029 = arith.addi %iota3A, %add3A : vector<8x512xi32>
      %gt3A = vector.broadcast %broadcast_in_dim3A_602 : vector<8x1xf32> to vector<8x512xf32>
      %gt3A_1030 = arith.cmpf ogt, %get3A_1026, %gt3A : vector<8x512xf32>
      %eq3A_1031 = vector.broadcast %broadcast_in_dim3A_602 : vector<8x1xf32> to vector<8x512xf32>
      %eq3A_1032 = arith.cmpf oeq, %get3A_1026, %eq3A_1031 : vector<8x512xf32>
      %gt3A_1033 = vector.broadcast %broadcast_in_dim3A_610 : vector<8x1xi32> to vector<8x512xi32>
      %gt3A_1034 = arith.cmpi sgt, %add3A_1029, %gt3A_1033 : vector<8x512xi32>
      %and3A = arith.andi %eq3A_1032, %gt3A_1034 : vector<8x512xi1>
      %or3A = arith.ori %gt3A_1030, %and3A : vector<8x512xi1>
      %lt3A = arith.cmpf olt, %get3A_1026, %while3A_1021 : vector<8x512xf32>
      %and3A_1035 = arith.andi %or3A, %lt3A : vector<8x512xi1>
      %select_n3A_1036 = arith.select %and3A_1035, %add3A_1029, %while3A_1022 : vector<8x512xi1>, vector<8x512xi32>
      %select_n3A_1037 = arith.select %and3A_1035, %get3A_1026, %while3A_1021 : vector<8x512xi1>, vector<8x512xf32>
      scf.yield %select_n3A_1037, %select_n3A_1036 : vector<8x512xf32>, vector<8x512xi32>
    }
    %while3A_629 = arith.constant 1 : i32
    %while3A_630:2 = scf.for %while3A_1020 = %while3A_626 to %while3A_622 step %while3A_629 iter_args(%while3A_1021 = %while3A_628#0, %while3A_1022 = %while3A_628#1) -> (vector<8x512xf32>, vector<8x512xi32>)  : i32 {
      %mul3A = arith.constant 512 : i32
      %mul3A_1023 = arith.muli %while3A_1020, %mul3A : i32
      %multiple_of3A = tpu.assume_multiple %mul3A_1023, 512 : i32
      %get3A_1024 = arith.constant 0 : index
      %get3A_1025 = arith.index_cast %multiple_of3A : i32 to index
      %get3A_1026 = vector.load %arg7[%get3A_1024, %get3A_1025] : memref<8x50176xf32, #tpu.memory_space<vmem>>, vector<8x512xf32>
      %mul3A_1027 = arith.constant 512 : i32
      %mul3A_1028 = arith.muli %while3A_1020, %mul3A_1027 : i32
      %add3A = vector.broadcast %mul3A_1028 : i32 to vector<8x512xi32>
      %add3A_1029 = arith.addi %iota3A, %add3A : vector<8x512xi32>
      %gt3A = vector.broadcast %broadcast_in_dim3A_602 : vector<8x1xf32> to vector<8x512xf32>
      %gt3A_1030 = arith.cmpf ogt, %get3A_1026, %gt3A : vector<8x512xf32>
      %eq3A_1031 = vector.broadcast %broadcast_in_dim3A_602 : vector<8x1xf32> to vector<8x512xf32>
      %eq3A_1032 = arith.cmpf oeq, %get3A_1026, %eq3A_1031 : vector<8x512xf32>
      %gt3A_1033 = vector.broadcast %broadcast_in_dim3A_610 : vector<8x1xi32> to vector<8x512xi32>
      %gt3A_1034 = arith.cmpi sgt, %add3A_1029, %gt3A_1033 : vector<8x512xi32>
      %and3A = arith.andi %eq3A_1032, %gt3A_1034 : vector<8x512xi1>
      %or3A = arith.ori %gt3A_1030, %and3A : vector<8x512xi1>
      %lt3A = arith.cmpf olt, %get3A_1026, %while3A_1021 : vector<8x512xf32>
      %and3A_1035 = arith.andi %or3A, %lt3A : vector<8x512xi1>
      %select_n3A_1036 = arith.select %and3A_1035, %add3A_1029, %while3A_1022 : vector<8x512xi1>, vector<8x512xi32>
      %select_n3A_1037 = arith.select %and3A_1035, %get3A_1026, %while3A_1021 : vector<8x512xi1>, vector<8x512xf32>
      scf.yield %select_n3A_1037, %select_n3A_1036 : vector<8x512xf32>, vector<8x512xi32>
    }
    %reduce_min3A_631 = arith.constant dense<0x7F800000> : vector<8xf32>
    %reduce_min3A_632 = vector.multi_reduction <minimumf>, %while3A_630#0, %reduce_min3A_631 [1] : vector<8x512xf32> to vector<8xf32>
    %broadcast_in_dim3A_633 = vector.shape_cast %reduce_min3A_632 : vector<8xf32> to vector<8x1xf32>
    %eq3A_634 = vector.broadcast %broadcast_in_dim3A_633 : vector<8x1xf32> to vector<8x512xf32>
    %eq3A_635 = arith.cmpf oeq, %while3A_630#0, %eq3A_634 : vector<8x512xf32>
    %jit3A_636 = arith.constant 1073741824 : i32
    %broadcast_in_dim3A_637 = vector.broadcast %jit3A_636 : i32 to vector<8x512xi32>
    %select_n3A_638 = arith.select %eq3A_635, %while3A_630#1, %broadcast_in_dim3A_637 : vector<8x512xi1>, vector<8x512xi32>
    %reduce_min3A_639 = arith.constant dense<2147483647> : vector<8xi32>
    %reduce_min3A_640 = vector.multi_reduction <minsi>, %select_n3A_638, %reduce_min3A_639 [1] : vector<8x512xi32> to vector<8xi32>
    %broadcast_in_dim3A_641 = vector.shape_cast %reduce_min3A_640 : vector<8xi32> to vector<8x1xi32>
    %min3A_642 = arith.constant 49999 : i32
    %min3A_643 = vector.broadcast %min3A_642 : i32 to vector<8x1xi32>
    %min3A_644 = arith.minsi %broadcast_in_dim3A_641, %min3A_643 : vector<8x1xi32>
    %swap3A_645 = arith.constant 0 : index
    %swap3A_646 = arith.constant 19 : index
    %swap3A_647 = vector.load %arg6[%swap3A_645, %swap3A_646] : memref<8x32xi32, #tpu.memory_space<vmem>>, vector<8x1xi32>
    tpu.vector_store %arg6[%swap3A_645, %swap3A_646], %min3A_644 {strides = array<i32>} : memref<8x32xi32, #tpu.memory_space<vmem>>, vector<8x1xi32>,
    %broadcast_in_dim3A_648 = arith.constant 0x7F800000 : f32
    %broadcast_in_dim3A_649 = vector.broadcast %broadcast_in_dim3A_648 : f32 to vector<8x512xf32>
    %broadcast_in_dim3A_650 = arith.constant 1073741824 : i32
    %broadcast_in_dim3A_651 = vector.broadcast %broadcast_in_dim3A_650 : i32 to vector<8x512xi32>
    %while3A_652 = arith.subi %get3A_4, %get3A_1 : i32
    %while3A_653 = arith.addi %get3A_1, %while3A_652 : i32
    %while3A_654 = arith.constant 1 : i32
    %while3A_655 = arith.divsi %while3A_652, %while3A_654 : i32
    %while3A_656 = arith.muli %while3A_655, %while3A_654 : i32
    %while3A_657 = arith.addi %get3A_1, %while3A_656 : i32
    %while3A_658 = arith.constant 1 : i32
    %while3A_659:2 = scf.for %while3A_1020 = %get3A_1 to %while3A_657 step %while3A_658 iter_args(%while3A_1021 = %broadcast_in_dim3A_649, %while3A_1022 = %broadcast_in_dim3A_651) -> (vector<8x512xf32>, vector<8x512xi32>)  : i32 {
      %mul3A = arith.constant 512 : i32
      %mul3A_1023 = arith.muli %while3A_1020, %mul3A : i32
      %multiple_of3A = tpu.assume_multiple %mul3A_1023, 512 : i32
      %get3A_1024 = arith.constant 0 : index
      %get3A_1025 = arith.index_cast %multiple_of3A : i32 to index
      %get3A_1026 = vector.load %arg7[%get3A_1024, %get3A_1025] : memref<8x50176xf32, #tpu.memory_space<vmem>>, vector<8x512xf32>
      %mul3A_1027 = arith.constant 512 : i32
      %mul3A_1028 = arith.muli %while3A_1020, %mul3A_1027 : i32
      %add3A = vector.broadcast %mul3A_1028 : i32 to vector<8x512xi32>
      %add3A_1029 = arith.addi %iota3A, %add3A : vector<8x512xi32>
      %gt3A = vector.broadcast %broadcast_in_dim3A_633 : vector<8x1xf32> to vector<8x512xf32>
      %gt3A_1030 = arith.cmpf ogt, %get3A_1026, %gt3A : vector<8x512xf32>
      %eq3A_1031 = vector.broadcast %broadcast_in_dim3A_633 : vector<8x1xf32> to vector<8x512xf32>
      %eq3A_1032 = arith.cmpf oeq, %get3A_1026, %eq3A_1031 : vector<8x512xf32>
      %gt3A_1033 = vector.broadcast %broadcast_in_dim3A_641 : vector<8x1xi32> to vector<8x512xi32>
      %gt3A_1034 = arith.cmpi sgt, %add3A_1029, %gt3A_1033 : vector<8x512xi32>
      %and3A = arith.andi %eq3A_1032, %gt3A_1034 : vector<8x512xi1>
      %or3A = arith.ori %gt3A_1030, %and3A : vector<8x512xi1>
      %lt3A = arith.cmpf olt, %get3A_1026, %while3A_1021 : vector<8x512xf32>
      %and3A_1035 = arith.andi %or3A, %lt3A : vector<8x512xi1>
      %select_n3A_1036 = arith.select %and3A_1035, %add3A_1029, %while3A_1022 : vector<8x512xi1>, vector<8x512xi32>
      %select_n3A_1037 = arith.select %and3A_1035, %get3A_1026, %while3A_1021 : vector<8x512xi1>, vector<8x512xf32>
      scf.yield %select_n3A_1037, %select_n3A_1036 : vector<8x512xf32>, vector<8x512xi32>
    }
    %while3A_660 = arith.constant 1 : i32
    %while3A_661:2 = scf.for %while3A_1020 = %while3A_657 to %while3A_653 step %while3A_660 iter_args(%while3A_1021 = %while3A_659#0, %while3A_1022 = %while3A_659#1) -> (vector<8x512xf32>, vector<8x512xi32>)  : i32 {
      %mul3A = arith.constant 512 : i32
      %mul3A_1023 = arith.muli %while3A_1020, %mul3A : i32
      %multiple_of3A = tpu.assume_multiple %mul3A_1023, 512 : i32
      %get3A_1024 = arith.constant 0 : index
      %get3A_1025 = arith.index_cast %multiple_of3A : i32 to index
      %get3A_1026 = vector.load %arg7[%get3A_1024, %get3A_1025] : memref<8x50176xf32, #tpu.memory_space<vmem>>, vector<8x512xf32>
      %mul3A_1027 = arith.constant 512 : i32
      %mul3A_1028 = arith.muli %while3A_1020, %mul3A_1027 : i32
      %add3A = vector.broadcast %mul3A_1028 : i32 to vector<8x512xi32>
      %add3A_1029 = arith.addi %iota3A, %add3A : vector<8x512xi32>
      %gt3A = vector.broadcast %broadcast_in_dim3A_633 : vector<8x1xf32> to vector<8x512xf32>
      %gt3A_1030 = arith.cmpf ogt, %get3A_1026, %gt3A : vector<8x512xf32>
      %eq3A_1031 = vector.broadcast %broadcast_in_dim3A_633 : vector<8x1xf32> to vector<8x512xf32>
      %eq3A_1032 = arith.cmpf oeq, %get3A_1026, %eq3A_1031 : vector<8x512xf32>
      %gt3A_1033 = vector.broadcast %broadcast_in_dim3A_641 : vector<8x1xi32> to vector<8x512xi32>
      %gt3A_1034 = arith.cmpi sgt, %add3A_1029, %gt3A_1033 : vector<8x512xi32>
      %and3A = arith.andi %eq3A_1032, %gt3A_1034 : vector<8x512xi1>
      %or3A = arith.ori %gt3A_1030, %and3A : vector<8x512xi1>
      %lt3A = arith.cmpf olt, %get3A_1026, %while3A_1021 : vector<8x512xf32>
      %and3A_1035 = arith.andi %or3A, %lt3A : vector<8x512xi1>
      %select_n3A_1036 = arith.select %and3A_1035, %add3A_1029, %while3A_1022 : vector<8x512xi1>, vector<8x512xi32>
      %select_n3A_1037 = arith.select %and3A_1035, %get3A_1026, %while3A_1021 : vector<8x512xi1>, vector<8x512xf32>
      scf.yield %select_n3A_1037, %select_n3A_1036 : vector<8x512xf32>, vector<8x512xi32>
    }
    %reduce_min3A_662 = arith.constant dense<0x7F800000> : vector<8xf32>
    %reduce_min3A_663 = vector.multi_reduction <minimumf>, %while3A_661#0, %reduce_min3A_662 [1] : vector<8x512xf32> to vector<8xf32>
    %broadcast_in_dim3A_664 = vector.shape_cast %reduce_min3A_663 : vector<8xf32> to vector<8x1xf32>
    %eq3A_665 = vector.broadcast %broadcast_in_dim3A_664 : vector<8x1xf32> to vector<8x512xf32>
    %eq3A_666 = arith.cmpf oeq, %while3A_661#0, %eq3A_665 : vector<8x512xf32>
    %jit3A_667 = arith.constant 1073741824 : i32
    %broadcast_in_dim3A_668 = vector.broadcast %jit3A_667 : i32 to vector<8x512xi32>
    %select_n3A_669 = arith.select %eq3A_666, %while3A_661#1, %broadcast_in_dim3A_668 : vector<8x512xi1>, vector<8x512xi32>
    %reduce_min3A_670 = arith.constant dense<2147483647> : vector<8xi32>
    %reduce_min3A_671 = vector.multi_reduction <minsi>, %select_n3A_669, %reduce_min3A_670 [1] : vector<8x512xi32> to vector<8xi32>
    %broadcast_in_dim3A_672 = vector.shape_cast %reduce_min3A_671 : vector<8xi32> to vector<8x1xi32>
    %min3A_673 = arith.constant 49999 : i32
    %min3A_674 = vector.broadcast %min3A_673 : i32 to vector<8x1xi32>
    %min3A_675 = arith.minsi %broadcast_in_dim3A_672, %min3A_674 : vector<8x1xi32>
    %swap3A_676 = arith.constant 0 : index
    %swap3A_677 = arith.constant 20 : index
    %swap3A_678 = vector.load %arg6[%swap3A_676, %swap3A_677] : memref<8x32xi32, #tpu.memory_space<vmem>>, vector<8x1xi32>
    tpu.vector_store %arg6[%swap3A_676, %swap3A_677], %min3A_675 {strides = array<i32>} : memref<8x32xi32, #tpu.memory_space<vmem>>, vector<8x1xi32>,
    %broadcast_in_dim3A_679 = arith.constant 0x7F800000 : f32
    %broadcast_in_dim3A_680 = vector.broadcast %broadcast_in_dim3A_679 : f32 to vector<8x512xf32>
    %broadcast_in_dim3A_681 = arith.constant 1073741824 : i32
    %broadcast_in_dim3A_682 = vector.broadcast %broadcast_in_dim3A_681 : i32 to vector<8x512xi32>
    %while3A_683 = arith.subi %get3A_4, %get3A_1 : i32
    %while3A_684 = arith.addi %get3A_1, %while3A_683 : i32
    %while3A_685 = arith.constant 1 : i32
    %while3A_686 = arith.divsi %while3A_683, %while3A_685 : i32
    %while3A_687 = arith.muli %while3A_686, %while3A_685 : i32
    %while3A_688 = arith.addi %get3A_1, %while3A_687 : i32
    %while3A_689 = arith.constant 1 : i32
    %while3A_690:2 = scf.for %while3A_1020 = %get3A_1 to %while3A_688 step %while3A_689 iter_args(%while3A_1021 = %broadcast_in_dim3A_680, %while3A_1022 = %broadcast_in_dim3A_682) -> (vector<8x512xf32>, vector<8x512xi32>)  : i32 {
      %mul3A = arith.constant 512 : i32
      %mul3A_1023 = arith.muli %while3A_1020, %mul3A : i32
      %multiple_of3A = tpu.assume_multiple %mul3A_1023, 512 : i32
      %get3A_1024 = arith.constant 0 : index
      %get3A_1025 = arith.index_cast %multiple_of3A : i32 to index
      %get3A_1026 = vector.load %arg7[%get3A_1024, %get3A_1025] : memref<8x50176xf32, #tpu.memory_space<vmem>>, vector<8x512xf32>
      %mul3A_1027 = arith.constant 512 : i32
      %mul3A_1028 = arith.muli %while3A_1020, %mul3A_1027 : i32
      %add3A = vector.broadcast %mul3A_1028 : i32 to vector<8x512xi32>
      %add3A_1029 = arith.addi %iota3A, %add3A : vector<8x512xi32>
      %gt3A = vector.broadcast %broadcast_in_dim3A_664 : vector<8x1xf32> to vector<8x512xf32>
      %gt3A_1030 = arith.cmpf ogt, %get3A_1026, %gt3A : vector<8x512xf32>
      %eq3A_1031 = vector.broadcast %broadcast_in_dim3A_664 : vector<8x1xf32> to vector<8x512xf32>
      %eq3A_1032 = arith.cmpf oeq, %get3A_1026, %eq3A_1031 : vector<8x512xf32>
      %gt3A_1033 = vector.broadcast %broadcast_in_dim3A_672 : vector<8x1xi32> to vector<8x512xi32>
      %gt3A_1034 = arith.cmpi sgt, %add3A_1029, %gt3A_1033 : vector<8x512xi32>
      %and3A = arith.andi %eq3A_1032, %gt3A_1034 : vector<8x512xi1>
      %or3A = arith.ori %gt3A_1030, %and3A : vector<8x512xi1>
      %lt3A = arith.cmpf olt, %get3A_1026, %while3A_1021 : vector<8x512xf32>
      %and3A_1035 = arith.andi %or3A, %lt3A : vector<8x512xi1>
      %select_n3A_1036 = arith.select %and3A_1035, %add3A_1029, %while3A_1022 : vector<8x512xi1>, vector<8x512xi32>
      %select_n3A_1037 = arith.select %and3A_1035, %get3A_1026, %while3A_1021 : vector<8x512xi1>, vector<8x512xf32>
      scf.yield %select_n3A_1037, %select_n3A_1036 : vector<8x512xf32>, vector<8x512xi32>
    }
    %while3A_691 = arith.constant 1 : i32
    %while3A_692:2 = scf.for %while3A_1020 = %while3A_688 to %while3A_684 step %while3A_691 iter_args(%while3A_1021 = %while3A_690#0, %while3A_1022 = %while3A_690#1) -> (vector<8x512xf32>, vector<8x512xi32>)  : i32 {
      %mul3A = arith.constant 512 : i32
      %mul3A_1023 = arith.muli %while3A_1020, %mul3A : i32
      %multiple_of3A = tpu.assume_multiple %mul3A_1023, 512 : i32
      %get3A_1024 = arith.constant 0 : index
      %get3A_1025 = arith.index_cast %multiple_of3A : i32 to index
      %get3A_1026 = vector.load %arg7[%get3A_1024, %get3A_1025] : memref<8x50176xf32, #tpu.memory_space<vmem>>, vector<8x512xf32>
      %mul3A_1027 = arith.constant 512 : i32
      %mul3A_1028 = arith.muli %while3A_1020, %mul3A_1027 : i32
      %add3A = vector.broadcast %mul3A_1028 : i32 to vector<8x512xi32>
      %add3A_1029 = arith.addi %iota3A, %add3A : vector<8x512xi32>
      %gt3A = vector.broadcast %broadcast_in_dim3A_664 : vector<8x1xf32> to vector<8x512xf32>
      %gt3A_1030 = arith.cmpf ogt, %get3A_1026, %gt3A : vector<8x512xf32>
      %eq3A_1031 = vector.broadcast %broadcast_in_dim3A_664 : vector<8x1xf32> to vector<8x512xf32>
      %eq3A_1032 = arith.cmpf oeq, %get3A_1026, %eq3A_1031 : vector<8x512xf32>
      %gt3A_1033 = vector.broadcast %broadcast_in_dim3A_672 : vector<8x1xi32> to vector<8x512xi32>
      %gt3A_1034 = arith.cmpi sgt, %add3A_1029, %gt3A_1033 : vector<8x512xi32>
      %and3A = arith.andi %eq3A_1032, %gt3A_1034 : vector<8x512xi1>
      %or3A = arith.ori %gt3A_1030, %and3A : vector<8x512xi1>
      %lt3A = arith.cmpf olt, %get3A_1026, %while3A_1021 : vector<8x512xf32>
      %and3A_1035 = arith.andi %or3A, %lt3A : vector<8x512xi1>
      %select_n3A_1036 = arith.select %and3A_1035, %add3A_1029, %while3A_1022 : vector<8x512xi1>, vector<8x512xi32>
      %select_n3A_1037 = arith.select %and3A_1035, %get3A_1026, %while3A_1021 : vector<8x512xi1>, vector<8x512xf32>
      scf.yield %select_n3A_1037, %select_n3A_1036 : vector<8x512xf32>, vector<8x512xi32>
    }
    %reduce_min3A_693 = arith.constant dense<0x7F800000> : vector<8xf32>
    %reduce_min3A_694 = vector.multi_reduction <minimumf>, %while3A_692#0, %reduce_min3A_693 [1] : vector<8x512xf32> to vector<8xf32>
    %broadcast_in_dim3A_695 = vector.shape_cast %reduce_min3A_694 : vector<8xf32> to vector<8x1xf32>
    %eq3A_696 = vector.broadcast %broadcast_in_dim3A_695 : vector<8x1xf32> to vector<8x512xf32>
    %eq3A_697 = arith.cmpf oeq, %while3A_692#0, %eq3A_696 : vector<8x512xf32>
    %jit3A_698 = arith.constant 1073741824 : i32
    %broadcast_in_dim3A_699 = vector.broadcast %jit3A_698 : i32 to vector<8x512xi32>
    %select_n3A_700 = arith.select %eq3A_697, %while3A_692#1, %broadcast_in_dim3A_699 : vector<8x512xi1>, vector<8x512xi32>
    %reduce_min3A_701 = arith.constant dense<2147483647> : vector<8xi32>
    %reduce_min3A_702 = vector.multi_reduction <minsi>, %select_n3A_700, %reduce_min3A_701 [1] : vector<8x512xi32> to vector<8xi32>
    %broadcast_in_dim3A_703 = vector.shape_cast %reduce_min3A_702 : vector<8xi32> to vector<8x1xi32>
    %min3A_704 = arith.constant 49999 : i32
    %min3A_705 = vector.broadcast %min3A_704 : i32 to vector<8x1xi32>
    %min3A_706 = arith.minsi %broadcast_in_dim3A_703, %min3A_705 : vector<8x1xi32>
    %swap3A_707 = arith.constant 0 : index
    %swap3A_708 = arith.constant 21 : index
    %swap3A_709 = vector.load %arg6[%swap3A_707, %swap3A_708] : memref<8x32xi32, #tpu.memory_space<vmem>>, vector<8x1xi32>
    tpu.vector_store %arg6[%swap3A_707, %swap3A_708], %min3A_706 {strides = array<i32>} : memref<8x32xi32, #tpu.memory_space<vmem>>, vector<8x1xi32>,
    %broadcast_in_dim3A_710 = arith.constant 0x7F800000 : f32
    %broadcast_in_dim3A_711 = vector.broadcast %broadcast_in_dim3A_710 : f32 to vector<8x512xf32>
    %broadcast_in_dim3A_712 = arith.constant 1073741824 : i32
    %broadcast_in_dim3A_713 = vector.broadcast %broadcast_in_dim3A_712 : i32 to vector<8x512xi32>
    %while3A_714 = arith.subi %get3A_4, %get3A_1 : i32
    %while3A_715 = arith.addi %get3A_1, %while3A_714 : i32
    %while3A_716 = arith.constant 1 : i32
    %while3A_717 = arith.divsi %while3A_714, %while3A_716 : i32
    %while3A_718 = arith.muli %while3A_717, %while3A_716 : i32
    %while3A_719 = arith.addi %get3A_1, %while3A_718 : i32
    %while3A_720 = arith.constant 1 : i32
    %while3A_721:2 = scf.for %while3A_1020 = %get3A_1 to %while3A_719 step %while3A_720 iter_args(%while3A_1021 = %broadcast_in_dim3A_711, %while3A_1022 = %broadcast_in_dim3A_713) -> (vector<8x512xf32>, vector<8x512xi32>)  : i32 {
      %mul3A = arith.constant 512 : i32
      %mul3A_1023 = arith.muli %while3A_1020, %mul3A : i32
      %multiple_of3A = tpu.assume_multiple %mul3A_1023, 512 : i32
      %get3A_1024 = arith.constant 0 : index
      %get3A_1025 = arith.index_cast %multiple_of3A : i32 to index
      %get3A_1026 = vector.load %arg7[%get3A_1024, %get3A_1025] : memref<8x50176xf32, #tpu.memory_space<vmem>>, vector<8x512xf32>
      %mul3A_1027 = arith.constant 512 : i32
      %mul3A_1028 = arith.muli %while3A_1020, %mul3A_1027 : i32
      %add3A = vector.broadcast %mul3A_1028 : i32 to vector<8x512xi32>
      %add3A_1029 = arith.addi %iota3A, %add3A : vector<8x512xi32>
      %gt3A = vector.broadcast %broadcast_in_dim3A_695 : vector<8x1xf32> to vector<8x512xf32>
      %gt3A_1030 = arith.cmpf ogt, %get3A_1026, %gt3A : vector<8x512xf32>
      %eq3A_1031 = vector.broadcast %broadcast_in_dim3A_695 : vector<8x1xf32> to vector<8x512xf32>
      %eq3A_1032 = arith.cmpf oeq, %get3A_1026, %eq3A_1031 : vector<8x512xf32>
      %gt3A_1033 = vector.broadcast %broadcast_in_dim3A_703 : vector<8x1xi32> to vector<8x512xi32>
      %gt3A_1034 = arith.cmpi sgt, %add3A_1029, %gt3A_1033 : vector<8x512xi32>
      %and3A = arith.andi %eq3A_1032, %gt3A_1034 : vector<8x512xi1>
      %or3A = arith.ori %gt3A_1030, %and3A : vector<8x512xi1>
      %lt3A = arith.cmpf olt, %get3A_1026, %while3A_1021 : vector<8x512xf32>
      %and3A_1035 = arith.andi %or3A, %lt3A : vector<8x512xi1>
      %select_n3A_1036 = arith.select %and3A_1035, %add3A_1029, %while3A_1022 : vector<8x512xi1>, vector<8x512xi32>
      %select_n3A_1037 = arith.select %and3A_1035, %get3A_1026, %while3A_1021 : vector<8x512xi1>, vector<8x512xf32>
      scf.yield %select_n3A_1037, %select_n3A_1036 : vector<8x512xf32>, vector<8x512xi32>
    }
    %while3A_722 = arith.constant 1 : i32
    %while3A_723:2 = scf.for %while3A_1020 = %while3A_719 to %while3A_715 step %while3A_722 iter_args(%while3A_1021 = %while3A_721#0, %while3A_1022 = %while3A_721#1) -> (vector<8x512xf32>, vector<8x512xi32>)  : i32 {
      %mul3A = arith.constant 512 : i32
      %mul3A_1023 = arith.muli %while3A_1020, %mul3A : i32
      %multiple_of3A = tpu.assume_multiple %mul3A_1023, 512 : i32
      %get3A_1024 = arith.constant 0 : index
      %get3A_1025 = arith.index_cast %multiple_of3A : i32 to index
      %get3A_1026 = vector.load %arg7[%get3A_1024, %get3A_1025] : memref<8x50176xf32, #tpu.memory_space<vmem>>, vector<8x512xf32>
      %mul3A_1027 = arith.constant 512 : i32
      %mul3A_1028 = arith.muli %while3A_1020, %mul3A_1027 : i32
      %add3A = vector.broadcast %mul3A_1028 : i32 to vector<8x512xi32>
      %add3A_1029 = arith.addi %iota3A, %add3A : vector<8x512xi32>
      %gt3A = vector.broadcast %broadcast_in_dim3A_695 : vector<8x1xf32> to vector<8x512xf32>
      %gt3A_1030 = arith.cmpf ogt, %get3A_1026, %gt3A : vector<8x512xf32>
      %eq3A_1031 = vector.broadcast %broadcast_in_dim3A_695 : vector<8x1xf32> to vector<8x512xf32>
      %eq3A_1032 = arith.cmpf oeq, %get3A_1026, %eq3A_1031 : vector<8x512xf32>
      %gt3A_1033 = vector.broadcast %broadcast_in_dim3A_703 : vector<8x1xi32> to vector<8x512xi32>
      %gt3A_1034 = arith.cmpi sgt, %add3A_1029, %gt3A_1033 : vector<8x512xi32>
      %and3A = arith.andi %eq3A_1032, %gt3A_1034 : vector<8x512xi1>
      %or3A = arith.ori %gt3A_1030, %and3A : vector<8x512xi1>
      %lt3A = arith.cmpf olt, %get3A_1026, %while3A_1021 : vector<8x512xf32>
      %and3A_1035 = arith.andi %or3A, %lt3A : vector<8x512xi1>
      %select_n3A_1036 = arith.select %and3A_1035, %add3A_1029, %while3A_1022 : vector<8x512xi1>, vector<8x512xi32>
      %select_n3A_1037 = arith.select %and3A_1035, %get3A_1026, %while3A_1021 : vector<8x512xi1>, vector<8x512xf32>
      scf.yield %select_n3A_1037, %select_n3A_1036 : vector<8x512xf32>, vector<8x512xi32>
    }
    %reduce_min3A_724 = arith.constant dense<0x7F800000> : vector<8xf32>
    %reduce_min3A_725 = vector.multi_reduction <minimumf>, %while3A_723#0, %reduce_min3A_724 [1] : vector<8x512xf32> to vector<8xf32>
    %broadcast_in_dim3A_726 = vector.shape_cast %reduce_min3A_725 : vector<8xf32> to vector<8x1xf32>
    %eq3A_727 = vector.broadcast %broadcast_in_dim3A_726 : vector<8x1xf32> to vector<8x512xf32>
    %eq3A_728 = arith.cmpf oeq, %while3A_723#0, %eq3A_727 : vector<8x512xf32>
    %jit3A_729 = arith.constant 1073741824 : i32
    %broadcast_in_dim3A_730 = vector.broadcast %jit3A_729 : i32 to vector<8x512xi32>
    %select_n3A_731 = arith.select %eq3A_728, %while3A_723#1, %broadcast_in_dim3A_730 : vector<8x512xi1>, vector<8x512xi32>
    %reduce_min3A_732 = arith.constant dense<2147483647> : vector<8xi32>
    %reduce_min3A_733 = vector.multi_reduction <minsi>, %select_n3A_731, %reduce_min3A_732 [1] : vector<8x512xi32> to vector<8xi32>
    %broadcast_in_dim3A_734 = vector.shape_cast %reduce_min3A_733 : vector<8xi32> to vector<8x1xi32>
    %min3A_735 = arith.constant 49999 : i32
    %min3A_736 = vector.broadcast %min3A_735 : i32 to vector<8x1xi32>
    %min3A_737 = arith.minsi %broadcast_in_dim3A_734, %min3A_736 : vector<8x1xi32>
    %swap3A_738 = arith.constant 0 : index
    %swap3A_739 = arith.constant 22 : index
    %swap3A_740 = vector.load %arg6[%swap3A_738, %swap3A_739] : memref<8x32xi32, #tpu.memory_space<vmem>>, vector<8x1xi32>
    tpu.vector_store %arg6[%swap3A_738, %swap3A_739], %min3A_737 {strides = array<i32>} : memref<8x32xi32, #tpu.memory_space<vmem>>, vector<8x1xi32>,
    %broadcast_in_dim3A_741 = arith.constant 0x7F800000 : f32
    %broadcast_in_dim3A_742 = vector.broadcast %broadcast_in_dim3A_741 : f32 to vector<8x512xf32>
    %broadcast_in_dim3A_743 = arith.constant 1073741824 : i32
    %broadcast_in_dim3A_744 = vector.broadcast %broadcast_in_dim3A_743 : i32 to vector<8x512xi32>
    %while3A_745 = arith.subi %get3A_4, %get3A_1 : i32
    %while3A_746 = arith.addi %get3A_1, %while3A_745 : i32
    %while3A_747 = arith.constant 1 : i32
    %while3A_748 = arith.divsi %while3A_745, %while3A_747 : i32
    %while3A_749 = arith.muli %while3A_748, %while3A_747 : i32
    %while3A_750 = arith.addi %get3A_1, %while3A_749 : i32
    %while3A_751 = arith.constant 1 : i32
    %while3A_752:2 = scf.for %while3A_1020 = %get3A_1 to %while3A_750 step %while3A_751 iter_args(%while3A_1021 = %broadcast_in_dim3A_742, %while3A_1022 = %broadcast_in_dim3A_744) -> (vector<8x512xf32>, vector<8x512xi32>)  : i32 {
      %mul3A = arith.constant 512 : i32
      %mul3A_1023 = arith.muli %while3A_1020, %mul3A : i32
      %multiple_of3A = tpu.assume_multiple %mul3A_1023, 512 : i32
      %get3A_1024 = arith.constant 0 : index
      %get3A_1025 = arith.index_cast %multiple_of3A : i32 to index
      %get3A_1026 = vector.load %arg7[%get3A_1024, %get3A_1025] : memref<8x50176xf32, #tpu.memory_space<vmem>>, vector<8x512xf32>
      %mul3A_1027 = arith.constant 512 : i32
      %mul3A_1028 = arith.muli %while3A_1020, %mul3A_1027 : i32
      %add3A = vector.broadcast %mul3A_1028 : i32 to vector<8x512xi32>
      %add3A_1029 = arith.addi %iota3A, %add3A : vector<8x512xi32>
      %gt3A = vector.broadcast %broadcast_in_dim3A_726 : vector<8x1xf32> to vector<8x512xf32>
      %gt3A_1030 = arith.cmpf ogt, %get3A_1026, %gt3A : vector<8x512xf32>
      %eq3A_1031 = vector.broadcast %broadcast_in_dim3A_726 : vector<8x1xf32> to vector<8x512xf32>
      %eq3A_1032 = arith.cmpf oeq, %get3A_1026, %eq3A_1031 : vector<8x512xf32>
      %gt3A_1033 = vector.broadcast %broadcast_in_dim3A_734 : vector<8x1xi32> to vector<8x512xi32>
      %gt3A_1034 = arith.cmpi sgt, %add3A_1029, %gt3A_1033 : vector<8x512xi32>
      %and3A = arith.andi %eq3A_1032, %gt3A_1034 : vector<8x512xi1>
      %or3A = arith.ori %gt3A_1030, %and3A : vector<8x512xi1>
      %lt3A = arith.cmpf olt, %get3A_1026, %while3A_1021 : vector<8x512xf32>
      %and3A_1035 = arith.andi %or3A, %lt3A : vector<8x512xi1>
      %select_n3A_1036 = arith.select %and3A_1035, %add3A_1029, %while3A_1022 : vector<8x512xi1>, vector<8x512xi32>
      %select_n3A_1037 = arith.select %and3A_1035, %get3A_1026, %while3A_1021 : vector<8x512xi1>, vector<8x512xf32>
      scf.yield %select_n3A_1037, %select_n3A_1036 : vector<8x512xf32>, vector<8x512xi32>
    }
    %while3A_753 = arith.constant 1 : i32
    %while3A_754:2 = scf.for %while3A_1020 = %while3A_750 to %while3A_746 step %while3A_753 iter_args(%while3A_1021 = %while3A_752#0, %while3A_1022 = %while3A_752#1) -> (vector<8x512xf32>, vector<8x512xi32>)  : i32 {
      %mul3A = arith.constant 512 : i32
      %mul3A_1023 = arith.muli %while3A_1020, %mul3A : i32
      %multiple_of3A = tpu.assume_multiple %mul3A_1023, 512 : i32
      %get3A_1024 = arith.constant 0 : index
      %get3A_1025 = arith.index_cast %multiple_of3A : i32 to index
      %get3A_1026 = vector.load %arg7[%get3A_1024, %get3A_1025] : memref<8x50176xf32, #tpu.memory_space<vmem>>, vector<8x512xf32>
      %mul3A_1027 = arith.constant 512 : i32
      %mul3A_1028 = arith.muli %while3A_1020, %mul3A_1027 : i32
      %add3A = vector.broadcast %mul3A_1028 : i32 to vector<8x512xi32>
      %add3A_1029 = arith.addi %iota3A, %add3A : vector<8x512xi32>
      %gt3A = vector.broadcast %broadcast_in_dim3A_726 : vector<8x1xf32> to vector<8x512xf32>
      %gt3A_1030 = arith.cmpf ogt, %get3A_1026, %gt3A : vector<8x512xf32>
      %eq3A_1031 = vector.broadcast %broadcast_in_dim3A_726 : vector<8x1xf32> to vector<8x512xf32>
      %eq3A_1032 = arith.cmpf oeq, %get3A_1026, %eq3A_1031 : vector<8x512xf32>
      %gt3A_1033 = vector.broadcast %broadcast_in_dim3A_734 : vector<8x1xi32> to vector<8x512xi32>
      %gt3A_1034 = arith.cmpi sgt, %add3A_1029, %gt3A_1033 : vector<8x512xi32>
      %and3A = arith.andi %eq3A_1032, %gt3A_1034 : vector<8x512xi1>
      %or3A = arith.ori %gt3A_1030, %and3A : vector<8x512xi1>
      %lt3A = arith.cmpf olt, %get3A_1026, %while3A_1021 : vector<8x512xf32>
      %and3A_1035 = arith.andi %or3A, %lt3A : vector<8x512xi1>
      %select_n3A_1036 = arith.select %and3A_1035, %add3A_1029, %while3A_1022 : vector<8x512xi1>, vector<8x512xi32>
      %select_n3A_1037 = arith.select %and3A_1035, %get3A_1026, %while3A_1021 : vector<8x512xi1>, vector<8x512xf32>
      scf.yield %select_n3A_1037, %select_n3A_1036 : vector<8x512xf32>, vector<8x512xi32>
    }
    %reduce_min3A_755 = arith.constant dense<0x7F800000> : vector<8xf32>
    %reduce_min3A_756 = vector.multi_reduction <minimumf>, %while3A_754#0, %reduce_min3A_755 [1] : vector<8x512xf32> to vector<8xf32>
    %broadcast_in_dim3A_757 = vector.shape_cast %reduce_min3A_756 : vector<8xf32> to vector<8x1xf32>
    %eq3A_758 = vector.broadcast %broadcast_in_dim3A_757 : vector<8x1xf32> to vector<8x512xf32>
    %eq3A_759 = arith.cmpf oeq, %while3A_754#0, %eq3A_758 : vector<8x512xf32>
    %jit3A_760 = arith.constant 1073741824 : i32
    %broadcast_in_dim3A_761 = vector.broadcast %jit3A_760 : i32 to vector<8x512xi32>
    %select_n3A_762 = arith.select %eq3A_759, %while3A_754#1, %broadcast_in_dim3A_761 : vector<8x512xi1>, vector<8x512xi32>
    %reduce_min3A_763 = arith.constant dense<2147483647> : vector<8xi32>
    %reduce_min3A_764 = vector.multi_reduction <minsi>, %select_n3A_762, %reduce_min3A_763 [1] : vector<8x512xi32> to vector<8xi32>
    %broadcast_in_dim3A_765 = vector.shape_cast %reduce_min3A_764 : vector<8xi32> to vector<8x1xi32>
    %min3A_766 = arith.constant 49999 : i32
    %min3A_767 = vector.broadcast %min3A_766 : i32 to vector<8x1xi32>
    %min3A_768 = arith.minsi %broadcast_in_dim3A_765, %min3A_767 : vector<8x1xi32>
    %swap3A_769 = arith.constant 0 : index
    %swap3A_770 = arith.constant 23 : index
    %swap3A_771 = vector.load %arg6[%swap3A_769, %swap3A_770] : memref<8x32xi32, #tpu.memory_space<vmem>>, vector<8x1xi32>
    tpu.vector_store %arg6[%swap3A_769, %swap3A_770], %min3A_768 {strides = array<i32>} : memref<8x32xi32, #tpu.memory_space<vmem>>, vector<8x1xi32>,
    %broadcast_in_dim3A_772 = arith.constant 0x7F800000 : f32
    %broadcast_in_dim3A_773 = vector.broadcast %broadcast_in_dim3A_772 : f32 to vector<8x512xf32>
    %broadcast_in_dim3A_774 = arith.constant 1073741824 : i32
    %broadcast_in_dim3A_775 = vector.broadcast %broadcast_in_dim3A_774 : i32 to vector<8x512xi32>
    %while3A_776 = arith.subi %get3A_4, %get3A_1 : i32
    %while3A_777 = arith.addi %get3A_1, %while3A_776 : i32
    %while3A_778 = arith.constant 1 : i32
    %while3A_779 = arith.divsi %while3A_776, %while3A_778 : i32
    %while3A_780 = arith.muli %while3A_779, %while3A_778 : i32
    %while3A_781 = arith.addi %get3A_1, %while3A_780 : i32
    %while3A_782 = arith.constant 1 : i32
    %while3A_783:2 = scf.for %while3A_1020 = %get3A_1 to %while3A_781 step %while3A_782 iter_args(%while3A_1021 = %broadcast_in_dim3A_773, %while3A_1022 = %broadcast_in_dim3A_775) -> (vector<8x512xf32>, vector<8x512xi32>)  : i32 {
      %mul3A = arith.constant 512 : i32
      %mul3A_1023 = arith.muli %while3A_1020, %mul3A : i32
      %multiple_of3A = tpu.assume_multiple %mul3A_1023, 512 : i32
      %get3A_1024 = arith.constant 0 : index
      %get3A_1025 = arith.index_cast %multiple_of3A : i32 to index
      %get3A_1026 = vector.load %arg7[%get3A_1024, %get3A_1025] : memref<8x50176xf32, #tpu.memory_space<vmem>>, vector<8x512xf32>
      %mul3A_1027 = arith.constant 512 : i32
      %mul3A_1028 = arith.muli %while3A_1020, %mul3A_1027 : i32
      %add3A = vector.broadcast %mul3A_1028 : i32 to vector<8x512xi32>
      %add3A_1029 = arith.addi %iota3A, %add3A : vector<8x512xi32>
      %gt3A = vector.broadcast %broadcast_in_dim3A_757 : vector<8x1xf32> to vector<8x512xf32>
      %gt3A_1030 = arith.cmpf ogt, %get3A_1026, %gt3A : vector<8x512xf32>
      %eq3A_1031 = vector.broadcast %broadcast_in_dim3A_757 : vector<8x1xf32> to vector<8x512xf32>
      %eq3A_1032 = arith.cmpf oeq, %get3A_1026, %eq3A_1031 : vector<8x512xf32>
      %gt3A_1033 = vector.broadcast %broadcast_in_dim3A_765 : vector<8x1xi32> to vector<8x512xi32>
      %gt3A_1034 = arith.cmpi sgt, %add3A_1029, %gt3A_1033 : vector<8x512xi32>
      %and3A = arith.andi %eq3A_1032, %gt3A_1034 : vector<8x512xi1>
      %or3A = arith.ori %gt3A_1030, %and3A : vector<8x512xi1>
      %lt3A = arith.cmpf olt, %get3A_1026, %while3A_1021 : vector<8x512xf32>
      %and3A_1035 = arith.andi %or3A, %lt3A : vector<8x512xi1>
      %select_n3A_1036 = arith.select %and3A_1035, %add3A_1029, %while3A_1022 : vector<8x512xi1>, vector<8x512xi32>
      %select_n3A_1037 = arith.select %and3A_1035, %get3A_1026, %while3A_1021 : vector<8x512xi1>, vector<8x512xf32>
      scf.yield %select_n3A_1037, %select_n3A_1036 : vector<8x512xf32>, vector<8x512xi32>
    }
    %while3A_784 = arith.constant 1 : i32
    %while3A_785:2 = scf.for %while3A_1020 = %while3A_781 to %while3A_777 step %while3A_784 iter_args(%while3A_1021 = %while3A_783#0, %while3A_1022 = %while3A_783#1) -> (vector<8x512xf32>, vector<8x512xi32>)  : i32 {
      %mul3A = arith.constant 512 : i32
      %mul3A_1023 = arith.muli %while3A_1020, %mul3A : i32
      %multiple_of3A = tpu.assume_multiple %mul3A_1023, 512 : i32
      %get3A_1024 = arith.constant 0 : index
      %get3A_1025 = arith.index_cast %multiple_of3A : i32 to index
      %get3A_1026 = vector.load %arg7[%get3A_1024, %get3A_1025] : memref<8x50176xf32, #tpu.memory_space<vmem>>, vector<8x512xf32>
      %mul3A_1027 = arith.constant 512 : i32
      %mul3A_1028 = arith.muli %while3A_1020, %mul3A_1027 : i32
      %add3A = vector.broadcast %mul3A_1028 : i32 to vector<8x512xi32>
      %add3A_1029 = arith.addi %iota3A, %add3A : vector<8x512xi32>
      %gt3A = vector.broadcast %broadcast_in_dim3A_757 : vector<8x1xf32> to vector<8x512xf32>
      %gt3A_1030 = arith.cmpf ogt, %get3A_1026, %gt3A : vector<8x512xf32>
      %eq3A_1031 = vector.broadcast %broadcast_in_dim3A_757 : vector<8x1xf32> to vector<8x512xf32>
      %eq3A_1032 = arith.cmpf oeq, %get3A_1026, %eq3A_1031 : vector<8x512xf32>
      %gt3A_1033 = vector.broadcast %broadcast_in_dim3A_765 : vector<8x1xi32> to vector<8x512xi32>
      %gt3A_1034 = arith.cmpi sgt, %add3A_1029, %gt3A_1033 : vector<8x512xi32>
      %and3A = arith.andi %eq3A_1032, %gt3A_1034 : vector<8x512xi1>
      %or3A = arith.ori %gt3A_1030, %and3A : vector<8x512xi1>
      %lt3A = arith.cmpf olt, %get3A_1026, %while3A_1021 : vector<8x512xf32>
      %and3A_1035 = arith.andi %or3A, %lt3A : vector<8x512xi1>
      %select_n3A_1036 = arith.select %and3A_1035, %add3A_1029, %while3A_1022 : vector<8x512xi1>, vector<8x512xi32>
      %select_n3A_1037 = arith.select %and3A_1035, %get3A_1026, %while3A_1021 : vector<8x512xi1>, vector<8x512xf32>
      scf.yield %select_n3A_1037, %select_n3A_1036 : vector<8x512xf32>, vector<8x512xi32>
    }
    %reduce_min3A_786 = arith.constant dense<0x7F800000> : vector<8xf32>
    %reduce_min3A_787 = vector.multi_reduction <minimumf>, %while3A_785#0, %reduce_min3A_786 [1] : vector<8x512xf32> to vector<8xf32>
    %broadcast_in_dim3A_788 = vector.shape_cast %reduce_min3A_787 : vector<8xf32> to vector<8x1xf32>
    %eq3A_789 = vector.broadcast %broadcast_in_dim3A_788 : vector<8x1xf32> to vector<8x512xf32>
    %eq3A_790 = arith.cmpf oeq, %while3A_785#0, %eq3A_789 : vector<8x512xf32>
    %jit3A_791 = arith.constant 1073741824 : i32
    %broadcast_in_dim3A_792 = vector.broadcast %jit3A_791 : i32 to vector<8x512xi32>
    %select_n3A_793 = arith.select %eq3A_790, %while3A_785#1, %broadcast_in_dim3A_792 : vector<8x512xi1>, vector<8x512xi32>
    %reduce_min3A_794 = arith.constant dense<2147483647> : vector<8xi32>
    %reduce_min3A_795 = vector.multi_reduction <minsi>, %select_n3A_793, %reduce_min3A_794 [1] : vector<8x512xi32> to vector<8xi32>
    %broadcast_in_dim3A_796 = vector.shape_cast %reduce_min3A_795 : vector<8xi32> to vector<8x1xi32>
    %min3A_797 = arith.constant 49999 : i32
    %min3A_798 = vector.broadcast %min3A_797 : i32 to vector<8x1xi32>
    %min3A_799 = arith.minsi %broadcast_in_dim3A_796, %min3A_798 : vector<8x1xi32>
    %swap3A_800 = arith.constant 0 : index
    %swap3A_801 = arith.constant 24 : index
    %swap3A_802 = vector.load %arg6[%swap3A_800, %swap3A_801] : memref<8x32xi32, #tpu.memory_space<vmem>>, vector<8x1xi32>
    tpu.vector_store %arg6[%swap3A_800, %swap3A_801], %min3A_799 {strides = array<i32>} : memref<8x32xi32, #tpu.memory_space<vmem>>, vector<8x1xi32>,
    %broadcast_in_dim3A_803 = arith.constant 0x7F800000 : f32
    %broadcast_in_dim3A_804 = vector.broadcast %broadcast_in_dim3A_803 : f32 to vector<8x512xf32>
    %broadcast_in_dim3A_805 = arith.constant 1073741824 : i32
    %broadcast_in_dim3A_806 = vector.broadcast %broadcast_in_dim3A_805 : i32 to vector<8x512xi32>
    %while3A_807 = arith.subi %get3A_4, %get3A_1 : i32
    %while3A_808 = arith.addi %get3A_1, %while3A_807 : i32
    %while3A_809 = arith.constant 1 : i32
    %while3A_810 = arith.divsi %while3A_807, %while3A_809 : i32
    %while3A_811 = arith.muli %while3A_810, %while3A_809 : i32
    %while3A_812 = arith.addi %get3A_1, %while3A_811 : i32
    %while3A_813 = arith.constant 1 : i32
    %while3A_814:2 = scf.for %while3A_1020 = %get3A_1 to %while3A_812 step %while3A_813 iter_args(%while3A_1021 = %broadcast_in_dim3A_804, %while3A_1022 = %broadcast_in_dim3A_806) -> (vector<8x512xf32>, vector<8x512xi32>)  : i32 {
      %mul3A = arith.constant 512 : i32
      %mul3A_1023 = arith.muli %while3A_1020, %mul3A : i32
      %multiple_of3A = tpu.assume_multiple %mul3A_1023, 512 : i32
      %get3A_1024 = arith.constant 0 : index
      %get3A_1025 = arith.index_cast %multiple_of3A : i32 to index
      %get3A_1026 = vector.load %arg7[%get3A_1024, %get3A_1025] : memref<8x50176xf32, #tpu.memory_space<vmem>>, vector<8x512xf32>
      %mul3A_1027 = arith.constant 512 : i32
      %mul3A_1028 = arith.muli %while3A_1020, %mul3A_1027 : i32
      %add3A = vector.broadcast %mul3A_1028 : i32 to vector<8x512xi32>
      %add3A_1029 = arith.addi %iota3A, %add3A : vector<8x512xi32>
      %gt3A = vector.broadcast %broadcast_in_dim3A_788 : vector<8x1xf32> to vector<8x512xf32>
      %gt3A_1030 = arith.cmpf ogt, %get3A_1026, %gt3A : vector<8x512xf32>
      %eq3A_1031 = vector.broadcast %broadcast_in_dim3A_788 : vector<8x1xf32> to vector<8x512xf32>
      %eq3A_1032 = arith.cmpf oeq, %get3A_1026, %eq3A_1031 : vector<8x512xf32>
      %gt3A_1033 = vector.broadcast %broadcast_in_dim3A_796 : vector<8x1xi32> to vector<8x512xi32>
      %gt3A_1034 = arith.cmpi sgt, %add3A_1029, %gt3A_1033 : vector<8x512xi32>
      %and3A = arith.andi %eq3A_1032, %gt3A_1034 : vector<8x512xi1>
      %or3A = arith.ori %gt3A_1030, %and3A : vector<8x512xi1>
      %lt3A = arith.cmpf olt, %get3A_1026, %while3A_1021 : vector<8x512xf32>
      %and3A_1035 = arith.andi %or3A, %lt3A : vector<8x512xi1>
      %select_n3A_1036 = arith.select %and3A_1035, %add3A_1029, %while3A_1022 : vector<8x512xi1>, vector<8x512xi32>
      %select_n3A_1037 = arith.select %and3A_1035, %get3A_1026, %while3A_1021 : vector<8x512xi1>, vector<8x512xf32>
      scf.yield %select_n3A_1037, %select_n3A_1036 : vector<8x512xf32>, vector<8x512xi32>
    }
    %while3A_815 = arith.constant 1 : i32
    %while3A_816:2 = scf.for %while3A_1020 = %while3A_812 to %while3A_808 step %while3A_815 iter_args(%while3A_1021 = %while3A_814#0, %while3A_1022 = %while3A_814#1) -> (vector<8x512xf32>, vector<8x512xi32>)  : i32 {
      %mul3A = arith.constant 512 : i32
      %mul3A_1023 = arith.muli %while3A_1020, %mul3A : i32
      %multiple_of3A = tpu.assume_multiple %mul3A_1023, 512 : i32
      %get3A_1024 = arith.constant 0 : index
      %get3A_1025 = arith.index_cast %multiple_of3A : i32 to index
      %get3A_1026 = vector.load %arg7[%get3A_1024, %get3A_1025] : memref<8x50176xf32, #tpu.memory_space<vmem>>, vector<8x512xf32>
      %mul3A_1027 = arith.constant 512 : i32
      %mul3A_1028 = arith.muli %while3A_1020, %mul3A_1027 : i32
      %add3A = vector.broadcast %mul3A_1028 : i32 to vector<8x512xi32>
      %add3A_1029 = arith.addi %iota3A, %add3A : vector<8x512xi32>
      %gt3A = vector.broadcast %broadcast_in_dim3A_788 : vector<8x1xf32> to vector<8x512xf32>
      %gt3A_1030 = arith.cmpf ogt, %get3A_1026, %gt3A : vector<8x512xf32>
      %eq3A_1031 = vector.broadcast %broadcast_in_dim3A_788 : vector<8x1xf32> to vector<8x512xf32>
      %eq3A_1032 = arith.cmpf oeq, %get3A_1026, %eq3A_1031 : vector<8x512xf32>
      %gt3A_1033 = vector.broadcast %broadcast_in_dim3A_796 : vector<8x1xi32> to vector<8x512xi32>
      %gt3A_1034 = arith.cmpi sgt, %add3A_1029, %gt3A_1033 : vector<8x512xi32>
      %and3A = arith.andi %eq3A_1032, %gt3A_1034 : vector<8x512xi1>
      %or3A = arith.ori %gt3A_1030, %and3A : vector<8x512xi1>
      %lt3A = arith.cmpf olt, %get3A_1026, %while3A_1021 : vector<8x512xf32>
      %and3A_1035 = arith.andi %or3A, %lt3A : vector<8x512xi1>
      %select_n3A_1036 = arith.select %and3A_1035, %add3A_1029, %while3A_1022 : vector<8x512xi1>, vector<8x512xi32>
      %select_n3A_1037 = arith.select %and3A_1035, %get3A_1026, %while3A_1021 : vector<8x512xi1>, vector<8x512xf32>
      scf.yield %select_n3A_1037, %select_n3A_1036 : vector<8x512xf32>, vector<8x512xi32>
    }
    %reduce_min3A_817 = arith.constant dense<0x7F800000> : vector<8xf32>
    %reduce_min3A_818 = vector.multi_reduction <minimumf>, %while3A_816#0, %reduce_min3A_817 [1] : vector<8x512xf32> to vector<8xf32>
    %broadcast_in_dim3A_819 = vector.shape_cast %reduce_min3A_818 : vector<8xf32> to vector<8x1xf32>
    %eq3A_820 = vector.broadcast %broadcast_in_dim3A_819 : vector<8x1xf32> to vector<8x512xf32>
    %eq3A_821 = arith.cmpf oeq, %while3A_816#0, %eq3A_820 : vector<8x512xf32>
    %jit3A_822 = arith.constant 1073741824 : i32
    %broadcast_in_dim3A_823 = vector.broadcast %jit3A_822 : i32 to vector<8x512xi32>
    %select_n3A_824 = arith.select %eq3A_821, %while3A_816#1, %broadcast_in_dim3A_823 : vector<8x512xi1>, vector<8x512xi32>
    %reduce_min3A_825 = arith.constant dense<2147483647> : vector<8xi32>
    %reduce_min3A_826 = vector.multi_reduction <minsi>, %select_n3A_824, %reduce_min3A_825 [1] : vector<8x512xi32> to vector<8xi32>
    %broadcast_in_dim3A_827 = vector.shape_cast %reduce_min3A_826 : vector<8xi32> to vector<8x1xi32>
    %min3A_828 = arith.constant 49999 : i32
    %min3A_829 = vector.broadcast %min3A_828 : i32 to vector<8x1xi32>
    %min3A_830 = arith.minsi %broadcast_in_dim3A_827, %min3A_829 : vector<8x1xi32>
    %swap3A_831 = arith.constant 0 : index
    %swap3A_832 = arith.constant 25 : index
    %swap3A_833 = vector.load %arg6[%swap3A_831, %swap3A_832] : memref<8x32xi32, #tpu.memory_space<vmem>>, vector<8x1xi32>
    tpu.vector_store %arg6[%swap3A_831, %swap3A_832], %min3A_830 {strides = array<i32>} : memref<8x32xi32, #tpu.memory_space<vmem>>, vector<8x1xi32>,
    %broadcast_in_dim3A_834 = arith.constant 0x7F800000 : f32
    %broadcast_in_dim3A_835 = vector.broadcast %broadcast_in_dim3A_834 : f32 to vector<8x512xf32>
    %broadcast_in_dim3A_836 = arith.constant 1073741824 : i32
    %broadcast_in_dim3A_837 = vector.broadcast %broadcast_in_dim3A_836 : i32 to vector<8x512xi32>
    %while3A_838 = arith.subi %get3A_4, %get3A_1 : i32
    %while3A_839 = arith.addi %get3A_1, %while3A_838 : i32
    %while3A_840 = arith.constant 1 : i32
    %while3A_841 = arith.divsi %while3A_838, %while3A_840 : i32
    %while3A_842 = arith.muli %while3A_841, %while3A_840 : i32
    %while3A_843 = arith.addi %get3A_1, %while3A_842 : i32
    %while3A_844 = arith.constant 1 : i32
    %while3A_845:2 = scf.for %while3A_1020 = %get3A_1 to %while3A_843 step %while3A_844 iter_args(%while3A_1021 = %broadcast_in_dim3A_835, %while3A_1022 = %broadcast_in_dim3A_837) -> (vector<8x512xf32>, vector<8x512xi32>)  : i32 {
      %mul3A = arith.constant 512 : i32
      %mul3A_1023 = arith.muli %while3A_1020, %mul3A : i32
      %multiple_of3A = tpu.assume_multiple %mul3A_1023, 512 : i32
      %get3A_1024 = arith.constant 0 : index
      %get3A_1025 = arith.index_cast %multiple_of3A : i32 to index
      %get3A_1026 = vector.load %arg7[%get3A_1024, %get3A_1025] : memref<8x50176xf32, #tpu.memory_space<vmem>>, vector<8x512xf32>
      %mul3A_1027 = arith.constant 512 : i32
      %mul3A_1028 = arith.muli %while3A_1020, %mul3A_1027 : i32
      %add3A = vector.broadcast %mul3A_1028 : i32 to vector<8x512xi32>
      %add3A_1029 = arith.addi %iota3A, %add3A : vector<8x512xi32>
      %gt3A = vector.broadcast %broadcast_in_dim3A_819 : vector<8x1xf32> to vector<8x512xf32>
      %gt3A_1030 = arith.cmpf ogt, %get3A_1026, %gt3A : vector<8x512xf32>
      %eq3A_1031 = vector.broadcast %broadcast_in_dim3A_819 : vector<8x1xf32> to vector<8x512xf32>
      %eq3A_1032 = arith.cmpf oeq, %get3A_1026, %eq3A_1031 : vector<8x512xf32>
      %gt3A_1033 = vector.broadcast %broadcast_in_dim3A_827 : vector<8x1xi32> to vector<8x512xi32>
      %gt3A_1034 = arith.cmpi sgt, %add3A_1029, %gt3A_1033 : vector<8x512xi32>
      %and3A = arith.andi %eq3A_1032, %gt3A_1034 : vector<8x512xi1>
      %or3A = arith.ori %gt3A_1030, %and3A : vector<8x512xi1>
      %lt3A = arith.cmpf olt, %get3A_1026, %while3A_1021 : vector<8x512xf32>
      %and3A_1035 = arith.andi %or3A, %lt3A : vector<8x512xi1>
      %select_n3A_1036 = arith.select %and3A_1035, %add3A_1029, %while3A_1022 : vector<8x512xi1>, vector<8x512xi32>
      %select_n3A_1037 = arith.select %and3A_1035, %get3A_1026, %while3A_1021 : vector<8x512xi1>, vector<8x512xf32>
      scf.yield %select_n3A_1037, %select_n3A_1036 : vector<8x512xf32>, vector<8x512xi32>
    }
    %while3A_846 = arith.constant 1 : i32
    %while3A_847:2 = scf.for %while3A_1020 = %while3A_843 to %while3A_839 step %while3A_846 iter_args(%while3A_1021 = %while3A_845#0, %while3A_1022 = %while3A_845#1) -> (vector<8x512xf32>, vector<8x512xi32>)  : i32 {
      %mul3A = arith.constant 512 : i32
      %mul3A_1023 = arith.muli %while3A_1020, %mul3A : i32
      %multiple_of3A = tpu.assume_multiple %mul3A_1023, 512 : i32
      %get3A_1024 = arith.constant 0 : index
      %get3A_1025 = arith.index_cast %multiple_of3A : i32 to index
      %get3A_1026 = vector.load %arg7[%get3A_1024, %get3A_1025] : memref<8x50176xf32, #tpu.memory_space<vmem>>, vector<8x512xf32>
      %mul3A_1027 = arith.constant 512 : i32
      %mul3A_1028 = arith.muli %while3A_1020, %mul3A_1027 : i32
      %add3A = vector.broadcast %mul3A_1028 : i32 to vector<8x512xi32>
      %add3A_1029 = arith.addi %iota3A, %add3A : vector<8x512xi32>
      %gt3A = vector.broadcast %broadcast_in_dim3A_819 : vector<8x1xf32> to vector<8x512xf32>
      %gt3A_1030 = arith.cmpf ogt, %get3A_1026, %gt3A : vector<8x512xf32>
      %eq3A_1031 = vector.broadcast %broadcast_in_dim3A_819 : vector<8x1xf32> to vector<8x512xf32>
      %eq3A_1032 = arith.cmpf oeq, %get3A_1026, %eq3A_1031 : vector<8x512xf32>
      %gt3A_1033 = vector.broadcast %broadcast_in_dim3A_827 : vector<8x1xi32> to vector<8x512xi32>
      %gt3A_1034 = arith.cmpi sgt, %add3A_1029, %gt3A_1033 : vector<8x512xi32>
      %and3A = arith.andi %eq3A_1032, %gt3A_1034 : vector<8x512xi1>
      %or3A = arith.ori %gt3A_1030, %and3A : vector<8x512xi1>
      %lt3A = arith.cmpf olt, %get3A_1026, %while3A_1021 : vector<8x512xf32>
      %and3A_1035 = arith.andi %or3A, %lt3A : vector<8x512xi1>
      %select_n3A_1036 = arith.select %and3A_1035, %add3A_1029, %while3A_1022 : vector<8x512xi1>, vector<8x512xi32>
      %select_n3A_1037 = arith.select %and3A_1035, %get3A_1026, %while3A_1021 : vector<8x512xi1>, vector<8x512xf32>
      scf.yield %select_n3A_1037, %select_n3A_1036 : vector<8x512xf32>, vector<8x512xi32>
    }
    %reduce_min3A_848 = arith.constant dense<0x7F800000> : vector<8xf32>
    %reduce_min3A_849 = vector.multi_reduction <minimumf>, %while3A_847#0, %reduce_min3A_848 [1] : vector<8x512xf32> to vector<8xf32>
    %broadcast_in_dim3A_850 = vector.shape_cast %reduce_min3A_849 : vector<8xf32> to vector<8x1xf32>
    %eq3A_851 = vector.broadcast %broadcast_in_dim3A_850 : vector<8x1xf32> to vector<8x512xf32>
    %eq3A_852 = arith.cmpf oeq, %while3A_847#0, %eq3A_851 : vector<8x512xf32>
    %jit3A_853 = arith.constant 1073741824 : i32
    %broadcast_in_dim3A_854 = vector.broadcast %jit3A_853 : i32 to vector<8x512xi32>
    %select_n3A_855 = arith.select %eq3A_852, %while3A_847#1, %broadcast_in_dim3A_854 : vector<8x512xi1>, vector<8x512xi32>
    %reduce_min3A_856 = arith.constant dense<2147483647> : vector<8xi32>
    %reduce_min3A_857 = vector.multi_reduction <minsi>, %select_n3A_855, %reduce_min3A_856 [1] : vector<8x512xi32> to vector<8xi32>
    %broadcast_in_dim3A_858 = vector.shape_cast %reduce_min3A_857 : vector<8xi32> to vector<8x1xi32>
    %min3A_859 = arith.constant 49999 : i32
    %min3A_860 = vector.broadcast %min3A_859 : i32 to vector<8x1xi32>
    %min3A_861 = arith.minsi %broadcast_in_dim3A_858, %min3A_860 : vector<8x1xi32>
    %swap3A_862 = arith.constant 0 : index
    %swap3A_863 = arith.constant 26 : index
    %swap3A_864 = vector.load %arg6[%swap3A_862, %swap3A_863] : memref<8x32xi32, #tpu.memory_space<vmem>>, vector<8x1xi32>
    tpu.vector_store %arg6[%swap3A_862, %swap3A_863], %min3A_861 {strides = array<i32>} : memref<8x32xi32, #tpu.memory_space<vmem>>, vector<8x1xi32>,
    %broadcast_in_dim3A_865 = arith.constant 0x7F800000 : f32
    %broadcast_in_dim3A_866 = vector.broadcast %broadcast_in_dim3A_865 : f32 to vector<8x512xf32>
    %broadcast_in_dim3A_867 = arith.constant 1073741824 : i32
    %broadcast_in_dim3A_868 = vector.broadcast %broadcast_in_dim3A_867 : i32 to vector<8x512xi32>
    %while3A_869 = arith.subi %get3A_4, %get3A_1 : i32
    %while3A_870 = arith.addi %get3A_1, %while3A_869 : i32
    %while3A_871 = arith.constant 1 : i32
    %while3A_872 = arith.divsi %while3A_869, %while3A_871 : i32
    %while3A_873 = arith.muli %while3A_872, %while3A_871 : i32
    %while3A_874 = arith.addi %get3A_1, %while3A_873 : i32
    %while3A_875 = arith.constant 1 : i32
    %while3A_876:2 = scf.for %while3A_1020 = %get3A_1 to %while3A_874 step %while3A_875 iter_args(%while3A_1021 = %broadcast_in_dim3A_866, %while3A_1022 = %broadcast_in_dim3A_868) -> (vector<8x512xf32>, vector<8x512xi32>)  : i32 {
      %mul3A = arith.constant 512 : i32
      %mul3A_1023 = arith.muli %while3A_1020, %mul3A : i32
      %multiple_of3A = tpu.assume_multiple %mul3A_1023, 512 : i32
      %get3A_1024 = arith.constant 0 : index
      %get3A_1025 = arith.index_cast %multiple_of3A : i32 to index
      %get3A_1026 = vector.load %arg7[%get3A_1024, %get3A_1025] : memref<8x50176xf32, #tpu.memory_space<vmem>>, vector<8x512xf32>
      %mul3A_1027 = arith.constant 512 : i32
      %mul3A_1028 = arith.muli %while3A_1020, %mul3A_1027 : i32
      %add3A = vector.broadcast %mul3A_1028 : i32 to vector<8x512xi32>
      %add3A_1029 = arith.addi %iota3A, %add3A : vector<8x512xi32>
      %gt3A = vector.broadcast %broadcast_in_dim3A_850 : vector<8x1xf32> to vector<8x512xf32>
      %gt3A_1030 = arith.cmpf ogt, %get3A_1026, %gt3A : vector<8x512xf32>
      %eq3A_1031 = vector.broadcast %broadcast_in_dim3A_850 : vector<8x1xf32> to vector<8x512xf32>
      %eq3A_1032 = arith.cmpf oeq, %get3A_1026, %eq3A_1031 : vector<8x512xf32>
      %gt3A_1033 = vector.broadcast %broadcast_in_dim3A_858 : vector<8x1xi32> to vector<8x512xi32>
      %gt3A_1034 = arith.cmpi sgt, %add3A_1029, %gt3A_1033 : vector<8x512xi32>
      %and3A = arith.andi %eq3A_1032, %gt3A_1034 : vector<8x512xi1>
      %or3A = arith.ori %gt3A_1030, %and3A : vector<8x512xi1>
      %lt3A = arith.cmpf olt, %get3A_1026, %while3A_1021 : vector<8x512xf32>
      %and3A_1035 = arith.andi %or3A, %lt3A : vector<8x512xi1>
      %select_n3A_1036 = arith.select %and3A_1035, %add3A_1029, %while3A_1022 : vector<8x512xi1>, vector<8x512xi32>
      %select_n3A_1037 = arith.select %and3A_1035, %get3A_1026, %while3A_1021 : vector<8x512xi1>, vector<8x512xf32>
      scf.yield %select_n3A_1037, %select_n3A_1036 : vector<8x512xf32>, vector<8x512xi32>
    }
    %while3A_877 = arith.constant 1 : i32
    %while3A_878:2 = scf.for %while3A_1020 = %while3A_874 to %while3A_870 step %while3A_877 iter_args(%while3A_1021 = %while3A_876#0, %while3A_1022 = %while3A_876#1) -> (vector<8x512xf32>, vector<8x512xi32>)  : i32 {
      %mul3A = arith.constant 512 : i32
      %mul3A_1023 = arith.muli %while3A_1020, %mul3A : i32
      %multiple_of3A = tpu.assume_multiple %mul3A_1023, 512 : i32
      %get3A_1024 = arith.constant 0 : index
      %get3A_1025 = arith.index_cast %multiple_of3A : i32 to index
      %get3A_1026 = vector.load %arg7[%get3A_1024, %get3A_1025] : memref<8x50176xf32, #tpu.memory_space<vmem>>, vector<8x512xf32>
      %mul3A_1027 = arith.constant 512 : i32
      %mul3A_1028 = arith.muli %while3A_1020, %mul3A_1027 : i32
      %add3A = vector.broadcast %mul3A_1028 : i32 to vector<8x512xi32>
      %add3A_1029 = arith.addi %iota3A, %add3A : vector<8x512xi32>
      %gt3A = vector.broadcast %broadcast_in_dim3A_850 : vector<8x1xf32> to vector<8x512xf32>
      %gt3A_1030 = arith.cmpf ogt, %get3A_1026, %gt3A : vector<8x512xf32>
      %eq3A_1031 = vector.broadcast %broadcast_in_dim3A_850 : vector<8x1xf32> to vector<8x512xf32>
      %eq3A_1032 = arith.cmpf oeq, %get3A_1026, %eq3A_1031 : vector<8x512xf32>
      %gt3A_1033 = vector.broadcast %broadcast_in_dim3A_858 : vector<8x1xi32> to vector<8x512xi32>
      %gt3A_1034 = arith.cmpi sgt, %add3A_1029, %gt3A_1033 : vector<8x512xi32>
      %and3A = arith.andi %eq3A_1032, %gt3A_1034 : vector<8x512xi1>
      %or3A = arith.ori %gt3A_1030, %and3A : vector<8x512xi1>
      %lt3A = arith.cmpf olt, %get3A_1026, %while3A_1021 : vector<8x512xf32>
      %and3A_1035 = arith.andi %or3A, %lt3A : vector<8x512xi1>
      %select_n3A_1036 = arith.select %and3A_1035, %add3A_1029, %while3A_1022 : vector<8x512xi1>, vector<8x512xi32>
      %select_n3A_1037 = arith.select %and3A_1035, %get3A_1026, %while3A_1021 : vector<8x512xi1>, vector<8x512xf32>
      scf.yield %select_n3A_1037, %select_n3A_1036 : vector<8x512xf32>, vector<8x512xi32>
    }
    %reduce_min3A_879 = arith.constant dense<0x7F800000> : vector<8xf32>
    %reduce_min3A_880 = vector.multi_reduction <minimumf>, %while3A_878#0, %reduce_min3A_879 [1] : vector<8x512xf32> to vector<8xf32>
    %broadcast_in_dim3A_881 = vector.shape_cast %reduce_min3A_880 : vector<8xf32> to vector<8x1xf32>
    %eq3A_882 = vector.broadcast %broadcast_in_dim3A_881 : vector<8x1xf32> to vector<8x512xf32>
    %eq3A_883 = arith.cmpf oeq, %while3A_878#0, %eq3A_882 : vector<8x512xf32>
    %jit3A_884 = arith.constant 1073741824 : i32
    %broadcast_in_dim3A_885 = vector.broadcast %jit3A_884 : i32 to vector<8x512xi32>
    %select_n3A_886 = arith.select %eq3A_883, %while3A_878#1, %broadcast_in_dim3A_885 : vector<8x512xi1>, vector<8x512xi32>
    %reduce_min3A_887 = arith.constant dense<2147483647> : vector<8xi32>
    %reduce_min3A_888 = vector.multi_reduction <minsi>, %select_n3A_886, %reduce_min3A_887 [1] : vector<8x512xi32> to vector<8xi32>
    %broadcast_in_dim3A_889 = vector.shape_cast %reduce_min3A_888 : vector<8xi32> to vector<8x1xi32>
    %min3A_890 = arith.constant 49999 : i32
    %min3A_891 = vector.broadcast %min3A_890 : i32 to vector<8x1xi32>
    %min3A_892 = arith.minsi %broadcast_in_dim3A_889, %min3A_891 : vector<8x1xi32>
    %swap3A_893 = arith.constant 0 : index
    %swap3A_894 = arith.constant 27 : index
    %swap3A_895 = vector.load %arg6[%swap3A_893, %swap3A_894] : memref<8x32xi32, #tpu.memory_space<vmem>>, vector<8x1xi32>
    tpu.vector_store %arg6[%swap3A_893, %swap3A_894], %min3A_892 {strides = array<i32>} : memref<8x32xi32, #tpu.memory_space<vmem>>, vector<8x1xi32>,
    %broadcast_in_dim3A_896 = arith.constant 0x7F800000 : f32
    %broadcast_in_dim3A_897 = vector.broadcast %broadcast_in_dim3A_896 : f32 to vector<8x512xf32>
    %broadcast_in_dim3A_898 = arith.constant 1073741824 : i32
    %broadcast_in_dim3A_899 = vector.broadcast %broadcast_in_dim3A_898 : i32 to vector<8x512xi32>
    %while3A_900 = arith.subi %get3A_4, %get3A_1 : i32
    %while3A_901 = arith.addi %get3A_1, %while3A_900 : i32
    %while3A_902 = arith.constant 1 : i32
    %while3A_903 = arith.divsi %while3A_900, %while3A_902 : i32
    %while3A_904 = arith.muli %while3A_903, %while3A_902 : i32
    %while3A_905 = arith.addi %get3A_1, %while3A_904 : i32
    %while3A_906 = arith.constant 1 : i32
    %while3A_907:2 = scf.for %while3A_1020 = %get3A_1 to %while3A_905 step %while3A_906 iter_args(%while3A_1021 = %broadcast_in_dim3A_897, %while3A_1022 = %broadcast_in_dim3A_899) -> (vector<8x512xf32>, vector<8x512xi32>)  : i32 {
      %mul3A = arith.constant 512 : i32
      %mul3A_1023 = arith.muli %while3A_1020, %mul3A : i32
      %multiple_of3A = tpu.assume_multiple %mul3A_1023, 512 : i32
      %get3A_1024 = arith.constant 0 : index
      %get3A_1025 = arith.index_cast %multiple_of3A : i32 to index
      %get3A_1026 = vector.load %arg7[%get3A_1024, %get3A_1025] : memref<8x50176xf32, #tpu.memory_space<vmem>>, vector<8x512xf32>
      %mul3A_1027 = arith.constant 512 : i32
      %mul3A_1028 = arith.muli %while3A_1020, %mul3A_1027 : i32
      %add3A = vector.broadcast %mul3A_1028 : i32 to vector<8x512xi32>
      %add3A_1029 = arith.addi %iota3A, %add3A : vector<8x512xi32>
      %gt3A = vector.broadcast %broadcast_in_dim3A_881 : vector<8x1xf32> to vector<8x512xf32>
      %gt3A_1030 = arith.cmpf ogt, %get3A_1026, %gt3A : vector<8x512xf32>
      %eq3A_1031 = vector.broadcast %broadcast_in_dim3A_881 : vector<8x1xf32> to vector<8x512xf32>
      %eq3A_1032 = arith.cmpf oeq, %get3A_1026, %eq3A_1031 : vector<8x512xf32>
      %gt3A_1033 = vector.broadcast %broadcast_in_dim3A_889 : vector<8x1xi32> to vector<8x512xi32>
      %gt3A_1034 = arith.cmpi sgt, %add3A_1029, %gt3A_1033 : vector<8x512xi32>
      %and3A = arith.andi %eq3A_1032, %gt3A_1034 : vector<8x512xi1>
      %or3A = arith.ori %gt3A_1030, %and3A : vector<8x512xi1>
      %lt3A = arith.cmpf olt, %get3A_1026, %while3A_1021 : vector<8x512xf32>
      %and3A_1035 = arith.andi %or3A, %lt3A : vector<8x512xi1>
      %select_n3A_1036 = arith.select %and3A_1035, %add3A_1029, %while3A_1022 : vector<8x512xi1>, vector<8x512xi32>
      %select_n3A_1037 = arith.select %and3A_1035, %get3A_1026, %while3A_1021 : vector<8x512xi1>, vector<8x512xf32>
      scf.yield %select_n3A_1037, %select_n3A_1036 : vector<8x512xf32>, vector<8x512xi32>
    }
    %while3A_908 = arith.constant 1 : i32
    %while3A_909:2 = scf.for %while3A_1020 = %while3A_905 to %while3A_901 step %while3A_908 iter_args(%while3A_1021 = %while3A_907#0, %while3A_1022 = %while3A_907#1) -> (vector<8x512xf32>, vector<8x512xi32>)  : i32 {
      %mul3A = arith.constant 512 : i32
      %mul3A_1023 = arith.muli %while3A_1020, %mul3A : i32
      %multiple_of3A = tpu.assume_multiple %mul3A_1023, 512 : i32
      %get3A_1024 = arith.constant 0 : index
      %get3A_1025 = arith.index_cast %multiple_of3A : i32 to index
      %get3A_1026 = vector.load %arg7[%get3A_1024, %get3A_1025] : memref<8x50176xf32, #tpu.memory_space<vmem>>, vector<8x512xf32>
      %mul3A_1027 = arith.constant 512 : i32
      %mul3A_1028 = arith.muli %while3A_1020, %mul3A_1027 : i32
      %add3A = vector.broadcast %mul3A_1028 : i32 to vector<8x512xi32>
      %add3A_1029 = arith.addi %iota3A, %add3A : vector<8x512xi32>
      %gt3A = vector.broadcast %broadcast_in_dim3A_881 : vector<8x1xf32> to vector<8x512xf32>
      %gt3A_1030 = arith.cmpf ogt, %get3A_1026, %gt3A : vector<8x512xf32>
      %eq3A_1031 = vector.broadcast %broadcast_in_dim3A_881 : vector<8x1xf32> to vector<8x512xf32>
      %eq3A_1032 = arith.cmpf oeq, %get3A_1026, %eq3A_1031 : vector<8x512xf32>
      %gt3A_1033 = vector.broadcast %broadcast_in_dim3A_889 : vector<8x1xi32> to vector<8x512xi32>
      %gt3A_1034 = arith.cmpi sgt, %add3A_1029, %gt3A_1033 : vector<8x512xi32>
      %and3A = arith.andi %eq3A_1032, %gt3A_1034 : vector<8x512xi1>
      %or3A = arith.ori %gt3A_1030, %and3A : vector<8x512xi1>
      %lt3A = arith.cmpf olt, %get3A_1026, %while3A_1021 : vector<8x512xf32>
      %and3A_1035 = arith.andi %or3A, %lt3A : vector<8x512xi1>
      %select_n3A_1036 = arith.select %and3A_1035, %add3A_1029, %while3A_1022 : vector<8x512xi1>, vector<8x512xi32>
      %select_n3A_1037 = arith.select %and3A_1035, %get3A_1026, %while3A_1021 : vector<8x512xi1>, vector<8x512xf32>
      scf.yield %select_n3A_1037, %select_n3A_1036 : vector<8x512xf32>, vector<8x512xi32>
    }
    %reduce_min3A_910 = arith.constant dense<0x7F800000> : vector<8xf32>
    %reduce_min3A_911 = vector.multi_reduction <minimumf>, %while3A_909#0, %reduce_min3A_910 [1] : vector<8x512xf32> to vector<8xf32>
    %broadcast_in_dim3A_912 = vector.shape_cast %reduce_min3A_911 : vector<8xf32> to vector<8x1xf32>
    %eq3A_913 = vector.broadcast %broadcast_in_dim3A_912 : vector<8x1xf32> to vector<8x512xf32>
    %eq3A_914 = arith.cmpf oeq, %while3A_909#0, %eq3A_913 : vector<8x512xf32>
    %jit3A_915 = arith.constant 1073741824 : i32
    %broadcast_in_dim3A_916 = vector.broadcast %jit3A_915 : i32 to vector<8x512xi32>
    %select_n3A_917 = arith.select %eq3A_914, %while3A_909#1, %broadcast_in_dim3A_916 : vector<8x512xi1>, vector<8x512xi32>
    %reduce_min3A_918 = arith.constant dense<2147483647> : vector<8xi32>
    %reduce_min3A_919 = vector.multi_reduction <minsi>, %select_n3A_917, %reduce_min3A_918 [1] : vector<8x512xi32> to vector<8xi32>
    %broadcast_in_dim3A_920 = vector.shape_cast %reduce_min3A_919 : vector<8xi32> to vector<8x1xi32>
    %min3A_921 = arith.constant 49999 : i32
    %min3A_922 = vector.broadcast %min3A_921 : i32 to vector<8x1xi32>
    %min3A_923 = arith.minsi %broadcast_in_dim3A_920, %min3A_922 : vector<8x1xi32>
    %swap3A_924 = arith.constant 0 : index
    %swap3A_925 = arith.constant 28 : index
    %swap3A_926 = vector.load %arg6[%swap3A_924, %swap3A_925] : memref<8x32xi32, #tpu.memory_space<vmem>>, vector<8x1xi32>
    tpu.vector_store %arg6[%swap3A_924, %swap3A_925], %min3A_923 {strides = array<i32>} : memref<8x32xi32, #tpu.memory_space<vmem>>, vector<8x1xi32>,
    %broadcast_in_dim3A_927 = arith.constant 0x7F800000 : f32
    %broadcast_in_dim3A_928 = vector.broadcast %broadcast_in_dim3A_927 : f32 to vector<8x512xf32>
    %broadcast_in_dim3A_929 = arith.constant 1073741824 : i32
    %broadcast_in_dim3A_930 = vector.broadcast %broadcast_in_dim3A_929 : i32 to vector<8x512xi32>
    %while3A_931 = arith.subi %get3A_4, %get3A_1 : i32
    %while3A_932 = arith.addi %get3A_1, %while3A_931 : i32
    %while3A_933 = arith.constant 1 : i32
    %while3A_934 = arith.divsi %while3A_931, %while3A_933 : i32
    %while3A_935 = arith.muli %while3A_934, %while3A_933 : i32
    %while3A_936 = arith.addi %get3A_1, %while3A_935 : i32
    %while3A_937 = arith.constant 1 : i32
    %while3A_938:2 = scf.for %while3A_1020 = %get3A_1 to %while3A_936 step %while3A_937 iter_args(%while3A_1021 = %broadcast_in_dim3A_928, %while3A_1022 = %broadcast_in_dim3A_930) -> (vector<8x512xf32>, vector<8x512xi32>)  : i32 {
      %mul3A = arith.constant 512 : i32
      %mul3A_1023 = arith.muli %while3A_1020, %mul3A : i32
      %multiple_of3A = tpu.assume_multiple %mul3A_1023, 512 : i32
      %get3A_1024 = arith.constant 0 : index
      %get3A_1025 = arith.index_cast %multiple_of3A : i32 to index
      %get3A_1026 = vector.load %arg7[%get3A_1024, %get3A_1025] : memref<8x50176xf32, #tpu.memory_space<vmem>>, vector<8x512xf32>
      %mul3A_1027 = arith.constant 512 : i32
      %mul3A_1028 = arith.muli %while3A_1020, %mul3A_1027 : i32
      %add3A = vector.broadcast %mul3A_1028 : i32 to vector<8x512xi32>
      %add3A_1029 = arith.addi %iota3A, %add3A : vector<8x512xi32>
      %gt3A = vector.broadcast %broadcast_in_dim3A_912 : vector<8x1xf32> to vector<8x512xf32>
      %gt3A_1030 = arith.cmpf ogt, %get3A_1026, %gt3A : vector<8x512xf32>
      %eq3A_1031 = vector.broadcast %broadcast_in_dim3A_912 : vector<8x1xf32> to vector<8x512xf32>
      %eq3A_1032 = arith.cmpf oeq, %get3A_1026, %eq3A_1031 : vector<8x512xf32>
      %gt3A_1033 = vector.broadcast %broadcast_in_dim3A_920 : vector<8x1xi32> to vector<8x512xi32>
      %gt3A_1034 = arith.cmpi sgt, %add3A_1029, %gt3A_1033 : vector<8x512xi32>
      %and3A = arith.andi %eq3A_1032, %gt3A_1034 : vector<8x512xi1>
      %or3A = arith.ori %gt3A_1030, %and3A : vector<8x512xi1>
      %lt3A = arith.cmpf olt, %get3A_1026, %while3A_1021 : vector<8x512xf32>
      %and3A_1035 = arith.andi %or3A, %lt3A : vector<8x512xi1>
      %select_n3A_1036 = arith.select %and3A_1035, %add3A_1029, %while3A_1022 : vector<8x512xi1>, vector<8x512xi32>
      %select_n3A_1037 = arith.select %and3A_1035, %get3A_1026, %while3A_1021 : vector<8x512xi1>, vector<8x512xf32>
      scf.yield %select_n3A_1037, %select_n3A_1036 : vector<8x512xf32>, vector<8x512xi32>
    }
    %while3A_939 = arith.constant 1 : i32
    %while3A_940:2 = scf.for %while3A_1020 = %while3A_936 to %while3A_932 step %while3A_939 iter_args(%while3A_1021 = %while3A_938#0, %while3A_1022 = %while3A_938#1) -> (vector<8x512xf32>, vector<8x512xi32>)  : i32 {
      %mul3A = arith.constant 512 : i32
      %mul3A_1023 = arith.muli %while3A_1020, %mul3A : i32
      %multiple_of3A = tpu.assume_multiple %mul3A_1023, 512 : i32
      %get3A_1024 = arith.constant 0 : index
      %get3A_1025 = arith.index_cast %multiple_of3A : i32 to index
      %get3A_1026 = vector.load %arg7[%get3A_1024, %get3A_1025] : memref<8x50176xf32, #tpu.memory_space<vmem>>, vector<8x512xf32>
      %mul3A_1027 = arith.constant 512 : i32
      %mul3A_1028 = arith.muli %while3A_1020, %mul3A_1027 : i32
      %add3A = vector.broadcast %mul3A_1028 : i32 to vector<8x512xi32>
      %add3A_1029 = arith.addi %iota3A, %add3A : vector<8x512xi32>
      %gt3A = vector.broadcast %broadcast_in_dim3A_912 : vector<8x1xf32> to vector<8x512xf32>
      %gt3A_1030 = arith.cmpf ogt, %get3A_1026, %gt3A : vector<8x512xf32>
      %eq3A_1031 = vector.broadcast %broadcast_in_dim3A_912 : vector<8x1xf32> to vector<8x512xf32>
      %eq3A_1032 = arith.cmpf oeq, %get3A_1026, %eq3A_1031 : vector<8x512xf32>
      %gt3A_1033 = vector.broadcast %broadcast_in_dim3A_920 : vector<8x1xi32> to vector<8x512xi32>
      %gt3A_1034 = arith.cmpi sgt, %add3A_1029, %gt3A_1033 : vector<8x512xi32>
      %and3A = arith.andi %eq3A_1032, %gt3A_1034 : vector<8x512xi1>
      %or3A = arith.ori %gt3A_1030, %and3A : vector<8x512xi1>
      %lt3A = arith.cmpf olt, %get3A_1026, %while3A_1021 : vector<8x512xf32>
      %and3A_1035 = arith.andi %or3A, %lt3A : vector<8x512xi1>
      %select_n3A_1036 = arith.select %and3A_1035, %add3A_1029, %while3A_1022 : vector<8x512xi1>, vector<8x512xi32>
      %select_n3A_1037 = arith.select %and3A_1035, %get3A_1026, %while3A_1021 : vector<8x512xi1>, vector<8x512xf32>
      scf.yield %select_n3A_1037, %select_n3A_1036 : vector<8x512xf32>, vector<8x512xi32>
    }
    %reduce_min3A_941 = arith.constant dense<0x7F800000> : vector<8xf32>
    %reduce_min3A_942 = vector.multi_reduction <minimumf>, %while3A_940#0, %reduce_min3A_941 [1] : vector<8x512xf32> to vector<8xf32>
    %broadcast_in_dim3A_943 = vector.shape_cast %reduce_min3A_942 : vector<8xf32> to vector<8x1xf32>
    %eq3A_944 = vector.broadcast %broadcast_in_dim3A_943 : vector<8x1xf32> to vector<8x512xf32>
    %eq3A_945 = arith.cmpf oeq, %while3A_940#0, %eq3A_944 : vector<8x512xf32>
    %jit3A_946 = arith.constant 1073741824 : i32
    %broadcast_in_dim3A_947 = vector.broadcast %jit3A_946 : i32 to vector<8x512xi32>
    %select_n3A_948 = arith.select %eq3A_945, %while3A_940#1, %broadcast_in_dim3A_947 : vector<8x512xi1>, vector<8x512xi32>
    %reduce_min3A_949 = arith.constant dense<2147483647> : vector<8xi32>
    %reduce_min3A_950 = vector.multi_reduction <minsi>, %select_n3A_948, %reduce_min3A_949 [1] : vector<8x512xi32> to vector<8xi32>
    %broadcast_in_dim3A_951 = vector.shape_cast %reduce_min3A_950 : vector<8xi32> to vector<8x1xi32>
    %min3A_952 = arith.constant 49999 : i32
    %min3A_953 = vector.broadcast %min3A_952 : i32 to vector<8x1xi32>
    %min3A_954 = arith.minsi %broadcast_in_dim3A_951, %min3A_953 : vector<8x1xi32>
    %swap3A_955 = arith.constant 0 : index
    %swap3A_956 = arith.constant 29 : index
    %swap3A_957 = vector.load %arg6[%swap3A_955, %swap3A_956] : memref<8x32xi32, #tpu.memory_space<vmem>>, vector<8x1xi32>
    tpu.vector_store %arg6[%swap3A_955, %swap3A_956], %min3A_954 {strides = array<i32>} : memref<8x32xi32, #tpu.memory_space<vmem>>, vector<8x1xi32>,
    %broadcast_in_dim3A_958 = arith.constant 0x7F800000 : f32
    %broadcast_in_dim3A_959 = vector.broadcast %broadcast_in_dim3A_958 : f32 to vector<8x512xf32>
    %broadcast_in_dim3A_960 = arith.constant 1073741824 : i32
    %broadcast_in_dim3A_961 = vector.broadcast %broadcast_in_dim3A_960 : i32 to vector<8x512xi32>
    %while3A_962 = arith.subi %get3A_4, %get3A_1 : i32
    %while3A_963 = arith.addi %get3A_1, %while3A_962 : i32
    %while3A_964 = arith.constant 1 : i32
    %while3A_965 = arith.divsi %while3A_962, %while3A_964 : i32
    %while3A_966 = arith.muli %while3A_965, %while3A_964 : i32
    %while3A_967 = arith.addi %get3A_1, %while3A_966 : i32
    %while3A_968 = arith.constant 1 : i32
    %while3A_969:2 = scf.for %while3A_1020 = %get3A_1 to %while3A_967 step %while3A_968 iter_args(%while3A_1021 = %broadcast_in_dim3A_959, %while3A_1022 = %broadcast_in_dim3A_961) -> (vector<8x512xf32>, vector<8x512xi32>)  : i32 {
      %mul3A = arith.constant 512 : i32
      %mul3A_1023 = arith.muli %while3A_1020, %mul3A : i32
      %multiple_of3A = tpu.assume_multiple %mul3A_1023, 512 : i32
      %get3A_1024 = arith.constant 0 : index
      %get3A_1025 = arith.index_cast %multiple_of3A : i32 to index
      %get3A_1026 = vector.load %arg7[%get3A_1024, %get3A_1025] : memref<8x50176xf32, #tpu.memory_space<vmem>>, vector<8x512xf32>
      %mul3A_1027 = arith.constant 512 : i32
      %mul3A_1028 = arith.muli %while3A_1020, %mul3A_1027 : i32
      %add3A = vector.broadcast %mul3A_1028 : i32 to vector<8x512xi32>
      %add3A_1029 = arith.addi %iota3A, %add3A : vector<8x512xi32>
      %gt3A = vector.broadcast %broadcast_in_dim3A_943 : vector<8x1xf32> to vector<8x512xf32>
      %gt3A_1030 = arith.cmpf ogt, %get3A_1026, %gt3A : vector<8x512xf32>
      %eq3A_1031 = vector.broadcast %broadcast_in_dim3A_943 : vector<8x1xf32> to vector<8x512xf32>
      %eq3A_1032 = arith.cmpf oeq, %get3A_1026, %eq3A_1031 : vector<8x512xf32>
      %gt3A_1033 = vector.broadcast %broadcast_in_dim3A_951 : vector<8x1xi32> to vector<8x512xi32>
      %gt3A_1034 = arith.cmpi sgt, %add3A_1029, %gt3A_1033 : vector<8x512xi32>
      %and3A = arith.andi %eq3A_1032, %gt3A_1034 : vector<8x512xi1>
      %or3A = arith.ori %gt3A_1030, %and3A : vector<8x512xi1>
      %lt3A = arith.cmpf olt, %get3A_1026, %while3A_1021 : vector<8x512xf32>
      %and3A_1035 = arith.andi %or3A, %lt3A : vector<8x512xi1>
      %select_n3A_1036 = arith.select %and3A_1035, %add3A_1029, %while3A_1022 : vector<8x512xi1>, vector<8x512xi32>
      %select_n3A_1037 = arith.select %and3A_1035, %get3A_1026, %while3A_1021 : vector<8x512xi1>, vector<8x512xf32>
      scf.yield %select_n3A_1037, %select_n3A_1036 : vector<8x512xf32>, vector<8x512xi32>
    }
    %while3A_970 = arith.constant 1 : i32
    %while3A_971:2 = scf.for %while3A_1020 = %while3A_967 to %while3A_963 step %while3A_970 iter_args(%while3A_1021 = %while3A_969#0, %while3A_1022 = %while3A_969#1) -> (vector<8x512xf32>, vector<8x512xi32>)  : i32 {
      %mul3A = arith.constant 512 : i32
      %mul3A_1023 = arith.muli %while3A_1020, %mul3A : i32
      %multiple_of3A = tpu.assume_multiple %mul3A_1023, 512 : i32
      %get3A_1024 = arith.constant 0 : index
      %get3A_1025 = arith.index_cast %multiple_of3A : i32 to index
      %get3A_1026 = vector.load %arg7[%get3A_1024, %get3A_1025] : memref<8x50176xf32, #tpu.memory_space<vmem>>, vector<8x512xf32>
      %mul3A_1027 = arith.constant 512 : i32
      %mul3A_1028 = arith.muli %while3A_1020, %mul3A_1027 : i32
      %add3A = vector.broadcast %mul3A_1028 : i32 to vector<8x512xi32>
      %add3A_1029 = arith.addi %iota3A, %add3A : vector<8x512xi32>
      %gt3A = vector.broadcast %broadcast_in_dim3A_943 : vector<8x1xf32> to vector<8x512xf32>
      %gt3A_1030 = arith.cmpf ogt, %get3A_1026, %gt3A : vector<8x512xf32>
      %eq3A_1031 = vector.broadcast %broadcast_in_dim3A_943 : vector<8x1xf32> to vector<8x512xf32>
      %eq3A_1032 = arith.cmpf oeq, %get3A_1026, %eq3A_1031 : vector<8x512xf32>
      %gt3A_1033 = vector.broadcast %broadcast_in_dim3A_951 : vector<8x1xi32> to vector<8x512xi32>
      %gt3A_1034 = arith.cmpi sgt, %add3A_1029, %gt3A_1033 : vector<8x512xi32>
      %and3A = arith.andi %eq3A_1032, %gt3A_1034 : vector<8x512xi1>
      %or3A = arith.ori %gt3A_1030, %and3A : vector<8x512xi1>
      %lt3A = arith.cmpf olt, %get3A_1026, %while3A_1021 : vector<8x512xf32>
      %and3A_1035 = arith.andi %or3A, %lt3A : vector<8x512xi1>
      %select_n3A_1036 = arith.select %and3A_1035, %add3A_1029, %while3A_1022 : vector<8x512xi1>, vector<8x512xi32>
      %select_n3A_1037 = arith.select %and3A_1035, %get3A_1026, %while3A_1021 : vector<8x512xi1>, vector<8x512xf32>
      scf.yield %select_n3A_1037, %select_n3A_1036 : vector<8x512xf32>, vector<8x512xi32>
    }
    %reduce_min3A_972 = arith.constant dense<0x7F800000> : vector<8xf32>
    %reduce_min3A_973 = vector.multi_reduction <minimumf>, %while3A_971#0, %reduce_min3A_972 [1] : vector<8x512xf32> to vector<8xf32>
    %broadcast_in_dim3A_974 = vector.shape_cast %reduce_min3A_973 : vector<8xf32> to vector<8x1xf32>
    %eq3A_975 = vector.broadcast %broadcast_in_dim3A_974 : vector<8x1xf32> to vector<8x512xf32>
    %eq3A_976 = arith.cmpf oeq, %while3A_971#0, %eq3A_975 : vector<8x512xf32>
    %jit3A_977 = arith.constant 1073741824 : i32
    %broadcast_in_dim3A_978 = vector.broadcast %jit3A_977 : i32 to vector<8x512xi32>
    %select_n3A_979 = arith.select %eq3A_976, %while3A_971#1, %broadcast_in_dim3A_978 : vector<8x512xi1>, vector<8x512xi32>
    %reduce_min3A_980 = arith.constant dense<2147483647> : vector<8xi32>
    %reduce_min3A_981 = vector.multi_reduction <minsi>, %select_n3A_979, %reduce_min3A_980 [1] : vector<8x512xi32> to vector<8xi32>
    %broadcast_in_dim3A_982 = vector.shape_cast %reduce_min3A_981 : vector<8xi32> to vector<8x1xi32>
    %min3A_983 = arith.constant 49999 : i32
    %min3A_984 = vector.broadcast %min3A_983 : i32 to vector<8x1xi32>
    %min3A_985 = arith.minsi %broadcast_in_dim3A_982, %min3A_984 : vector<8x1xi32>
    %swap3A_986 = arith.constant 0 : index
    %swap3A_987 = arith.constant 30 : index
    %swap3A_988 = vector.load %arg6[%swap3A_986, %swap3A_987] : memref<8x32xi32, #tpu.memory_space<vmem>>, vector<8x1xi32>
    tpu.vector_store %arg6[%swap3A_986, %swap3A_987], %min3A_985 {strides = array<i32>} : memref<8x32xi32, #tpu.memory_space<vmem>>, vector<8x1xi32>,
    %broadcast_in_dim3A_989 = arith.constant 0x7F800000 : f32
    %broadcast_in_dim3A_990 = vector.broadcast %broadcast_in_dim3A_989 : f32 to vector<8x512xf32>
    %broadcast_in_dim3A_991 = arith.constant 1073741824 : i32
    %broadcast_in_dim3A_992 = vector.broadcast %broadcast_in_dim3A_991 : i32 to vector<8x512xi32>
    %while3A_993 = arith.subi %get3A_4, %get3A_1 : i32
    %while3A_994 = arith.addi %get3A_1, %while3A_993 : i32
    %while3A_995 = arith.constant 1 : i32
    %while3A_996 = arith.divsi %while3A_993, %while3A_995 : i32
    %while3A_997 = arith.muli %while3A_996, %while3A_995 : i32
    %while3A_998 = arith.addi %get3A_1, %while3A_997 : i32
    %while3A_999 = arith.constant 1 : i32
    %while3A_1000:2 = scf.for %while3A_1020 = %get3A_1 to %while3A_998 step %while3A_999 iter_args(%while3A_1021 = %broadcast_in_dim3A_990, %while3A_1022 = %broadcast_in_dim3A_992) -> (vector<8x512xf32>, vector<8x512xi32>)  : i32 {
      %mul3A = arith.constant 512 : i32
      %mul3A_1023 = arith.muli %while3A_1020, %mul3A : i32
      %multiple_of3A = tpu.assume_multiple %mul3A_1023, 512 : i32
      %get3A_1024 = arith.constant 0 : index
      %get3A_1025 = arith.index_cast %multiple_of3A : i32 to index
      %get3A_1026 = vector.load %arg7[%get3A_1024, %get3A_1025] : memref<8x50176xf32, #tpu.memory_space<vmem>>, vector<8x512xf32>
      %mul3A_1027 = arith.constant 512 : i32
      %mul3A_1028 = arith.muli %while3A_1020, %mul3A_1027 : i32
      %add3A = vector.broadcast %mul3A_1028 : i32 to vector<8x512xi32>
      %add3A_1029 = arith.addi %iota3A, %add3A : vector<8x512xi32>
      %gt3A = vector.broadcast %broadcast_in_dim3A_974 : vector<8x1xf32> to vector<8x512xf32>
      %gt3A_1030 = arith.cmpf ogt, %get3A_1026, %gt3A : vector<8x512xf32>
      %eq3A_1031 = vector.broadcast %broadcast_in_dim3A_974 : vector<8x1xf32> to vector<8x512xf32>
      %eq3A_1032 = arith.cmpf oeq, %get3A_1026, %eq3A_1031 : vector<8x512xf32>
      %gt3A_1033 = vector.broadcast %broadcast_in_dim3A_982 : vector<8x1xi32> to vector<8x512xi32>
      %gt3A_1034 = arith.cmpi sgt, %add3A_1029, %gt3A_1033 : vector<8x512xi32>
      %and3A = arith.andi %eq3A_1032, %gt3A_1034 : vector<8x512xi1>
      %or3A = arith.ori %gt3A_1030, %and3A : vector<8x512xi1>
      %lt3A = arith.cmpf olt, %get3A_1026, %while3A_1021 : vector<8x512xf32>
      %and3A_1035 = arith.andi %or3A, %lt3A : vector<8x512xi1>
      %select_n3A_1036 = arith.select %and3A_1035, %add3A_1029, %while3A_1022 : vector<8x512xi1>, vector<8x512xi32>
      %select_n3A_1037 = arith.select %and3A_1035, %get3A_1026, %while3A_1021 : vector<8x512xi1>, vector<8x512xf32>
      scf.yield %select_n3A_1037, %select_n3A_1036 : vector<8x512xf32>, vector<8x512xi32>
    }
    %while3A_1001 = arith.constant 1 : i32
    %while3A_1002:2 = scf.for %while3A_1020 = %while3A_998 to %while3A_994 step %while3A_1001 iter_args(%while3A_1021 = %while3A_1000#0, %while3A_1022 = %while3A_1000#1) -> (vector<8x512xf32>, vector<8x512xi32>)  : i32 {
      %mul3A = arith.constant 512 : i32
      %mul3A_1023 = arith.muli %while3A_1020, %mul3A : i32
      %multiple_of3A = tpu.assume_multiple %mul3A_1023, 512 : i32
      %get3A_1024 = arith.constant 0 : index
      %get3A_1025 = arith.index_cast %multiple_of3A : i32 to index
      %get3A_1026 = vector.load %arg7[%get3A_1024, %get3A_1025] : memref<8x50176xf32, #tpu.memory_space<vmem>>, vector<8x512xf32>
      %mul3A_1027 = arith.constant 512 : i32
      %mul3A_1028 = arith.muli %while3A_1020, %mul3A_1027 : i32
      %add3A = vector.broadcast %mul3A_1028 : i32 to vector<8x512xi32>
      %add3A_1029 = arith.addi %iota3A, %add3A : vector<8x512xi32>
      %gt3A = vector.broadcast %broadcast_in_dim3A_974 : vector<8x1xf32> to vector<8x512xf32>
      %gt3A_1030 = arith.cmpf ogt, %get3A_1026, %gt3A : vector<8x512xf32>
      %eq3A_1031 = vector.broadcast %broadcast_in_dim3A_974 : vector<8x1xf32> to vector<8x512xf32>
      %eq3A_1032 = arith.cmpf oeq, %get3A_1026, %eq3A_1031 : vector<8x512xf32>
      %gt3A_1033 = vector.broadcast %broadcast_in_dim3A_982 : vector<8x1xi32> to vector<8x512xi32>
      %gt3A_1034 = arith.cmpi sgt, %add3A_1029, %gt3A_1033 : vector<8x512xi32>
      %and3A = arith.andi %eq3A_1032, %gt3A_1034 : vector<8x512xi1>
      %or3A = arith.ori %gt3A_1030, %and3A : vector<8x512xi1>
      %lt3A = arith.cmpf olt, %get3A_1026, %while3A_1021 : vector<8x512xf32>
      %and3A_1035 = arith.andi %or3A, %lt3A : vector<8x512xi1>
      %select_n3A_1036 = arith.select %and3A_1035, %add3A_1029, %while3A_1022 : vector<8x512xi1>, vector<8x512xi32>
      %select_n3A_1037 = arith.select %and3A_1035, %get3A_1026, %while3A_1021 : vector<8x512xi1>, vector<8x512xf32>
      scf.yield %select_n3A_1037, %select_n3A_1036 : vector<8x512xf32>, vector<8x512xi32>
    }
    %reduce_min3A_1003 = arith.constant dense<0x7F800000> : vector<8xf32>
    %reduce_min3A_1004 = vector.multi_reduction <minimumf>, %while3A_1002#0, %reduce_min3A_1003 [1] : vector<8x512xf32> to vector<8xf32>
    %broadcast_in_dim3A_1005 = vector.shape_cast %reduce_min3A_1004 : vector<8xf32> to vector<8x1xf32>
    %eq3A_1006 = vector.broadcast %broadcast_in_dim3A_1005 : vector<8x1xf32> to vector<8x512xf32>
    %eq3A_1007 = arith.cmpf oeq, %while3A_1002#0, %eq3A_1006 : vector<8x512xf32>
    %jit3A_1008 = arith.constant 1073741824 : i32
    %broadcast_in_dim3A_1009 = vector.broadcast %jit3A_1008 : i32 to vector<8x512xi32>
    %select_n3A_1010 = arith.select %eq3A_1007, %while3A_1002#1, %broadcast_in_dim3A_1009 : vector<8x512xi1>, vector<8x512xi32>
    %reduce_min3A_1011 = arith.constant dense<2147483647> : vector<8xi32>
    %reduce_min3A_1012 = vector.multi_reduction <minsi>, %select_n3A_1010, %reduce_min3A_1011 [1] : vector<8x512xi32> to vector<8xi32>
    %broadcast_in_dim3A_1013 = vector.shape_cast %reduce_min3A_1012 : vector<8xi32> to vector<8x1xi32>
    %min3A_1014 = arith.constant 49999 : i32
    %min3A_1015 = vector.broadcast %min3A_1014 : i32 to vector<8x1xi32>
    %min3A_1016 = arith.minsi %broadcast_in_dim3A_1013, %min3A_1015 : vector<8x1xi32>
    %swap3A_1017 = arith.constant 0 : index
    %swap3A_1018 = arith.constant 31 : index
    %swap3A_1019 = vector.load %arg6[%swap3A_1017, %swap3A_1018] : memref<8x32xi32, #tpu.memory_space<vmem>>, vector<8x1xi32>
    tpu.vector_store %arg6[%swap3A_1017, %swap3A_1018], %min3A_1016 {strides = array<i32>} : memref<8x32xi32, #tpu.memory_space<vmem>>, vector<8x1xi32>,
    return
  }
  func.func @transform_0(%arg0: i32) -> (i32, i32) {
    %c0_i32 = arith.constant 0 : i32
    %c0_i32_0 = arith.constant 0 : i32
    %c0_i32_1 = arith.constant 0 : i32
    return %c0_i32, %c0_i32_0 : i32, i32
  }
  func.func @transform_1(%arg0: i32) -> (i32, i32) {
    %c0_i32 = arith.constant 0 : i32
    %c0_i32_0 = arith.constant 0 : i32
    %c0_i32_1 = arith.constant 0 : i32
    return %c0_i32, %c0_i32_0 : i32, i32
  }
  func.func @transform_2(%arg0: i32) -> (i32, i32) {
    %c0_i32 = arith.constant 0 : i32
    %c0_i32_0 = arith.constant 0 : i32
    return %arg0, %c0_i32 : i32, i32
  }
  func.func @transform_3(%arg0: i32) -> (i32, i32) {
    %c0_i32 = arith.constant 0 : i32
    %c0_i32_0 = arith.constant 0 : i32
    return %arg0, %c0_i32 : i32, i32
  }
  func.func @transform_4(%arg0: i32) -> (i32, i32) {
    %c0_i32 = arith.constant 0 : i32
    %c0_i32_0 = arith.constant 0 : i32
    return %arg0, %c0_i32 : i32, i32
  }
  func.func @transform_5(%arg0: i32) -> (i32, i32) {
    %c0_i32 = arith.constant 0 : i32
    %c0_i32_0 = arith.constant 0 : i32
    return %arg0, %c0_i32 : i32, i32
  }
}

module attributes {stable_mosaic.version = 14 : i64} {
  func.func @_mm_body(%arg0: i32, %arg1: memref<1568x3xf32, #tpu.memory_space<vmem>>, %arg2: memref<3x128xf32, #tpu.memory_space<vmem>>, %arg3: memref<1568x128xf32, #tpu.memory_space<vmem>>) attributes {dimension_semantics = [#tpu.dimension_semantics<arbitrary>], iteration_bounds = array<i64: 8>, scalar_prefetch = 0 : i64, scratch_operands = 0 : i64, tpu.core_type = #tpu.core_type<tc>, window_params = [{transform_indices = @transform_0, window_bounds = array<i64: 1568, 3>}, {pipeline_mode = #tpu.pipeline_mode<synchronous>, transform_indices = @transform_1, window_bounds = array<i64: 3, 128>}, {transform_indices = @transform_2, window_bounds = array<i64: 1568, 128>}]} {
    %get3A = arith.constant 0 : index
    %get3A_0 = arith.constant 0 : index
    %get3A_1 = vector.load %arg1[%get3A, %get3A_0] : memref<1568x3xf32, #tpu.memory_space<vmem>>, vector<1568x3xf32>
    %get3A_2 = arith.constant 0 : index
    %get3A_3 = arith.constant 0 : index
    %get3A_4 = vector.load %arg2[%get3A_2, %get3A_3] : memref<3x128xf32, #tpu.memory_space<vmem>>, vector<3x128xf32>
    %dot_general3A = arith.constant dense<0.000000e+00> : vector<1568x128xf32>
    %dot_general3A_5 = tpu.matmul %get3A_1, %get3A_4, %dot_general3A {dimension_numbers = #tpu.dot_dimension_numbers<[1], [0], [0], [1], [0, 0, 1, 1], [], []>, transpose_lhs_hint = false} : vector<1568x3xf32>, vector<3x128xf32>, vector<1568x128xf32> -> vector<1568x128xf32>
    %swap3A = arith.constant 0 : index
    %swap3A_6 = arith.constant 0 : index
    %swap3A_7 = vector.load %arg3[%swap3A, %swap3A_6] : memref<1568x128xf32, #tpu.memory_space<vmem>>, vector<1568x128xf32>
    tpu.vector_store %arg3[%swap3A, %swap3A_6], %dot_general3A_5 {strides = array<i32>} : memref<1568x128xf32, #tpu.memory_space<vmem>>, vector<1568x128xf32>,
    return
  }
  func.func @transform_0(%arg0: i32) -> (i32, i32) {
    %c0_i32 = arith.constant 0 : i32
    %c0_i32_0 = arith.constant 0 : i32
    return %arg0, %c0_i32 : i32, i32
  }
  func.func @transform_1(%arg0: i32) -> (i32, i32) {
    %c0_i32 = arith.constant 0 : i32
    %c0_i32_0 = arith.constant 0 : i32
    %c0_i32_1 = arith.constant 0 : i32
    return %c0_i32, %c0_i32_0 : i32, i32
  }
  func.func @transform_2(%arg0: i32) -> (i32, i32) {
    %c0_i32 = arith.constant 0 : i32
    %c0_i32_0 = arith.constant 0 : i32
    return %arg0, %c0_i32 : i32, i32
  }
}

module attributes {stable_mosaic.version = 14 : i64} {
  func.func @_mm_body(%arg0: i32, %arg1: memref<2000x131xf32, #tpu.memory_space<vmem>>, %arg2: memref<131x128xf32, #tpu.memory_space<vmem>>, %arg3: memref<2000x128xf32, #tpu.memory_space<vmem>>) attributes {dimension_semantics = [#tpu.dimension_semantics<arbitrary>], iteration_bounds = array<i64: 25>, scalar_prefetch = 0 : i64, scratch_operands = 0 : i64, tpu.core_type = #tpu.core_type<tc>, window_params = [{transform_indices = @transform_0, window_bounds = array<i64: 2000, 131>}, {pipeline_mode = #tpu.pipeline_mode<synchronous>, transform_indices = @transform_1, window_bounds = array<i64: 131, 128>}, {transform_indices = @transform_2, window_bounds = array<i64: 2000, 128>}]} {
    %get3A = arith.constant 0 : index
    %get3A_0 = arith.constant 0 : index
    %get3A_1 = vector.load %arg1[%get3A, %get3A_0] : memref<2000x131xf32, #tpu.memory_space<vmem>>, vector<2000x131xf32>
    %get3A_2 = arith.constant 0 : index
    %get3A_3 = arith.constant 0 : index
    %get3A_4 = vector.load %arg2[%get3A_2, %get3A_3] : memref<131x128xf32, #tpu.memory_space<vmem>>, vector<131x128xf32>
    %dot_general3A = arith.constant dense<0.000000e+00> : vector<2000x128xf32>
    %dot_general3A_5 = tpu.matmul %get3A_1, %get3A_4, %dot_general3A {dimension_numbers = #tpu.dot_dimension_numbers<[1], [0], [0], [1], [0, 0, 1, 1], [], []>, transpose_lhs_hint = false} : vector<2000x131xf32>, vector<131x128xf32>, vector<2000x128xf32> -> vector<2000x128xf32>
    %swap3A = arith.constant 0 : index
    %swap3A_6 = arith.constant 0 : index
    %swap3A_7 = vector.load %arg3[%swap3A, %swap3A_6] : memref<2000x128xf32, #tpu.memory_space<vmem>>, vector<2000x128xf32>
    tpu.vector_store %arg3[%swap3A, %swap3A_6], %dot_general3A_5 {strides = array<i32>} : memref<2000x128xf32, #tpu.memory_space<vmem>>, vector<2000x128xf32>,
    return
  }
  func.func @transform_0(%arg0: i32) -> (i32, i32) {
    %c0_i32 = arith.constant 0 : i32
    %c0_i32_0 = arith.constant 0 : i32
    return %arg0, %c0_i32 : i32, i32
  }
  func.func @transform_1(%arg0: i32) -> (i32, i32) {
    %c0_i32 = arith.constant 0 : i32
    %c0_i32_0 = arith.constant 0 : i32
    %c0_i32_1 = arith.constant 0 : i32
    return %c0_i32, %c0_i32_0 : i32, i32
  }
  func.func @transform_2(%arg0: i32) -> (i32, i32) {
    %c0_i32 = arith.constant 0 : i32
    %c0_i32_0 = arith.constant 0 : i32
    return %arg0, %c0_i32 : i32, i32
  }
}

</mosaic_0001>

<sc_bundles>
// kernel: kernel.6.cloned.1.call-start
scs
__scs_entry_jumppad:
0x0: {  	(pc) =	sbr.rel $0x88, $3  }
0x1: {  	(tag) =	ssettag $0x0;
	lr =	simm.s32 $0x1  }
0x2: {  	[smem:$0x3F9C] =	sst lr;
	_ =	strace $0xD0000000  }
0x3: {  	_ = 	snop  }
0x4: {  	_ = 	snop  }
0x5: {  	_ = 	snop  }
0x6: {  	_ = 	snop  }
0x7: {  	_ = 	snop  }
__scs_overlays_trampoline_lowered:
0x8: {  	[smem:$0x3FAB] =	sst s0  }
0x9: {  	[smem:$0x3FAC] =	sst s1  }
0xa: {  	[smem:$0x3FAD] =	sst s2  }
0xb: {  	[smem:$0x3FAE] =	sst s3  }
0xc: {  	[smem:$0x3FAF] =	sst s4  }
0xd: {  	[smem:$0x3FB0] =	sst s5  }
0xe: {  	[smem:$0x3FB1] =	sst s6  }
0xf: {  	[smem:$0x3FB2] =	sst s7  }
0x10: {  	[smem:$0x3FB3] =	sst s8  }
0x11: {  	[smem:$0x3FB4] =	sst s9;
	s0 =	simm.s32 @!p0 $0x0  }
0x12: {  	s1 =	sld [smem:$0x3F9A];
	s0 =	simm.s32 @p0 $0x1  }
0x13: {  	[smem:$0x3FB5] =	sst s0;
	s0 =	simm.s32 @!p1 $0x0  }
0x14: {  	s2 =	sld [smem:$0x3F99];
	s0 =	simm.s32 @p1 $0x1  }
0x15: {  	[smem:$0x3FB6] =	sst s0;
	s0 =	simm.s32 @!p2 $0x0  }
0x16: {  	s3 =	sld [smem:$0x3FDB];
	s0 =	simm.s32 @p2 $0x1  }
0x17: {  	s4 =	simm.s32 $0x1BF5;
	[smem:$0x3FB8] =	sst s0  }
0x18: {  	s0 =	sld [smem:$0x3F9B];
	_ =	swait.ge [sflag:s4], $0x0  }
0x19: {  	s7 =	sld [smem:$0x3F9C]  }
0x1a: {  	s8 =	sadd.s32 $0xFFFFE003, lr  }
0x1b: {  	s9 =	sadd.s32 $0xFFFFFEF7, lr;
	s5 =	simm.s32 $0xFFFFFFFF;
	p2 =	slt.u32 s8, $0xFFFFF086  }
0x1c: {  	p1 =	slt.u32 s9, $0xF7A;
	s5 =	simm.s32 @!p2 $0x0  }
0x1d: {  	s5 =	simm.s32 @p1 $0x1;
	p0 =	seq.s32 s7, s2  }
0x1e: {  	s7 =	smul.u32 @!p0 $0xF7A, s2;
	p2 =	seq.s32 @!p0 s5, $0x0  }
0x1f: {  	s9 =	smul.u32 $0xF7A, s1;
	s8 =	simm.s32 @!p0 $0x1BF5;
	p2 =	por !p2, p0  }
0x20: {  	[sflag:s8] =	ssyncset.s32 @!p0 $0xFFFFF086;
	s6 =	sadd.s32 @!p0 s3, s7;
	s7 =	simm.s32 @!p0 $0x108  }
0x21: {  	s3 =	sadd.s32 s3, s9;
	s6 =	sadd.s32 @!p0 $0x88, s6;
	s7 =	simm.s32 @p2 $0x1082  }
0x22: {  	[simem:s7], [sflag:s8] =	dma.local @!p0 [hbm:s6], $0xF7A  }
0x23: {  	s9 =	sor.u32 $0xD0000000, s2;
	s6 =	simm.s32 $0x108;
	_ =	swait.ge @!p0 [sflag:s8], $0x0  }
0x24: {  	s3 =	sadd.s32 $0x88, s3;
	s6 =	simm.s32 @!p1 $0x1082;
	[sflag:s4] =	ssyncset.s32 $0xFFFFF086  }
0x25: {  	[simem:s6], [sflag:s4] =	dma.local [hbm:s3], $0xF7A  }
0x26: {  	[smem:$0x3F9C] =	sst s1;
	(tag) =	ssettag s2;
	_ =	strace s9  }
0x27: {  	s1 =	sld [smem:$0x3FAC]  }
0x28: {  	s2 =	sld [smem:$0x3FAD]  }
0x29: {  	s4 =	sld [smem:$0x3FAF]  }
0x2a: {  	p0 =	seq.s32 s5, $0x0;
	s5 =	sld [smem:$0x3FB0]  }
0x2b: {  	s6 =	sld [smem:$0x3FB1]  }
0x2c: {  	s7 =	sld [smem:$0x3FB2]  }
0x2d: {  	s3 =	simm.s32 $0x108;
	s8 =	sld [smem:$0x3FB3]  }
0x2e: {  	s3 =	simm.s32 @!p0 $0x1082;
	s9 =	sld [smem:$0x3FB4]  }
0x2f: {  	lr =	sadd.s32 s0, s3;
	s0 =	sld [smem:$0x3FAB]  }
0x30: {  	s3 =	sld [smem:$0x3FAE]  }
0x31: {  	[smem:$0x3FB7] =	sst s10  }
0x32: {  	s10 =	sld [smem:$0x3FB5];
	_ =	sdelay $0x3  }
0x33: {  	p0 =	seq.s32 s10, $0x1;
	s10 =	sld [smem:$0x3FB7];
	_ =	sdelay $0x3  }
0x34: {  	[smem:$0x3FB7] =	sst s10  }
0x35: {  	s10 =	sld [smem:$0x3FB6];
	_ =	sdelay $0x3  }
0x36: {  	p1 =	seq.s32 s10, $0x1;
	s10 =	sld [smem:$0x3FB7];
	_ =	sdelay $0x3  }
0x37: {  	[smem:$0x3FB7] =	sst s10  }
0x38: {  	s10 =	sld [smem:$0x3FB8]  }
0x39: {  	_ = 	snop;
	(pc) =	sbr.ind lr, $3  }
0x3a: {  	_ = 	snop  }
0x3b: {  	_ = 	snop  }
0x3c: {  	p2 =	seq.s32 s10, $0x1;
	s10 =	sld [smem:$0x3FB7]  }
0x3d: {  	_ =	shalt  }
0x3e: {  	_ =	shalt  }
0x3f: {  	_ =	shalt  }
0x40: {  	_ =	shalt  }
0x41: {  	_ =	shalt  }
0x42: {  	_ =	shalt  }
0x43: {  	_ =	shalt  }
0x44: {  	_ =	shalt  }
0x45: {  	_ =	shalt  }
0x46: {  	_ =	shalt  }
0x47: {  	_ =	shalt  }
0x48: {  	_ =	shalt  }
0x49: {  	_ =	shalt  }
0x4a: {  	_ =	shalt  }
0x4b: {  	_ =	shalt  }
0x4c: {  	_ =	shalt  }
0x4d: {  	_ =	shalt  }
0x4e: {  	_ =	shalt  }
0x4f: {  	_ =	shalt  }
0x50: {  	_ =	shalt  }
0x51: {  	_ =	shalt  }
0x52: {  	_ =	shalt  }
0x53: {  	_ =	shalt  }
0x54: {  	_ =	shalt  }
0x55: {  	_ =	shalt  }
0x56: {  	_ =	shalt  }
0x57: {  	_ =	shalt  }
0x58: {  	_ =	shalt  }
0x59: {  	_ =	shalt  }
0x5a: {  	_ =	shalt  }
0x5b: {  	_ =	shalt  }
0x5c: {  	_ =	shalt  }
0x5d: {  	_ =	shalt  }
0x5e: {  	_ =	shalt  }
0x5f: {  	_ =	shalt  }
0x60: {  	_ =	shalt  }
0x61: {  	_ =	shalt  }
0x62: {  	_ =	shalt  }
0x63: {  	_ =	shalt  }
0x64: {  	_ =	shalt  }
0x65: {  	_ =	shalt  }
0x66: {  	_ =	shalt  }
0x67: {  	_ =	shalt  }
0x68: {  	_ =	shalt  }
0x69: {  	_ =	shalt  }
0x6a: {  	_ =	shalt  }
0x6b: {  	_ =	shalt  }
0x6c: {  	_ =	shalt  }
0x6d: {  	_ =	shalt  }
0x6e: {  	_ =	shalt  }
0x6f: {  	_ =	shalt  }
0x70: {  	_ =	shalt  }
0x71: {  	_ =	shalt  }
0x72: {  	_ =	shalt  }
0x73: {  	_ =	shalt  }
0x74: {  	_ =	shalt  }
0x75: {  	_ =	shalt  }
0x76: {  	_ =	shalt  }
0x77: {  	_ =	shalt  }
0x78: {  	_ =	shalt  }
0x79: {  	_ =	shalt  }
0x7a: {  	_ =	shalt  }
0x7b: {  	_ =	shalt  }
0x7c: {  	_ =	shalt  }
0x7d: {  	_ =	shalt  }
0x7e: {  	_ =	shalt  }
0x7f: {  	_ =	shalt  }
0x80: {  	_ =	shalt  }
0x81: {  	_ =	shalt  }
0x82: {  	_ =	shalt  }
0x83: {  	_ =	shalt  }
0x84: {  	_ =	shalt  }
0x85: {  	_ =	shalt  }
0x86: {  	_ =	shalt  }
0x87: {  	_ =	shalt  }
.Lfunc_end0:
.L_simem_size_0:
called_computation_lowered:
.L_overlay_start_0:
0x88: {  	s2 =	sld [smem:$0x3FD9]  }
0x89: {  	s3 =	sld [smem:$0x3FFE];
	_ =	sdelay $0x1  }
0x8a: {  	s1 =	srdreg.scid  }
0x8b: {  	s0 =	sand.u32 $0x1, s1  }
0x8c: {  	s14 =	sshll.u32 s0, $0xA;
	s2 =	sadd.s32 s3, s2  }
0x8d: {  	s2 =	sadd.s32 s2, s14  }
0x8e: {  	[smem:$0x3FC3] =	sst s2  }
0x8f: {  	_ = 	snop  }
0x90: {  	s2 =	sld [smem:$0x3FD0];
	_ =	sdelay $0x2  }
0x91: {  	s15 =	simm.s32 $0xA;
	s4 =	simm.s32 $0x10  }
0x92: {  	[smem:s4], [sflag:s15] =	dma.local [hbm:s2], $0x1  }
0x93: {  	_ =	swait.eq [sflag:s15], $0x1  }
0x94: {  	[sflag:s15] =	ssyncset.done $0x0  }
0x95: {  	[sflag:s15] =	ssyncadd.s32 $0xFFFFFFFF  }
0x96: {  	s16 =	sld [smem:$0x10];
	(tm) =	ssettm $0x1  }
0x97: {  	s17 =	sld [smem:$0x3FFB];
	_ =	sdelay $0x3  }
0x98: {  	_ =	strace s17  }
0x99: {  	s3 =	sld [smem:$0x3FFC];
	_ =	sdelay $0x3  }
0x9a: {  	_ =	strace s3  }
0x9b: {  	s3 =	sld [smem:$0x3FFD];
	_ =	sdelay $0x3  }
0x9c: {  	_ =	strace s3  }
0x9d: {  	_ =	strace $0x8FFFFFFF  }
0x9e: {  	s18 =	sld [smem:$0x3FDB];
	_ =	sdelay $0x1  }
0x9f: {  	s19 =	simm.s32 $_scs_section_size  }
0xa0: {  	s5 =	simm.s32 $_size__tile_overlayer_lowered;
	s6 =	simm.s32 $_tile_overlayer_lowered  }
0xa1: {  	s22 =	simm.s32 $0x1BFF;
	s21 =	sshll.u32 s6, $0x1;
	s3 =	sadd.s32 s19, s18  }
0xa2: {  	s7 =	simm.s32 $0x0;
	s20 =	sshll.u32 s5, $0x1;
	s5 =	sadd.s32 s21, s3  }
0xa3: {  	[timem:s7], [sflag:s22] =	dma.local [hbm:s5], s20  }
0xa4: {  	_ =	swait.ge [sflag:s22], s20  }
0xa5: {  	s4 =	ssub.s32 $0x0, s20;
	[sflag:s22] =	ssyncset.done $0x0  }
0xa6: {  	[sflag:s22] =	ssyncadd.s32 s4;
	_ =	sdelay $0x1  }
0xa7: {  	s23 =	simm.s32 $0x1B8B  }
0xa8: {  	_ =	swait.ge [sflag:s23], $0x1  }
0xa9: {  	[sflag:s23] =	ssyncset.done $0x0  }
0xaa: {  	s25 =	simm.s32 $0x1B8E;
	s24 =	sld [smem:$0x3FFE];
	[sflag:s23] =	ssyncadd.s32 $0xFFFFFFFF  }
0xab: {  	s26 =	simm.s32 $execute0_lowered;
	[smem:$0x3FD2] =	sst s25  }
0xac: {  	s5 =	sshll.u32 s26, $0x1;
	_ =	strace $0x80000046;
	[dreg:$0x1] =	wrdreg $0xFFFFFFFF  }
0xad: {  	s28 =	simm.s32 $_size_execute0_lowered;
	s3 =	sadd.s32 s3, s5;
	[dreg:$0x0] =	wrdreg $0x0  }
0xae: {  	s5 =	sshll.u32 s28, $0x1;
	[dreg:$0x2] =	wrdreg s3  }
0xaf: {  	[dreg:$0x3] =	wrdreg s5  }
0xb0: {  	[dreg:$0x4] =	wrdreg $0xC0  }
0xb1: {  	_ =	task [dreg:s7], $0x5FFFF  }
0xb2: {  	[dreg:$0x1] =	wrdreg $0xFFFFFFFF  }
0xb3: {  	[dreg:$0x0] =	wrdreg $0x60  }
0xb4: {  	[dreg:$0x2] =	wrdreg s24  }
0xb5: {  	[dreg:$0x3] =	wrdreg s16  }
0xb6: {  	[dreg:$0x4] =	wrdreg $0x9  }
0xb7: {  	_ =	task.clear_ibuf [dreg:s7], $0x5FFFF;
	_ =	strace $0x90000046  }
0xb8: {  	s29 =	simm.s32 $0x9;
	_ =	strace $0x80000048  }
0xb9: {  	_ =	swait.ge [sflag:s29], $0x1  }
0xba: {  	[sflag:s29] =	ssyncadd.s32 $0xFFFFFFFF  }
0xbb: {  	_ =	strace $0x90000048  }
0xbc: {  	_ =	sfence  }
0xbd: {  	s30 =	sld [smem:$0x0];
	_ =	sdelay $0x2  }
0xbe: {  	s31 =	sshll.u32 s1, $0xD;
	s1 =	sshrl.u32 s1, $0x2  }
0xbf: {  	s3 =	sand.u32 $0x4000, s31;
	s1 =	sadd.s32 s1, s30  }
0xc0: {  	s0 =	sor.u32 s3, s0;
	s1 =	sshll.u32 s1, $0x11  }
0xc1: {  	s0 =	sor.u32 s1, s0  }
0xc2: {  	s0 =	sadd.s32 $0x8F2B, s0  }
0xc3: {  	[sflag:s0] =	ssyncadd.remote.s32 $0x1  }
0xc4: {  	_ =	sfence.sel $0xFFFF  }
0xc5: {  	[dreg:$0x0] =	wrdreg $0xFFFFFFFF;
	(pc) =	sbr.abs _section_cstart, $3  }
0xc6: {  	[dreg:$0x1] =	wrdreg $0xFFFFFFFF  }
0xc7: {  	_ =	task.clear_ibuf [dreg:s7], $0x2FFFF;
	_ =	strace $0x9FFFFFFF  }
0xc8: {  	(tm) =	ssettm $0x7FFFFFFF  }
0xc9: {  	_ =	shalt  }
tec
execute0_lowered:
.L_overlay_start_1:
0x0: {  	(tag) =	ssettag $0x1  }
0x1: {  	s1 =	rddreg [dreg:$0x0]  }
0x2: {  	s2 =	rddreg [dreg:$0x1];
	s3 =	srdreg.scid  }
0x3: {  	s0 =	rddreg [dreg:$0x2];
	s4 =	simm.s32 $0x0;
	s10 =	simm.s32 $0x80  }
0x4: {  	s11 =	simm.s32 $0x1;
	s12 =	simm.s32 $0x4080;
	s13 =	simm.s32 $0x4280  }
0x5: {  	s14 =	simm.s32 $0x0;
	s6 =	sand.u32 $0x1, s3;
	[smem:$0x7FF] =	sst s4  }
0x6: {  	s3 =	stileid.u32;
	s5 =	sadd.s32 $0xC3600, s1;
	s7 =	ssub.s32 $0x2, s6  }
0x7: {  	_ =	strace $0x80000047;
	s9 =	sshll.u32 s3, $0x1;
	s8 =	sshrl.u32 s7, $0x1  }
0x8: {  	s31 =	sor.u32 s6, s9;
	s6 =	sadd.s32 $0xF4600, s1;
	s8 =	ssub.s32 s7, s8  }
0x9: {  	s9 =	simm.s32 $0x2;
	s7 =	smul.u32 $0x188, s31;
	s8 =	smax.u32 s8, $0x1  }
.LBB2_1:
0xa: {  	s15 =	simm.s32 $0x0  }
.LBB2_2:
0xb: {  	s16 =	sshll.u32 s15, $0x2  }
0xc: {  	s16 =	sadd.s32 s7, s16  }
0xd: {  	s17 =	sshll.u32 s16, $0x2  }
0xe: {  	s18 =	simm.s32 $0x0;
	s17 =	sadd.s32 s2, s17  }
0xf: {  	[tilespmem:s18], [sflag:$0x2] =	stream.linear.gather [hbm4b:s17+s18], $0x80, $0x38;
	[tilespmem:$0x4480] =	vst v63  }
0x10: {  	_ =	swait.ge [sflag:s9], $0x80  }
0x11: {  	[sflag:s9] =	ssyncset.done $0x0  }
0x12: {  	[sflag:s9] =	ssyncadd.s32 $0xFFFFFF80  }
0x13: {  	[tilespmem:s10], [sflag:$0x1] =	stream.indirect.gather [hbm4b:s1+s10], $0x80, s18, s10, $0xb8;
	[tilespmem:$0x4480] =	vst v63  }
0x14: {  	_ =	swait.ge [sflag:s11], $0x4000  }
0x15: {  	s16 =	sshll.u32 s16, $0x4;
	[sflag:s11] =	ssyncset.done $0x0  }
0x16: {  	s31 =	sadd.s32 s5, s16;
	[sflag:s11] =	ssyncadd.s32 $0xFFFFC000  }
0x17: {  	[tilespmem:s12], [sflag:$0x2] =	stream.linear.gather [hbm4b:s31+s18], $0x200, $0x38;
	[tilespmem:$0x4480] =	vst v63  }
0x18: {  	_ =	swait.ge [sflag:s9], $0x200  }
0x19: {  	[sflag:s9] =	ssyncset.done $0x0  }
0x1a: {  	s19 =	simm.s32 $0x0;
	[sflag:s9] =	ssyncadd.s32 $0xFFFFFE00  }
0x1b: {  	v0 =	vld [tilespmem:s19+$0xF0]  }
0x1c: {  	v1 =	vld [tilespmem:s19+$0x80]  }
0x1d: {  	v4 =	vld [tilespmem:s19+$0x90]  }
0x1e: {  	v7 =	vld [tilespmem:s19+$0xA0]  }
0x1f: {  	v8 =	vld [tilespmem:s19+$0xB0]  }
0x20: {  	v2 =	vimm.f32 $-Inf;
	v5 =	vimm.f32 $-Inf;
	v9 =	vld [tilespmem:s19+$0xC0]  }
0x21: {  	v10 =	vimm.f32 $-Inf;
	v6 =	vimm.f32 $-Inf;
	v11 =	vld [tilespmem:s19+$0xD0];
	v0 =	vmax.f32 v2, v0  }
0x22: {  	s17 =	simm.s32 $0x80;
	s18 =	simm.s32 $0x400;
	v12 =	vld [tilespmem:s19+$0xE0];
	v3 =	vmax.f32 v2, v1;
	v1 =	vmax.f32 v2, v4;
	v4 =	vimm.f32 $-Inf  }
.LBB2_3:
0x23: {  	p0 =	sne.s32 s18, $0x3E00;
	v13 =	vld [tilespmem:s17+$0xF0];
	v2 =	vmax.f32 v2, v7  }
0x24: {  	v14 =	vld [tilespmem:s17+$0x80];
	v5 =	vmax.f32 v5, v8  }
0x25: {  	v15 =	vld [tilespmem:s17+$0x90];
	v10 =	vmax.f32 v10, v9  }
.Ltmp0:
0x26: {  	v7 =	vld [tilespmem:s17+$0xA0];
	v6 =	vmax.f32 v6, v11;
	(pc) =	sbr.rel @p0 .LBB2_3-.Ltmp0, $4  }
0x27: {  	v8 =	vld [tilespmem:s17+$0xB0];
	v4 =	vmax.f32 v4, v12  }
0x28: {  	v9 =	vld [tilespmem:s17+$0xC0];
	v0 =	vmax.f32 v0, v13  }
0x29: {  	v3 =	vmax.f32 v3, v14;
	v11 =	vld [tilespmem:s17+$0xD0]  }
0x2a: {  	v1 =	vmax.f32 v1, v15;
	v12 =	vld [tilespmem:s17+$0xE0];
	s17 =	sshra.s32 s18, $0x2;
	s18 =	sadd.s32 $0x200, s18  }
0x2b: {  	v13 =	vld [tilespmem:s17+$0xF0]  }
0x2c: {  	v14 =	vld [tilespmem:s17+$0x80]  }
0x2d: {  	v15 =	vld [tilespmem:s17+$0x90]  }
0x2e: {  	v16 =	vld [tilespmem:s17+$0xA0]  }
0x2f: {  	v17 =	vld [tilespmem:s17+$0xB0]  }
0x30: {  	v18 =	vld [tilespmem:s17+$0xC0]  }
0x31: {  	v19 =	vld [tilespmem:s17+$0xD0]  }
0x32: {  	v20 =	vld [tilespmem:s17+$0xE0]  }
0x33: {  	v21 =	vld [tilespmem:$0x4080]  }
0x34: {  	v22 =	vld [tilespmem:$0x4090]  }
0x35: {  	v23 =	vld [tilespmem:$0x40A0]  }
0x36: {  	v2 =	vmax.f32 v2, v7;
	v7 =	vld [tilespmem:$0x40B0]  }
0x37: {  	v5 =	vmax.f32 v5, v8;
	v4 =	vmax.f32 v4, v12;
	v12 =	vld [tilespmem:$0x40F0];
	v3 =	vmax.f32 v3, v14  }
0x38: {  	v8 =	vmax.f32 v10, v9;
	v9 =	vld [tilespmem:$0x40C0];
	v1 =	vmax.f32 v1, v15;
	v3 =	vadd.f32 v21, v3  }
0x39: {  	v10 =	vld [tilespmem:$0x40D0];
	v6 =	vmax.f32 v6, v11;
	v2 =	vmax.f32 v2, v16;
	v1 =	vadd.f32 v22, v1  }
0x3a: {  	v11 =	vld [tilespmem:$0x40E0];
	v5 =	vmax.f32 v5, v17;
	v2 =	vadd.f32 v23, v2;
	v3 =	vmax.f32 v3, $0.0e+00  }
0x3b: {  	v0 =	vmax.f32 v0, v13;
	v1 =	vmax.f32 v1, $0.0e+00;
	[tilespmem:$0x4280] =	vst v3;
	v3 =	vadd.f32 v7, v5  }
0x3c: {  	v8 =	vmax.f32 v8, v18;
	[tilespmem:$0x4290] =	vst v1;
	v1 =	vmax.f32 v2, $0.0e+00;
	v0 =	vadd.f32 v12, v0  }
0x3d: {  	v5 =	vmax.f32 v6, v19;
	v2 =	vadd.f32 v9, v8;
	[tilespmem:$0x42A0] =	vst v1;
	v1 =	vmax.f32 v3, $0.0e+00  }
0x3e: {  	v4 =	vmax.f32 v4, v20;
	v3 =	vadd.f32 v10, v5;
	v0 =	vmax.f32 v0, $0.0e+00;
	[tilespmem:$0x42B0] =	vst v1  }
0x3f: {  	v1 =	vmax.f32 v2, $0.0e+00;
	v2 =	vadd.f32 v11, v4;
	[tilespmem:$0x42F0] =	vst v0  }
0x40: {  	[tilespmem:$0x42C0] =	vst v1;
	v1 =	vmax.f32 v3, $0.0e+00  }
0x41: {  	[tilespmem:$0x42D0] =	vst v1;
	v1 =	vmax.f32 v2, $0.0e+00  }
0x42: {  	s19 =	simm.s32 $0x0;
	[tilespmem:$0x42E0] =	vst v1  }
0x43: {  	v0 =	vld [tilespmem:s19+$0x10F0]  }
0x44: {  	v1 =	vld [tilespmem:s19+$0x1080]  }
0x45: {  	v4 =	vld [tilespmem:s19+$0x1090]  }
0x46: {  	v7 =	vld [tilespmem:s19+$0x10A0]  }
0x47: {  	v8 =	vld [tilespmem:s19+$0x10B0]  }
0x48: {  	v6 =	vimm.f32 $-Inf;
	v2 =	vimm.f32 $-Inf;
	v9 =	vld [tilespmem:s19+$0x10C0]  }
0x49: {  	v5 =	vimm.f32 $-Inf;
	v10 =	vimm.f32 $-Inf;
	v11 =	vld [tilespmem:s19+$0x10D0];
	v0 =	vmax.f32 v2, v0  }
0x4a: {  	s17 =	simm.s32 $0x80;
	s18 =	simm.s32 $0x400;
	v12 =	vld [tilespmem:s19+$0x10E0];
	v3 =	vmax.f32 v2, v1;
	v1 =	vmax.f32 v2, v4;
	v4 =	vimm.f32 $-Inf  }
.LBB2_5:
0x4b: {  	p0 =	sne.s32 s18, $0x3E00;
	v13 =	vld [tilespmem:s17+$0x10F0];
	v2 =	vmax.f32 v2, v7  }
0x4c: {  	v14 =	vld [tilespmem:s17+$0x1080];
	v5 =	vmax.f32 v5, v8  }
0x4d: {  	v15 =	vld [tilespmem:s17+$0x1090];
	v10 =	vmax.f32 v10, v9  }
.Ltmp1:
0x4e: {  	v7 =	vld [tilespmem:s17+$0x10A0];
	v6 =	vmax.f32 v6, v11;
	(pc) =	sbr.rel @p0 .LBB2_5-.Ltmp1, $4  }
0x4f: {  	v8 =	vld [tilespmem:s17+$0x10B0];
	v4 =	vmax.f32 v4, v12  }
0x50: {  	v9 =	vld [tilespmem:s17+$0x10C0];
	v0 =	vmax.f32 v0, v13  }
0x51: {  	v3 =	vmax.f32 v3, v14;
	v11 =	vld [tilespmem:s17+$0x10D0]  }
0x52: {  	v1 =	vmax.f32 v1, v15;
	v12 =	vld [tilespmem:s17+$0x10E0];
	s17 =	sshra.s32 s18, $0x2;
	s18 =	sadd.s32 $0x200, s18  }
0x53: {  	v13 =	vld [tilespmem:s17+$0x10F0]  }
0x54: {  	v14 =	vld [tilespmem:s17+$0x1080]  }
0x55: {  	v15 =	vld [tilespmem:s17+$0x1090]  }
0x56: {  	v16 =	vld [tilespmem:s17+$0x10A0]  }
0x57: {  	v17 =	vld [tilespmem:s17+$0x10B0]  }
0x58: {  	v18 =	vld [tilespmem:s17+$0x10C0]  }
0x59: {  	v19 =	vld [tilespmem:s17+$0x10D0]  }
0x5a: {  	v20 =	vld [tilespmem:s17+$0x10E0]  }
0x5b: {  	v21 =	vld [tilespmem:$0x4100]  }
0x5c: {  	v22 =	vld [tilespmem:$0x4110]  }
0x5d: {  	v23 =	vld [tilespmem:$0x4120]  }
0x5e: {  	v2 =	vmax.f32 v2, v7;
	v7 =	vld [tilespmem:$0x4130]  }
0x5f: {  	v5 =	vmax.f32 v5, v8;
	v4 =	vmax.f32 v4, v12;
	v12 =	vld [tilespmem:$0x4170];
	v3 =	vmax.f32 v3, v14  }
0x60: {  	v8 =	vmax.f32 v10, v9;
	v9 =	vld [tilespmem:$0x4140];
	v1 =	vmax.f32 v1, v15;
	v3 =	vadd.f32 v21, v3  }
0x61: {  	v10 =	vld [tilespmem:$0x4150];
	v6 =	vmax.f32 v6, v11;
	v2 =	vmax.f32 v2, v16;
	v1 =	vadd.f32 v22, v1  }
0x62: {  	v11 =	vld [tilespmem:$0x4160];
	v5 =	vmax.f32 v5, v17;
	v2 =	vadd.f32 v23, v2;
	v3 =	vmax.f32 v3, $0.0e+00  }
0x63: {  	v0 =	vmax.f32 v0, v13;
	v1 =	vmax.f32 v1, $0.0e+00;
	[tilespmem:$0x4300] =	vst v3;
	v3 =	vadd.f32 v7, v5  }
0x64: {  	v8 =	vmax.f32 v8, v18;
	[tilespmem:$0x4310] =	vst v1;
	v1 =	vmax.f32 v2, $0.0e+00;
	v0 =	vadd.f32 v12, v0  }
0x65: {  	v5 =	vmax.f32 v6, v19;
	v2 =	vadd.f32 v9, v8;
	[tilespmem:$0x4320] =	vst v1;
	v1 =	vmax.f32 v3, $0.0e+00  }
0x66: {  	v4 =	vmax.f32 v4, v20;
	v3 =	vadd.f32 v10, v5;
	v0 =	vmax.f32 v0, $0.0e+00;
	[tilespmem:$0x4330] =	vst v1  }
0x67: {  	v1 =	vmax.f32 v2, $0.0e+00;
	v2 =	vadd.f32 v11, v4;
	[tilespmem:$0x4370] =	vst v0  }
0x68: {  	[tilespmem:$0x4340] =	vst v1;
	v1 =	vmax.f32 v3, $0.0e+00  }
0x69: {  	[tilespmem:$0x4350] =	vst v1;
	v1 =	vmax.f32 v2, $0.0e+00  }
0x6a: {  	s19 =	simm.s32 $0x0;
	[tilespmem:$0x4360] =	vst v1  }
0x6b: {  	v0 =	vld [tilespmem:s19+$0x20F0]  }
0x6c: {  	v1 =	vld [tilespmem:s19+$0x2080]  }
0x6d: {  	v4 =	vld [tilespmem:s19+$0x2090]  }
0x6e: {  	v7 =	vld [tilespmem:s19+$0x20A0]  }
0x6f: {  	v8 =	vld [tilespmem:s19+$0x20B0]  }
0x70: {  	v6 =	vimm.f32 $-Inf;
	v2 =	vimm.f32 $-Inf;
	v9 =	vld [tilespmem:s19+$0x20C0]  }
0x71: {  	v5 =	vimm.f32 $-Inf;
	v10 =	vimm.f32 $-Inf;
	v11 =	vld [tilespmem:s19+$0x20D0];
	v0 =	vmax.f32 v2, v0  }
0x72: {  	s17 =	simm.s32 $0x80;
	s18 =	simm.s32 $0x400;
	v12 =	vld [tilespmem:s19+$0x20E0];
	v3 =	vmax.f32 v2, v1;
	v1 =	vmax.f32 v2, v4;
	v4 =	vimm.f32 $-Inf  }
.LBB2_7:
0x73: {  	p0 =	sne.s32 s18, $0x3E00;
	v13 =	vld [tilespmem:s17+$0x20F0];
	v2 =	vmax.f32 v2, v7  }
0x74: {  	v14 =	vld [tilespmem:s17+$0x2080];
	v5 =	vmax.f32 v5, v8  }
0x75: {  	v15 =	vld [tilespmem:s17+$0x2090];
	v10 =	vmax.f32 v10, v9  }
.Ltmp2:
0x76: {  	v7 =	vld [tilespmem:s17+$0x20A0];
	v6 =	vmax.f32 v6, v11;
	(pc) =	sbr.rel @p0 .LBB2_7-.Ltmp2, $4  }
0x77: {  	v8 =	vld [tilespmem:s17+$0x20B0];
	v4 =	vmax.f32 v4, v12  }
0x78: {  	v9 =	vld [tilespmem:s17+$0x20C0];
	v0 =	vmax.f32 v0, v13  }
0x79: {  	v3 =	vmax.f32 v3, v14;
	v11 =	vld [tilespmem:s17+$0x20D0]  }
0x7a: {  	v1 =	vmax.f32 v1, v15;
	v12 =	vld [tilespmem:s17+$0x20E0];
	s17 =	sshra.s32 s18, $0x2;
	s18 =	sadd.s32 $0x200, s18  }
0x7b: {  	v13 =	vld [tilespmem:s17+$0x20F0]  }
0x7c: {  	v14 =	vld [tilespmem:s17+$0x2080]  }
0x7d: {  	v15 =	vld [tilespmem:s17+$0x2090]  }
0x7e: {  	v16 =	vld [tilespmem:s17+$0x20A0]  }
0x7f: {  	v17 =	vld [tilespmem:s17+$0x20B0]  }
0x80: {  	v18 =	vld [tilespmem:s17+$0x20C0]  }
0x81: {  	v19 =	vld [tilespmem:s17+$0x20D0]  }
0x82: {  	v20 =	vld [tilespmem:s17+$0x20E0]  }
0x83: {  	v21 =	vld [tilespmem:$0x4180]  }
0x84: {  	v22 =	vld [tilespmem:$0x4190]  }
0x85: {  	v23 =	vld [tilespmem:$0x41A0]  }
0x86: {  	v2 =	vmax.f32 v2, v7;
	v7 =	vld [tilespmem:$0x41B0]  }
0x87: {  	v5 =	vmax.f32 v5, v8;
	v4 =	vmax.f32 v4, v12;
	v12 =	vld [tilespmem:$0x41F0];
	v3 =	vmax.f32 v3, v14  }
0x88: {  	v8 =	vmax.f32 v10, v9;
	v9 =	vld [tilespmem:$0x41C0];
	v1 =	vmax.f32 v1, v15;
	v3 =	vadd.f32 v21, v3  }
0x89: {  	v10 =	vld [tilespmem:$0x41D0];
	v6 =	vmax.f32 v6, v11;
	v2 =	vmax.f32 v2, v16;
	v1 =	vadd.f32 v22, v1  }
0x8a: {  	v11 =	vld [tilespmem:$0x41E0];
	v5 =	vmax.f32 v5, v17;
	v2 =	vadd.f32 v23, v2;
	v3 =	vmax.f32 v3, $0.0e+00  }
0x8b: {  	v0 =	vmax.f32 v0, v13;
	v1 =	vmax.f32 v1, $0.0e+00;
	[tilespmem:$0x4380] =	vst v3;
	v3 =	vadd.f32 v7, v5  }
0x8c: {  	v8 =	vmax.f32 v8, v18;
	[tilespmem:$0x4390] =	vst v1;
	v1 =	vmax.f32 v2, $0.0e+00;
	v0 =	vadd.f32 v12, v0  }
0x8d: {  	v5 =	vmax.f32 v6, v19;
	v2 =	vadd.f32 v9, v8;
	[tilespmem:$0x43A0] =	vst v1;
	v1 =	vmax.f32 v3, $0.0e+00  }
0x8e: {  	v4 =	vmax.f32 v4, v20;
	v3 =	vadd.f32 v10, v5;
	v0 =	vmax.f32 v0, $0.0e+00;
	[tilespmem:$0x43B0] =	vst v1  }
0x8f: {  	v1 =	vmax.f32 v2, $0.0e+00;
	v2 =	vadd.f32 v11, v4;
	[tilespmem:$0x43F0] =	vst v0  }
0x90: {  	[tilespmem:$0x43C0] =	vst v1;
	v1 =	vmax.f32 v3, $0.0e+00  }
0x91: {  	[tilespmem:$0x43D0] =	vst v1;
	v1 =	vmax.f32 v2, $0.0e+00  }
0x92: {  	s19 =	simm.s32 $0x0;
	[tilespmem:$0x43E0] =	vst v1  }
0x93: {  	v0 =	vld [tilespmem:s19+$0x30F0]  }
0x94: {  	v1 =	vld [tilespmem:s19+$0x3080]  }
0x95: {  	v4 =	vld [tilespmem:s19+$0x3090]  }
0x96: {  	v7 =	vld [tilespmem:s19+$0x30A0]  }
0x97: {  	v8 =	vld [tilespmem:s19+$0x30B0]  }
0x98: {  	v6 =	vimm.f32 $-Inf;
	v2 =	vimm.f32 $-Inf;
	v9 =	vld [tilespmem:s19+$0x30C0]  }
0x99: {  	v5 =	vimm.f32 $-Inf;
	v10 =	vimm.f32 $-Inf;
	v11 =	vld [tilespmem:s19+$0x30D0];
	v0 =	vmax.f32 v2, v0  }
0x9a: {  	s17 =	simm.s32 $0x80;
	s18 =	simm.s32 $0x400;
	v12 =	vld [tilespmem:s19+$0x30E0];
	v3 =	vmax.f32 v2, v1;
	v1 =	vmax.f32 v2, v4;
	v4 =	vimm.f32 $-Inf  }
.LBB2_9:
0x9b: {  	p0 =	sne.s32 s18, $0x3E00;
	v13 =	vld [tilespmem:s17+$0x30F0];
	v2 =	vmax.f32 v2, v7  }
0x9c: {  	v14 =	vld [tilespmem:s17+$0x3080];
	v5 =	vmax.f32 v5, v8  }
0x9d: {  	v15 =	vld [tilespmem:s17+$0x3090];
	v10 =	vmax.f32 v10, v9  }
.Ltmp3:
0x9e: {  	v7 =	vld [tilespmem:s17+$0x30A0];
	v6 =	vmax.f32 v6, v11;
	(pc) =	sbr.rel @p0 .LBB2_9-.Ltmp3, $4  }
0x9f: {  	v8 =	vld [tilespmem:s17+$0x30B0];
	v4 =	vmax.f32 v4, v12  }
0xa0: {  	v9 =	vld [tilespmem:s17+$0x30C0];
	v0 =	vmax.f32 v0, v13  }
0xa1: {  	v3 =	vmax.f32 v3, v14;
	v11 =	vld [tilespmem:s17+$0x30D0]  }
0xa2: {  	v1 =	vmax.f32 v1, v15;
	v12 =	vld [tilespmem:s17+$0x30E0];
	s17 =	sshra.s32 s18, $0x2;
	s18 =	sadd.s32 $0x200, s18  }
0xa3: {  	v13 =	vld [tilespmem:s17+$0x30F0]  }
0xa4: {  	v14 =	vld [tilespmem:s17+$0x3080]  }
0xa5: {  	v15 =	vld [tilespmem:s17+$0x3090]  }
0xa6: {  	v16 =	vld [tilespmem:s17+$0x30A0]  }
0xa7: {  	v17 =	vld [tilespmem:s17+$0x30B0]  }
0xa8: {  	v18 =	vld [tilespmem:s17+$0x30C0]  }
0xa9: {  	v19 =	vld [tilespmem:s17+$0x30D0]  }
0xaa: {  	v20 =	vld [tilespmem:s17+$0x30E0]  }
0xab: {  	v21 =	vld [tilespmem:$0x4200]  }
0xac: {  	v22 =	vld [tilespmem:$0x4210]  }
0xad: {  	v23 =	vld [tilespmem:$0x4220]  }
0xae: {  	v2 =	vmax.f32 v2, v7;
	v48 =	vld [tilespmem:$0x4230]  }
0xaf: {  	v50 =	vld [tilespmem:$0x4240];
	v5 =	vmax.f32 v5, v8;
	v49 =	vmax.f32 v10, v9;
	v3 =	vmax.f32 v3, v14  }
0xb0: {  	v51 =	vld [tilespmem:$0x4250];
	v6 =	vmax.f32 v6, v11;
	v1 =	vmax.f32 v1, v15;
	v3 =	vadd.f32 v21, v3  }
0xb1: {  	v52 =	vld [tilespmem:$0x4260];
	v4 =	vmax.f32 v4, v12;
	v2 =	vmax.f32 v2, v16;
	v1 =	vadd.f32 v22, v1  }
0xb2: {  	v53 =	vld [tilespmem:$0x4270];
	v5 =	vmax.f32 v5, v17;
	v2 =	vadd.f32 v23, v2;
	v3 =	vmax.f32 v3, $0.0e+00  }
0xb3: {  	v8 =	vmax.f32 v49, v18;
	v54 =	vadd.f32 v48, v5;
	v1 =	vmax.f32 v1, $0.0e+00;
	[tilespmem:$0x4400] =	vst v3  }
0xb4: {  	v55 =	vmax.f32 v6, v19;
	v57 =	vadd.f32 v50, v8;
	v56 =	vmax.f32 v2, $0.0e+00;
	[tilespmem:$0x4410] =	vst v1  }
0xb5: {  	v4 =	vmax.f32 v4, v20;
	v59 =	vadd.f32 v51, v55;
	v58 =	vmax.f32 v54, $0.0e+00;
	[tilespmem:$0x4420] =	vst v56  }
0xb6: {  	v0 =	vmax.f32 v0, v13;
	v61 =	vadd.f32 v52, v4;
	v60 =	vmax.f32 v57, $0.0e+00;
	[tilespmem:$0x4430] =	vst v58  }
0xb7: {  	v0 =	vadd.f32 v53, v0;
	v62 =	vmax.f32 v59, $0.0e+00;
	[tilespmem:$0x4440] =	vst v60  }
0xb8: {  	s15 =	sadd.s32 $0x1, s15;
	v63 =	vmax.f32 v61, $0.0e+00;
	[tilespmem:$0x4450] =	vst v62  }
0xb9: {  	p0 =	sne.s32 s15, $0x62;
	v0 =	vmax.f32 v0, $0.0e+00;
	[tilespmem:$0x4460] =	vst v63  }
.Ltmp4:
0xba: {  	s16 =	sadd.s32 s6, s16;
	[tilespmem:$0x4470] =	vst v0;
	(pc) =	sbr.rel @p0 .LBB2_2-.Ltmp4, $4  }
0xbb: {  	[hbm4b:s16+s4] =	stream.linear.scatter [tilespmem:s13], [sflag:$0x2], $0x200, $0x38;
	[tilespmem:$0x4480] =	vst v63  }
0xbc: {  	_ =	swait.ge [sflag:s9], $0x200  }
0xbd: {  	[sflag:s9] =	ssyncset.done $0x0  }
0xbe: {  	[sflag:s9] =	ssyncadd.s32 $0xFFFFFE00  }
0xbf: {  	s14 =	sadd.s32 $0x1, s14  }
0xc0: {  	p0 =	sne.s32 s14, s8  }
.Ltmp5:
0xc1: {  	_ = 	snop;
	(pc) =	sbr.rel @p0 .LBB2_1-.Ltmp5, $1  }
0xc2: {  	_ =	sdelay $0x3  }
0xc3: {  	_ =	sfence.sel $0x180000  }
0xc4: {  	[bflag:$0x0] =	sbarrier.arrive $0xFFFF  }
0xc5: {  	p0 =	sne.s32 s3, $0x0;
	_ =	strace $0x90000047  }
0xc6: {  	s0 =	sadd.s32 @!p0 $0x100000, s0;
	[bflag:$0x2] =	sbarrier.arrive $0xFFFF  }
0xc7: {  	[sflag:s0] =	ssyncadd.tile.s32 @!p0 $0x1;
	_ =	shalt  }
.Lfunc_end2:
_tile_overlayer_lowered:
.L_overlay_start_2:
0xc8: {  	(tag) =	ssettag $0x2  }
0xc9: {  	s0 =	rddreg [dreg:$0x0];
	s2 =	stileid.u32  }
0xca: {  	s1 =	rddreg [dreg:$0x1];
	p0 =	sne.s32 s2, $0x0  }
0xcb: {  	s3 =	rddreg [dreg:$0x2];
	[bflag:$0x3] =	sbarrier.arrive $0xFFFF;
	s2 =	simm.s32 @!p0 $0x1C02  }
0xcc: {  	[timem:s3], [sflag:s2] =	dma.local @!p0 [hbm:s0], s1  }
0xcd: {  	s0 =	simm.s32 @!p0 $0x2  }
0xce: {  	_ =	swait.ge @!p0 [sflag:s0], s1  }
0xcf: {  	s1 =	ssub.s32 @!p0 $0x0, s1;
	[sflag:s0] =	ssyncset.done @!p0 $0x0  }
0xd0: {  	[sflag:s0] =	ssyncadd.s32 @!p0 s1  }
0xd1: {  	[bflag:$0x3] =	sbarrier.arrive $0xFFFF  }
0xd2: {  	_ =	shalt  }

</sc_bundles>
